<compile_context>
chip_gen: v7x
topology: tpu7x:2x2x1
jax: 0.10.2.dev20260603
libtpu: 0.0.44.dev20260713+nightly
codegen_flags: <defaults>
</compile_context>

<pallas_src>
import functools

import jax
import jax.numpy as jnp
from jax import lax
from jax.experimental import pallas as pl
from jax.experimental.pallas import tpu as pltpu
from jax.experimental.pallas import tpu_sc as plsc

B = 1024
L = 50
V = 1000
D = 128
R = 5
A = L - 2 * (R // 2)
LP = 56
TP = 48
NC = 2
NS = 16
NW = NC * NS
ROWS_PER_W = B // NW
NLANES = 16


def _sc_region_embed(ids_pad, trim_pad, word_table, context_table):
    mesh = plsc.VectorSubcoreMesh(core_axis_name="c", subcore_axis_name="s")

    @functools.partial(
        pl.kernel,
        mesh=mesh,
        out_type=jax.ShapeDtypeStruct((B, A, D), jnp.float32),
        scratch_types=[
            pltpu.VMEM((ROWS_PER_W, LP), jnp.int32),
            pltpu.VMEM((ROWS_PER_W, TP), jnp.int32),
            pltpu.VMEM((LP, D), jnp.float32),
            pltpu.VMEM((TP, R * D), jnp.float32),
            pltpu.VMEM((LP, D), jnp.float32),
            pltpu.VMEM((TP, R * D), jnp.float32),
            pltpu.VMEM((A, D), jnp.float32),
            pltpu.VMEM((A, D), jnp.float32),
            pltpu.SemaphoreType.DMA,
            pltpu.SemaphoreType.DMA,
            pltpu.SemaphoreType.DMA,
            pltpu.SemaphoreType.DMA,
        ],
    )
    def sc_kernel(ids_hbm, trim_hbm, word_hbm, ctx_hbm, out_hbm,
                  ids_all, trim_all, w0, c0, w1, c1, o0, o1,
                  sem_g0, sem_g1, sem_o0, sem_o1):
        wid = lax.axis_index("s") * NC + lax.axis_index("c")
        base = wid * ROWS_PER_W
        pltpu.sync_copy(ids_hbm.at[pl.ds(base, ROWS_PER_W)], ids_all)
        pltpu.sync_copy(trim_hbm.at[pl.ds(base, ROWS_PER_W)], trim_all)

        def issue(i, wbuf, cbuf, sem):
            pltpu.async_copy(word_hbm.at[ids_all.at[i]], wbuf, sem)
            pltpu.async_copy(ctx_hbm.at[trim_all.at[i]], cbuf, sem)

        def wait_gathers(i, wbuf, cbuf, sem):
            pltpu.make_async_copy(word_hbm.at[ids_all.at[i]], wbuf, sem).wait()
            pltpu.make_async_copy(ctx_hbm.at[trim_all.at[i]], cbuf, sem).wait()

        def compute(wbuf, cbuf, obuf):
            @plsc.parallel_loop(0, A)
            def _(a):
                for ch in range(D // NLANES):
                    off = ch * NLANES
                    acc = wbuf[a, pl.ds(off, NLANES)] * cbuf[a, pl.ds(off, NLANES)]
                    for r in range(1, R):
                        acc = jnp.maximum(
                            acc,
                            wbuf[a + r, pl.ds(off, NLANES)]
                            * cbuf[a, pl.ds(r * D + off, NLANES)],
                        )
                    obuf[a, pl.ds(off, NLANES)] = acc

        issue(0, w0, c0, sem_g0)
        issue(1, w1, c1, sem_g1)

        @pl.loop(0, ROWS_PER_W, step=2)
        def _(i):
            wait_gathers(i, w0, c0, sem_g0)

            @pl.when(i >= 2)
            def _():
                pltpu.make_async_copy(o0, out_hbm.at[base + i - 2], sem_o0).wait()

            compute(w0, c0, o0)
            pltpu.async_copy(o0, out_hbm.at[base + i], sem_o0)

            @pl.when(i + 2 < ROWS_PER_W)
            def _():
                issue(i + 2, w0, c0, sem_g0)

            wait_gathers(i + 1, w1, c1, sem_g1)

            @pl.when(i >= 2)
            def _():
                pltpu.make_async_copy(o1, out_hbm.at[base + i - 1], sem_o1).wait()

            compute(w1, c1, o1)
            pltpu.async_copy(o1, out_hbm.at[base + i + 1], sem_o1)

            @pl.when(i + 3 < ROWS_PER_W)
            def _():
                issue(i + 3, w1, c1, sem_g1)

        pltpu.make_async_copy(o0, out_hbm.at[base + ROWS_PER_W - 2], sem_o0).wait()
        pltpu.make_async_copy(o1, out_hbm.at[base + ROWS_PER_W - 1], sem_o1).wait()

    return sc_kernel(ids_pad, trim_pad, word_table, context_table)


def kernel(vocab_ids, word_table, context_table):
    ids = vocab_ids.astype(jnp.int32)
    ids_pad = jnp.pad(ids, ((0, 0), (0, LP - L)))
    trim_pad = jnp.pad(ids[:, R // 2:R // 2 + A], ((0, 0), (0, TP - A)))
    return _sc_region_embed(ids_pad, trim_pad, word_table, context_table)

# --- scband reference (transcript-rebuilt; emitter-appended) ---
"""Pipeline reference for scband-region-embedding-layer-12421045420642 (READ-ONLY COPY).

The authoritative reference and input builder live on the scoring server;
editing this copy changes nothing except your own understanding.
"""

import jax, jax.numpy as jnp
import numpy as np

V = 1000
D = 128
R = 5
RAD = R // 2

def setup_inputs(seed: int = 0):
    key = jax.random.key(seed)
    k1, k2, k3 = jax.random.split(key, 3)
    vocab_ids = jax.random.randint(k1, (1024, 50), 0, V)
    word_table = jax.random.normal(k2, (V, D), dtype=jnp.float32)
    context_table = jax.random.normal(k3, (V, R * D), dtype=jnp.float32)
    return {"vocab_ids": vocab_ids, "word_table": word_table, "context_table": context_table}

def reference(vocab_ids, word_table, context_table):
    # RegionEmbeddingLayer.forward, WC (word_context) mode, dropout=0 (identity)
    B, L = vocab_ids.shape
    A = L - 2 * RAD  # actual_length
    trim = vocab_ids[:, RAD:L - RAD]  # [B, A]
    # sliding windows of size R -> [B, A, R] (matches torch.cat(slices,1).view(-1,A,R))
    slices = jnp.stack([vocab_ids[:, i:i + R] for i in range(A)], axis=1)
    vocab_emb = jnp.take(word_table, slices, axis=0)  # [B, A, R, D]
    ctx = jnp.take(context_table, trim, axis=0).reshape(B, A, R, D)  # [B, A, R, D]
    region = jnp.max(vocab_emb * ctx, axis=2)  # [B, A, D]
    return region

if __name__ == "__main__":
    import jax
    _d = setup_inputs()
    print(jax.jit(kernel)(*tuple(_d.values())))

</pallas_src>

<mosaic_0001>
#map = affine_map<(d0, d1) -> (0, 0)>
#map1 = affine_map<(d0, d1) -> (0, 0, 0)>
module attributes {stable_mosaic.version = 14 : i64} {
  func.func @sc_kernel(%arg0: i32, %arg1: i32, %arg2: memref<1024x56xi32, #tpu.memory_space<hbm>>, %arg3: memref<1024x48xi32, #tpu.memory_space<hbm>>, %arg4: memref<1000x128xf32, #tpu.memory_space<hbm>>, %arg5: memref<1000x640xf32, #tpu.memory_space<hbm>>, %arg6: memref<1024x46x128xf32, #tpu.memory_space<hbm>>, %arg7: memref<32x56xi32, #tpu.memory_space<vmem>>, %arg8: memref<32x48xi32, #tpu.memory_space<vmem>>, %arg9: memref<56x128xf32, #tpu.memory_space<vmem>>, %arg10: memref<48x640xf32, #tpu.memory_space<vmem>>, %arg11: memref<56x128xf32, #tpu.memory_space<vmem>>, %arg12: memref<48x640xf32, #tpu.memory_space<vmem>>, %arg13: memref<46x128xf32, #tpu.memory_space<vmem>>, %arg14: memref<46x128xf32, #tpu.memory_space<vmem>>, %arg15: memref<!tpu.dma_semaphore, #tpu.memory_space<semaphore_mem>>, %arg16: memref<!tpu.dma_semaphore, #tpu.memory_space<semaphore_mem>>, %arg17: memref<!tpu.dma_semaphore, #tpu.memory_space<semaphore_mem>>, %arg18: memref<!tpu.dma_semaphore, #tpu.memory_space<semaphore_mem>>) attributes {dimension_semantics = [#tpu.dimension_semantics<core_parallel>, #tpu.dimension_semantics<subcore_parallel>], iteration_bounds = array<i64: 2, 16>, scalar_prefetch = 0 : i64, scratch_operands = 12 : i64, tpu.core_type = #tpu.core_type<sc_vector_subcore>, window_params = [{transform_indices = #map}, {transform_indices = #map}, {transform_indices = #map}, {transform_indices = #map}, {transform_indices = #map1}]} {
    %mul3A = arith.constant 2 : i32
    %mul3A_0 = arith.muli %arg1, %mul3A : i32
    %add3A = arith.addi %mul3A_0, %arg0 : i32
    %mul3A_1 = arith.constant 32 : i32
    %mul3A_2 = arith.muli %add3A, %mul3A_1 : i32
    "tpu.region"() ({
      %run_scoped3A = tpu.sem_alloc : memref<!tpu.dma_semaphore, #tpu.memory_space<semaphore_mem>>
      %dma_start3A_56 = arith.constant 0 : i32
      %dma_start3A_57 = tpu.memref_slice %arg2[%mul3A_2, %dma_start3A_56] : memref<1024x56xi32, #tpu.memory_space<hbm>> -> memref<32x56xi32, #tpu.memory_space<hbm>>
      %dma_start3A_58 = arith.constant 0 : i32
      %dma_start3A_59 = tpu.memref_slice %arg2[%mul3A_2, %dma_start3A_58] : memref<1024x56xi32, #tpu.memory_space<hbm>> -> memref<32x56xi32, #tpu.memory_space<hbm>>
      tpu.enqueue_dma source(%dma_start3A_59 : memref<32x56xi32, #tpu.memory_space<hbm>>) target(%arg7 : memref<32x56xi32, #tpu.memory_space<vmem>>) target_semaphore(%run_scoped3A : memref<!tpu.dma_semaphore, #tpu.memory_space<semaphore_mem>>)
      %dma_wait3A_60 = arith.constant 0 : i32
      %dma_wait3A_61 = tpu.memref_slice %arg2[%mul3A_2, %dma_wait3A_60] : memref<1024x56xi32, #tpu.memory_space<hbm>> -> memref<32x56xi32, #tpu.memory_space<hbm>>
      %dma_wait3A_62 = arith.constant 0 : i32
      %dma_wait3A_63 = tpu.memref_slice %arg2[%mul3A_2, %dma_wait3A_62] : memref<1024x56xi32, #tpu.memory_space<hbm>> -> memref<32x56xi32, #tpu.memory_space<hbm>>
      tpu.wait_dma2 semaphore(%run_scoped3A : memref<!tpu.dma_semaphore, #tpu.memory_space<semaphore_mem>>) src(%dma_wait3A_63 : memref<32x56xi32, #tpu.memory_space<hbm>>) dst(%arg7 : memref<32x56xi32, #tpu.memory_space<vmem>>)
      tpu.yield
    }) : () -> ()
    "tpu.region"() ({
      %run_scoped3A = tpu.sem_alloc : memref<!tpu.dma_semaphore, #tpu.memory_space<semaphore_mem>>
      %dma_start3A_56 = arith.constant 0 : i32
      %dma_start3A_57 = tpu.memref_slice %arg3[%mul3A_2, %dma_start3A_56] : memref<1024x48xi32, #tpu.memory_space<hbm>> -> memref<32x48xi32, #tpu.memory_space<hbm>>
      %dma_start3A_58 = arith.constant 0 : i32
      %dma_start3A_59 = tpu.memref_slice %arg3[%mul3A_2, %dma_start3A_58] : memref<1024x48xi32, #tpu.memory_space<hbm>> -> memref<32x48xi32, #tpu.memory_space<hbm>>
      tpu.enqueue_dma source(%dma_start3A_59 : memref<32x48xi32, #tpu.memory_space<hbm>>) target(%arg8 : memref<32x48xi32, #tpu.memory_space<vmem>>) target_semaphore(%run_scoped3A : memref<!tpu.dma_semaphore, #tpu.memory_space<semaphore_mem>>)
      %dma_wait3A_60 = arith.constant 0 : i32
      %dma_wait3A_61 = tpu.memref_slice %arg3[%mul3A_2, %dma_wait3A_60] : memref<1024x48xi32, #tpu.memory_space<hbm>> -> memref<32x48xi32, #tpu.memory_space<hbm>>
      %dma_wait3A_62 = arith.constant 0 : i32
      %dma_wait3A_63 = tpu.memref_slice %arg3[%mul3A_2, %dma_wait3A_62] : memref<1024x48xi32, #tpu.memory_space<hbm>> -> memref<32x48xi32, #tpu.memory_space<hbm>>
      tpu.wait_dma2 semaphore(%run_scoped3A : memref<!tpu.dma_semaphore, #tpu.memory_space<semaphore_mem>>) src(%dma_wait3A_63 : memref<32x48xi32, #tpu.memory_space<hbm>>) dst(%arg8 : memref<32x48xi32, #tpu.memory_space<vmem>>)
      tpu.yield
    }) : () -> ()
    %dma_start3A = arith.constant 0 : i32
    %dma_start3A_3 = arith.constant 0 : i32
    %dma_start3A_4 = tpu.memref_slice %arg7[%dma_start3A, %dma_start3A_3] : memref<32x56xi32, #tpu.memory_space<vmem>> -> memref<1x56xi32, #tpu.memory_space<vmem>>
    %dma_start3A_5 = tpu.memref_squeeze %dma_start3A_4 : memref<1x56xi32, #tpu.memory_space<vmem>> -> memref<56xi32, #tpu.memory_space<vmem>>
    %dma_start3A_6 = arith.constant 0 : i32
    %dma_start3A_7 = arith.constant 0 : i32
    %dma_start3A_8 = tpu.memref_slice %arg4[%dma_start3A_6, %dma_start3A_7] : memref<1000x128xf32, #tpu.memory_space<hbm>> -> memref<1000x128xf32, #tpu.memory_space<hbm>>
    tpu.enqueue_indirect_dma source(%dma_start3A_8 : memref<1000x128xf32, #tpu.memory_space<hbm>>) target(%arg9 : memref<56x128xf32, #tpu.memory_space<vmem>>) offsets(%dma_start3A_5 : memref<56xi32, #tpu.memory_space<vmem>>) semaphore(%arg15 : memref<!tpu.dma_semaphore, #tpu.memory_space<semaphore_mem>>)
    %dma_start3A_9 = arith.constant 0 : i32
    %dma_start3A_10 = arith.constant 0 : i32
    %dma_start3A_11 = tpu.memref_slice %arg8[%dma_start3A_9, %dma_start3A_10] : memref<32x48xi32, #tpu.memory_space<vmem>> -> memref<1x48xi32, #tpu.memory_space<vmem>>
    %dma_start3A_12 = tpu.memref_squeeze %dma_start3A_11 : memref<1x48xi32, #tpu.memory_space<vmem>> -> memref<48xi32, #tpu.memory_space<vmem>>
    %dma_start3A_13 = arith.constant 0 : i32
    %dma_start3A_14 = arith.constant 0 : i32
    %dma_start3A_15 = tpu.memref_slice %arg5[%dma_start3A_13, %dma_start3A_14] : memref<1000x640xf32, #tpu.memory_space<hbm>> -> memref<1000x640xf32, #tpu.memory_space<hbm>>
    tpu.enqueue_indirect_dma source(%dma_start3A_15 : memref<1000x640xf32, #tpu.memory_space<hbm>>) target(%arg10 : memref<48x640xf32, #tpu.memory_space<vmem>>) offsets(%dma_start3A_12 : memref<48xi32, #tpu.memory_space<vmem>>) semaphore(%arg15 : memref<!tpu.dma_semaphore, #tpu.memory_space<semaphore_mem>>)
    %dma_start3A_16 = arith.constant 1 : i32
    %dma_start3A_17 = arith.constant 0 : i32
    %dma_start3A_18 = tpu.memref_slice %arg7[%dma_start3A_16, %dma_start3A_17] : memref<32x56xi32, #tpu.memory_space<vmem>> -> memref<1x56xi32, #tpu.memory_space<vmem>>
    %dma_start3A_19 = tpu.memref_squeeze %dma_start3A_18 : memref<1x56xi32, #tpu.memory_space<vmem>> -> memref<56xi32, #tpu.memory_space<vmem>>
    %dma_start3A_20 = arith.constant 0 : i32
    %dma_start3A_21 = arith.constant 0 : i32
    %dma_start3A_22 = tpu.memref_slice %arg4[%dma_start3A_20, %dma_start3A_21] : memref<1000x128xf32, #tpu.memory_space<hbm>> -> memref<1000x128xf32, #tpu.memory_space<hbm>>
    tpu.enqueue_indirect_dma source(%dma_start3A_22 : memref<1000x128xf32, #tpu.memory_space<hbm>>) target(%arg11 : memref<56x128xf32, #tpu.memory_space<vmem>>) offsets(%dma_start3A_19 : memref<56xi32, #tpu.memory_space<vmem>>) semaphore(%arg16 : memref<!tpu.dma_semaphore, #tpu.memory_space<semaphore_mem>>)
    %dma_start3A_23 = arith.constant 1 : i32
    %dma_start3A_24 = arith.constant 0 : i32
    %dma_start3A_25 = tpu.memref_slice %arg8[%dma_start3A_23, %dma_start3A_24] : memref<32x48xi32, #tpu.memory_space<vmem>> -> memref<1x48xi32, #tpu.memory_space<vmem>>
    %dma_start3A_26 = tpu.memref_squeeze %dma_start3A_25 : memref<1x48xi32, #tpu.memory_space<vmem>> -> memref<48xi32, #tpu.memory_space<vmem>>
    %dma_start3A_27 = arith.constant 0 : i32
    %dma_start3A_28 = arith.constant 0 : i32
    %dma_start3A_29 = tpu.memref_slice %arg5[%dma_start3A_27, %dma_start3A_28] : memref<1000x640xf32, #tpu.memory_space<hbm>> -> memref<1000x640xf32, #tpu.memory_space<hbm>>
    tpu.enqueue_indirect_dma source(%dma_start3A_29 : memref<1000x640xf32, #tpu.memory_space<hbm>>) target(%arg12 : memref<48x640xf32, #tpu.memory_space<vmem>>) offsets(%dma_start3A_26 : memref<48xi32, #tpu.memory_space<vmem>>) semaphore(%arg16 : memref<!tpu.dma_semaphore, #tpu.memory_space<semaphore_mem>>)
    %scan3A = arith.constant 0 : i32
    %scan3A_30 = arith.constant 16 : i32
    %scan3A_31 = arith.addi %scan3A, %scan3A_30 : i32
    %scan3A_32 = arith.constant 1 : i32
    scf.for %scan3A_56 = %scan3A to %scan3A_31 step %scan3A_32  : i32 {
      %mul3A_57 = arith.constant 2 : i32
      %mul3A_58 = arith.muli %scan3A_56, %mul3A_57 : i32
      %add3A_59 = arith.constant 0 : i32
      %add3A_60 = arith.addi %add3A_59, %mul3A_58 : i32
      %dma_wait3A_61 = arith.constant 0 : i32
      %dma_wait3A_62 = tpu.memref_slice %arg7[%add3A_60, %dma_wait3A_61] : memref<32x56xi32, #tpu.memory_space<vmem>> -> memref<1x56xi32, #tpu.memory_space<vmem>>
      %dma_wait3A_63 = tpu.memref_squeeze %dma_wait3A_62 : memref<1x56xi32, #tpu.memory_space<vmem>> -> memref<56xi32, #tpu.memory_space<vmem>>
      %dma_wait3A_64 = arith.constant 0 : i32
      %dma_wait3A_65 = arith.constant 0 : i32
      %dma_wait3A_66 = tpu.memref_slice %arg4[%dma_wait3A_64, %dma_wait3A_65] : memref<1000x128xf32, #tpu.memory_space<hbm>> -> memref<1000x128xf32, #tpu.memory_space<hbm>>
      tpu.wait_indirect_dma semaphore(%arg15 : memref<!tpu.dma_semaphore, #tpu.memory_space<semaphore_mem>>) src(%dma_wait3A_66 : memref<1000x128xf32, #tpu.memory_space<hbm>>) dst(%arg9 : memref<56x128xf32, #tpu.memory_space<vmem>>)
      %dma_wait3A_67 = arith.constant 0 : i32
      %dma_wait3A_68 = tpu.memref_slice %arg8[%add3A_60, %dma_wait3A_67] : memref<32x48xi32, #tpu.memory_space<vmem>> -> memref<1x48xi32, #tpu.memory_space<vmem>>
      %dma_wait3A_69 = tpu.memref_squeeze %dma_wait3A_68 : memref<1x48xi32, #tpu.memory_space<vmem>> -> memref<48xi32, #tpu.memory_space<vmem>>
      %dma_wait3A_70 = arith.constant 0 : i32
      %dma_wait3A_71 = arith.constant 0 : i32
      %dma_wait3A_72 = tpu.memref_slice %arg5[%dma_wait3A_70, %dma_wait3A_71] : memref<1000x640xf32, #tpu.memory_space<hbm>> -> memref<1000x640xf32, #tpu.memory_space<hbm>>
      tpu.wait_indirect_dma semaphore(%arg15 : memref<!tpu.dma_semaphore, #tpu.memory_space<semaphore_mem>>) src(%dma_wait3A_72 : memref<1000x640xf32, #tpu.memory_space<hbm>>) dst(%arg10 : memref<48x640xf32, #tpu.memory_space<vmem>>)
      %ge3A = arith.constant 2 : i32
      %ge3A_73 = arith.cmpi sge, %add3A_60, %ge3A : i32
      %convert_element_type3A = arith.extui %ge3A_73 : i1 to i32
      %cond3A = arith.constant 0 : i32
      %cond3A_74 = arith.cmpi ne, %convert_element_type3A, %cond3A : i32
      scf.if %cond3A_74 {
        %add3A_132 = arith.addi %mul3A_2, %add3A_60 : i32
        %sub3A_133 = arith.constant 2 : i32
        %sub3A_134 = arith.subi %add3A_132, %sub3A_133 : i32
        %dma_wait3A_135 = arith.constant 0 : i32
        %dma_wait3A_136 = arith.constant 0 : i32
        %dma_wait3A_137 = tpu.memref_slice %arg6[%sub3A_134, %dma_wait3A_135, %dma_wait3A_136] : memref<1024x46x128xf32, #tpu.memory_space<hbm>> -> memref<1x46x128xf32, #tpu.memory_space<hbm>>
        %dma_wait3A_138 = tpu.memref_squeeze %dma_wait3A_137 : memref<1x46x128xf32, #tpu.memory_space<hbm>> -> memref<46x128xf32, #tpu.memory_space<hbm>>
        %dma_wait3A_139 = arith.constant 0 : i32
        %dma_wait3A_140 = arith.constant 0 : i32
        %dma_wait3A_141 = tpu.memref_slice %arg6[%sub3A_134, %dma_wait3A_139, %dma_wait3A_140] : memref<1024x46x128xf32, #tpu.memory_space<hbm>> -> memref<1x46x128xf32, #tpu.memory_space<hbm>>
        %dma_wait3A_142 = tpu.memref_squeeze %dma_wait3A_141 : memref<1x46x128xf32, #tpu.memory_space<hbm>> -> memref<46x128xf32, #tpu.memory_space<hbm>>
        tpu.wait_dma2 semaphore(%arg17 : memref<!tpu.dma_semaphore, #tpu.memory_space<semaphore_mem>>) src(%arg13 : memref<46x128xf32, #tpu.memory_space<vmem>>) dst(%dma_wait3A_142 : memref<46x128xf32, #tpu.memory_space<hbm>>)
      } else {
      }
      %parallel_loop3A = arith.constant 0 : i32
      %parallel_loop3A_75 = arith.constant 46 : i32
      %parallel_loop3A_76 = arith.constant 1 : i32
      scf.for %parallel_loop3A_132 = %parallel_loop3A to %parallel_loop3A_75 step %parallel_loop3A_76  : i32 {
        %parallel_loop3A_133 = arith.index_cast %parallel_loop3A_132 : i32 to index
        %parallel_loop3A_134 = arith.constant 0 : index
        %parallel_loop3A_135 = tpu.vector_load %arg9[%parallel_loop3A_133, %parallel_loop3A_134] {strides = array<i32>} : memref<56x128xf32, #tpu.memory_space<vmem>>, vector<1x16xf32>,
        %parallel_loop3A_136 = vector.shape_cast %parallel_loop3A_135 : vector<1x16xf32> to vector<16xf32>
        %parallel_loop3A_137 = arith.index_cast %parallel_loop3A_132 : i32 to index
        %parallel_loop3A_138 = arith.constant 0 : index
        %parallel_loop3A_139 = tpu.vector_load %arg10[%parallel_loop3A_137, %parallel_loop3A_138] {strides = array<i32>} : memref<48x640xf32, #tpu.memory_space<vmem>>, vector<1x16xf32>,
        %parallel_loop3A_140 = vector.shape_cast %parallel_loop3A_139 : vector<1x16xf32> to vector<16xf32>
        %parallel_loop3A_141 = arith.mulf %parallel_loop3A_136, %parallel_loop3A_140 : vector<16xf32>
        %parallel_loop3A_142 = arith.constant 1 : i32
        %parallel_loop3A_143 = arith.addi %parallel_loop3A_132, %parallel_loop3A_142 : i32
        %parallel_loop3A_144 = arith.index_cast %parallel_loop3A_143 : i32 to index
        %parallel_loop3A_145 = arith.constant 0 : index
        %parallel_loop3A_146 = tpu.vector_load %arg9[%parallel_loop3A_144, %parallel_loop3A_145] {strides = array<i32>} : memref<56x128xf32, #tpu.memory_space<vmem>>, vector<1x16xf32>,
        %parallel_loop3A_147 = vector.shape_cast %parallel_loop3A_146 : vector<1x16xf32> to vector<16xf32>
        %parallel_loop3A_148 = arith.index_cast %parallel_loop3A_132 : i32 to index
        %parallel_loop3A_149 = arith.constant 128 : index
        %parallel_loop3A_150 = tpu.vector_load %arg10[%parallel_loop3A_148, %parallel_loop3A_149] {strides = array<i32>} : memref<48x640xf32, #tpu.memory_space<vmem>>, vector<1x16xf32>,
        %parallel_loop3A_151 = vector.shape_cast %parallel_loop3A_150 : vector<1x16xf32> to vector<16xf32>
        %parallel_loop3A_152 = arith.mulf %parallel_loop3A_147, %parallel_loop3A_151 : vector<16xf32>
        %parallel_loop3A_153 = arith.maximumf %parallel_loop3A_141, %parallel_loop3A_152 : vector<16xf32>
        %parallel_loop3A_154 = arith.constant 2 : i32
        %parallel_loop3A_155 = arith.addi %parallel_loop3A_132, %parallel_loop3A_154 : i32
        %parallel_loop3A_156 = arith.index_cast %parallel_loop3A_155 : i32 to index
        %parallel_loop3A_157 = arith.constant 0 : index
        %parallel_loop3A_158 = tpu.vector_load %arg9[%parallel_loop3A_156, %parallel_loop3A_157] {strides = array<i32>} : memref<56x128xf32, #tpu.memory_space<vmem>>, vector<1x16xf32>,
        %parallel_loop3A_159 = vector.shape_cast %parallel_loop3A_158 : vector<1x16xf32> to vector<16xf32>
        %parallel_loop3A_160 = arith.index_cast %parallel_loop3A_132 : i32 to index
        %parallel_loop3A_161 = arith.constant 256 : index
        %parallel_loop3A_162 = tpu.vector_load %arg10[%parallel_loop3A_160, %parallel_loop3A_161] {strides = array<i32>} : memref<48x640xf32, #tpu.memory_space<vmem>>, vector<1x16xf32>,
        %parallel_loop3A_163 = vector.shape_cast %parallel_loop3A_162 : vector<1x16xf32> to vector<16xf32>
        %parallel_loop3A_164 = arith.mulf %parallel_loop3A_159, %parallel_loop3A_163 : vector<16xf32>
        %parallel_loop3A_165 = arith.maximumf %parallel_loop3A_153, %parallel_loop3A_164 : vector<16xf32>
        %parallel_loop3A_166 = arith.constant 3 : i32
        %parallel_loop3A_167 = arith.addi %parallel_loop3A_132, %parallel_loop3A_166 : i32
        %parallel_loop3A_168 = arith.index_cast %parallel_loop3A_167 : i32 to index
        %parallel_loop3A_169 = arith.constant 0 : index
        %parallel_loop3A_170 = tpu.vector_load %arg9[%parallel_loop3A_168, %parallel_loop3A_169] {strides = array<i32>} : memref<56x128xf32, #tpu.memory_space<vmem>>, vector<1x16xf32>,
        %parallel_loop3A_171 = vector.shape_cast %parallel_loop3A_170 : vector<1x16xf32> to vector<16xf32>
        %parallel_loop3A_172 = arith.index_cast %parallel_loop3A_132 : i32 to index
        %parallel_loop3A_173 = arith.constant 384 : index
        %parallel_loop3A_174 = tpu.vector_load %arg10[%parallel_loop3A_172, %parallel_loop3A_173] {strides = array<i32>} : memref<48x640xf32, #tpu.memory_space<vmem>>, vector<1x16xf32>,
        %parallel_loop3A_175 = vector.shape_cast %parallel_loop3A_174 : vector<1x16xf32> to vector<16xf32>
        %parallel_loop3A_176 = arith.mulf %parallel_loop3A_171, %parallel_loop3A_175 : vector<16xf32>
        %parallel_loop3A_177 = arith.maximumf %parallel_loop3A_165, %parallel_loop3A_176 : vector<16xf32>
        %parallel_loop3A_178 = arith.constant 4 : i32
        %parallel_loop3A_179 = arith.addi %parallel_loop3A_132, %parallel_loop3A_178 : i32
        %parallel_loop3A_180 = arith.index_cast %parallel_loop3A_179 : i32 to index
        %parallel_loop3A_181 = arith.constant 0 : index
        %parallel_loop3A_182 = tpu.vector_load %arg9[%parallel_loop3A_180, %parallel_loop3A_181] {strides = array<i32>} : memref<56x128xf32, #tpu.memory_space<vmem>>, vector<1x16xf32>,
        %parallel_loop3A_183 = vector.shape_cast %parallel_loop3A_182 : vector<1x16xf32> to vector<16xf32>
        %parallel_loop3A_184 = arith.index_cast %parallel_loop3A_132 : i32 to index
        %parallel_loop3A_185 = arith.constant 512 : index
        %parallel_loop3A_186 = tpu.vector_load %arg10[%parallel_loop3A_184, %parallel_loop3A_185] {strides = array<i32>} : memref<48x640xf32, #tpu.memory_space<vmem>>, vector<1x16xf32>,
        %parallel_loop3A_187 = vector.shape_cast %parallel_loop3A_186 : vector<1x16xf32> to vector<16xf32>
        %parallel_loop3A_188 = arith.mulf %parallel_loop3A_183, %parallel_loop3A_187 : vector<16xf32>
        %parallel_loop3A_189 = arith.maximumf %parallel_loop3A_177, %parallel_loop3A_188 : vector<16xf32>
        %parallel_loop3A_190 = arith.index_cast %parallel_loop3A_132 : i32 to index
        %parallel_loop3A_191 = arith.constant 0 : index
        %parallel_loop3A_192 = tpu.vector_load %arg13[%parallel_loop3A_190, %parallel_loop3A_191] {strides = array<i32>} : memref<46x128xf32, #tpu.memory_space<vmem>>, vector<1x16xf32>,
        %parallel_loop3A_193 = vector.shape_cast %parallel_loop3A_192 : vector<1x16xf32> to vector<16xf32>
        %parallel_loop3A_194 = vector.shape_cast %parallel_loop3A_189 : vector<16xf32> to vector<1x16xf32>
        tpu.vector_store %arg13[%parallel_loop3A_190, %parallel_loop3A_191], %parallel_loop3A_194 {strides = array<i32>} : memref<46x128xf32, #tpu.memory_space<vmem>>, vector<1x16xf32>,
        %parallel_loop3A_195 = arith.index_cast %parallel_loop3A_132 : i32 to index
        %parallel_loop3A_196 = arith.constant 16 : index
        %parallel_loop3A_197 = tpu.vector_load %arg9[%parallel_loop3A_195, %parallel_loop3A_196] {strides = array<i32>} : memref<56x128xf32, #tpu.memory_space<vmem>>, vector<1x16xf32>,
        %parallel_loop3A_198 = vector.shape_cast %parallel_loop3A_197 : vector<1x16xf32> to vector<16xf32>
        %parallel_loop3A_199 = arith.index_cast %parallel_loop3A_132 : i32 to index
        %parallel_loop3A_200 = arith.constant 16 : index
        %parallel_loop3A_201 = tpu.vector_load %arg10[%parallel_loop3A_199, %parallel_loop3A_200] {strides = array<i32>} : memref<48x640xf32, #tpu.memory_space<vmem>>, vector<1x16xf32>,
        %parallel_loop3A_202 = vector.shape_cast %parallel_loop3A_201 : vector<1x16xf32> to vector<16xf32>
        %parallel_loop3A_203 = arith.mulf %parallel_loop3A_198, %parallel_loop3A_202 : vector<16xf32>
        %parallel_loop3A_204 = arith.constant 1 : i32
        %parallel_loop3A_205 = arith.addi %parallel_loop3A_132, %parallel_loop3A_204 : i32
        %parallel_loop3A_206 = arith.index_cast %parallel_loop3A_205 : i32 to index
        %parallel_loop3A_207 = arith.constant 16 : index
        %parallel_loop3A_208 = tpu.vector_load %arg9[%parallel_loop3A_206, %parallel_loop3A_207] {strides = array<i32>} : memref<56x128xf32, #tpu.memory_space<vmem>>, vector<1x16xf32>,
        %parallel_loop3A_209 = vector.shape_cast %parallel_loop3A_208 : vector<1x16xf32> to vector<16xf32>
        %parallel_loop3A_210 = arith.index_cast %parallel_loop3A_132 : i32 to index
        %parallel_loop3A_211 = arith.constant 144 : index
        %parallel_loop3A_212 = tpu.vector_load %arg10[%parallel_loop3A_210, %parallel_loop3A_211] {strides = array<i32>} : memref<48x640xf32, #tpu.memory_space<vmem>>, vector<1x16xf32>,
        %parallel_loop3A_213 = vector.shape_cast %parallel_loop3A_212 : vector<1x16xf32> to vector<16xf32>
        %parallel_loop3A_214 = arith.mulf %parallel_loop3A_209, %parallel_loop3A_213 : vector<16xf32>
        %parallel_loop3A_215 = arith.maximumf %parallel_loop3A_203, %parallel_loop3A_214 : vector<16xf32>
        %parallel_loop3A_216 = arith.constant 2 : i32
        %parallel_loop3A_217 = arith.addi %parallel_loop3A_132, %parallel_loop3A_216 : i32
        %parallel_loop3A_218 = arith.index_cast %parallel_loop3A_217 : i32 to index
        %parallel_loop3A_219 = arith.constant 16 : index
        %parallel_loop3A_220 = tpu.vector_load %arg9[%parallel_loop3A_218, %parallel_loop3A_219] {strides = array<i32>} : memref<56x128xf32, #tpu.memory_space<vmem>>, vector<1x16xf32>,
        %parallel_loop3A_221 = vector.shape_cast %parallel_loop3A_220 : vector<1x16xf32> to vector<16xf32>
        %parallel_loop3A_222 = arith.index_cast %parallel_loop3A_132 : i32 to index
        %parallel_loop3A_223 = arith.constant 272 : index
        %parallel_loop3A_224 = tpu.vector_load %arg10[%parallel_loop3A_222, %parallel_loop3A_223] {strides = array<i32>} : memref<48x640xf32, #tpu.memory_space<vmem>>, vector<1x16xf32>,
        %parallel_loop3A_225 = vector.shape_cast %parallel_loop3A_224 : vector<1x16xf32> to vector<16xf32>
        %parallel_loop3A_226 = arith.mulf %parallel_loop3A_221, %parallel_loop3A_225 : vector<16xf32>
        %parallel_loop3A_227 = arith.maximumf %parallel_loop3A_215, %parallel_loop3A_226 : vector<16xf32>
        %parallel_loop3A_228 = arith.constant 3 : i32
        %parallel_loop3A_229 = arith.addi %parallel_loop3A_132, %parallel_loop3A_228 : i32
        %parallel_loop3A_230 = arith.index_cast %parallel_loop3A_229 : i32 to index
        %parallel_loop3A_231 = arith.constant 16 : index
        %parallel_loop3A_232 = tpu.vector_load %arg9[%parallel_loop3A_230, %parallel_loop3A_231] {strides = array<i32>} : memref<56x128xf32, #tpu.memory_space<vmem>>, vector<1x16xf32>,
        %parallel_loop3A_233 = vector.shape_cast %parallel_loop3A_232 : vector<1x16xf32> to vector<16xf32>
        %parallel_loop3A_234 = arith.index_cast %parallel_loop3A_132 : i32 to index
        %parallel_loop3A_235 = arith.constant 400 : index
        %parallel_loop3A_236 = tpu.vector_load %arg10[%parallel_loop3A_234, %parallel_loop3A_235] {strides = array<i32>} : memref<48x640xf32, #tpu.memory_space<vmem>>, vector<1x16xf32>,
        %parallel_loop3A_237 = vector.shape_cast %parallel_loop3A_236 : vector<1x16xf32> to vector<16xf32>
        %parallel_loop3A_238 = arith.mulf %parallel_loop3A_233, %parallel_loop3A_237 : vector<16xf32>
        %parallel_loop3A_239 = arith.maximumf %parallel_loop3A_227, %parallel_loop3A_238 : vector<16xf32>
        %parallel_loop3A_240 = arith.constant 4 : i32
        %parallel_loop3A_241 = arith.addi %parallel_loop3A_132, %parallel_loop3A_240 : i32
        %parallel_loop3A_242 = arith.index_cast %parallel_loop3A_241 : i32 to index
        %parallel_loop3A_243 = arith.constant 16 : index
        %parallel_loop3A_244 = tpu.vector_load %arg9[%parallel_loop3A_242, %parallel_loop3A_243] {strides = array<i32>} : memref<56x128xf32, #tpu.memory_space<vmem>>, vector<1x16xf32>,
        %parallel_loop3A_245 = vector.shape_cast %parallel_loop3A_244 : vector<1x16xf32> to vector<16xf32>
        %parallel_loop3A_246 = arith.index_cast %parallel_loop3A_132 : i32 to index
        %parallel_loop3A_247 = arith.constant 528 : index
        %parallel_loop3A_248 = tpu.vector_load %arg10[%parallel_loop3A_246, %parallel_loop3A_247] {strides = array<i32>} : memref<48x640xf32, #tpu.memory_space<vmem>>, vector<1x16xf32>,
        %parallel_loop3A_249 = vector.shape_cast %parallel_loop3A_248 : vector<1x16xf32> to vector<16xf32>
        %parallel_loop3A_250 = arith.mulf %parallel_loop3A_245, %parallel_loop3A_249 : vector<16xf32>
        %parallel_loop3A_251 = arith.maximumf %parallel_loop3A_239, %parallel_loop3A_250 : vector<16xf32>
        %parallel_loop3A_252 = arith.index_cast %parallel_loop3A_132 : i32 to index
        %parallel_loop3A_253 = arith.constant 16 : index
        %parallel_loop3A_254 = tpu.vector_load %arg13[%parallel_loop3A_252, %parallel_loop3A_253] {strides = array<i32>} : memref<46x128xf32, #tpu.memory_space<vmem>>, vector<1x16xf32>,
        %parallel_loop3A_255 = vector.shape_cast %parallel_loop3A_254 : vector<1x16xf32> to vector<16xf32>
        %parallel_loop3A_256 = vector.shape_cast %parallel_loop3A_251 : vector<16xf32> to vector<1x16xf32>
        tpu.vector_store %arg13[%parallel_loop3A_252, %parallel_loop3A_253], %parallel_loop3A_256 {strides = array<i32>} : memref<46x128xf32, #tpu.memory_space<vmem>>, vector<1x16xf32>,
        %parallel_loop3A_257 = arith.index_cast %parallel_loop3A_132 : i32 to index
        %parallel_loop3A_258 = arith.constant 32 : index
        %parallel_loop3A_259 = tpu.vector_load %arg9[%parallel_loop3A_257, %parallel_loop3A_258] {strides = array<i32>} : memref<56x128xf32, #tpu.memory_space<vmem>>, vector<1x16xf32>,
        %parallel_loop3A_260 = vector.shape_cast %parallel_loop3A_259 : vector<1x16xf32> to vector<16xf32>
        %parallel_loop3A_261 = arith.index_cast %parallel_loop3A_132 : i32 to index
        %parallel_loop3A_262 = arith.constant 32 : index
        %parallel_loop3A_263 = tpu.vector_load %arg10[%parallel_loop3A_261, %parallel_loop3A_262] {strides = array<i32>} : memref<48x640xf32, #tpu.memory_space<vmem>>, vector<1x16xf32>,
        %parallel_loop3A_264 = vector.shape_cast %parallel_loop3A_263 : vector<1x16xf32> to vector<16xf32>
        %parallel_loop3A_265 = arith.mulf %parallel_loop3A_260, %parallel_loop3A_264 : vector<16xf32>
        %parallel_loop3A_266 = arith.constant 1 : i32
        %parallel_loop3A_267 = arith.addi %parallel_loop3A_132, %parallel_loop3A_266 : i32
        %parallel_loop3A_268 = arith.index_cast %parallel_loop3A_267 : i32 to index
        %parallel_loop3A_269 = arith.constant 32 : index
        %parallel_loop3A_270 = tpu.vector_load %arg9[%parallel_loop3A_268, %parallel_loop3A_269] {strides = array<i32>} : memref<56x128xf32, #tpu.memory_space<vmem>>, vector<1x16xf32>,
        %parallel_loop3A_271 = vector.shape_cast %parallel_loop3A_270 : vector<1x16xf32> to vector<16xf32>
        %parallel_loop3A_272 = arith.index_cast %parallel_loop3A_132 : i32 to index
        %parallel_loop3A_273 = arith.constant 160 : index
        %parallel_loop3A_274 = tpu.vector_load %arg10[%parallel_loop3A_272, %parallel_loop3A_273] {strides = array<i32>} : memref<48x640xf32, #tpu.memory_space<vmem>>, vector<1x16xf32>,
        %parallel_loop3A_275 = vector.shape_cast %parallel_loop3A_274 : vector<1x16xf32> to vector<16xf32>
        %parallel_loop3A_276 = arith.mulf %parallel_loop3A_271, %parallel_loop3A_275 : vector<16xf32>
        %parallel_loop3A_277 = arith.maximumf %parallel_loop3A_265, %parallel_loop3A_276 : vector<16xf32>
        %parallel_loop3A_278 = arith.constant 2 : i32
        %parallel_loop3A_279 = arith.addi %parallel_loop3A_132, %parallel_loop3A_278 : i32
        %parallel_loop3A_280 = arith.index_cast %parallel_loop3A_279 : i32 to index
        %parallel_loop3A_281 = arith.constant 32 : index
        %parallel_loop3A_282 = tpu.vector_load %arg9[%parallel_loop3A_280, %parallel_loop3A_281] {strides = array<i32>} : memref<56x128xf32, #tpu.memory_space<vmem>>, vector<1x16xf32>,
        %parallel_loop3A_283 = vector.shape_cast %parallel_loop3A_282 : vector<1x16xf32> to vector<16xf32>
        %parallel_loop3A_284 = arith.index_cast %parallel_loop3A_132 : i32 to index
        %parallel_loop3A_285 = arith.constant 288 : index
        %parallel_loop3A_286 = tpu.vector_load %arg10[%parallel_loop3A_284, %parallel_loop3A_285] {strides = array<i32>} : memref<48x640xf32, #tpu.memory_space<vmem>>, vector<1x16xf32>,
        %parallel_loop3A_287 = vector.shape_cast %parallel_loop3A_286 : vector<1x16xf32> to vector<16xf32>
        %parallel_loop3A_288 = arith.mulf %parallel_loop3A_283, %parallel_loop3A_287 : vector<16xf32>
        %parallel_loop3A_289 = arith.maximumf %parallel_loop3A_277, %parallel_loop3A_288 : vector<16xf32>
        %parallel_loop3A_290 = arith.constant 3 : i32
        %parallel_loop3A_291 = arith.addi %parallel_loop3A_132, %parallel_loop3A_290 : i32
        %parallel_loop3A_292 = arith.index_cast %parallel_loop3A_291 : i32 to index
        %parallel_loop3A_293 = arith.constant 32 : index
        %parallel_loop3A_294 = tpu.vector_load %arg9[%parallel_loop3A_292, %parallel_loop3A_293] {strides = array<i32>} : memref<56x128xf32, #tpu.memory_space<vmem>>, vector<1x16xf32>,
        %parallel_loop3A_295 = vector.shape_cast %parallel_loop3A_294 : vector<1x16xf32> to vector<16xf32>
        %parallel_loop3A_296 = arith.index_cast %parallel_loop3A_132 : i32 to index
        %parallel_loop3A_297 = arith.constant 416 : index
        %parallel_loop3A_298 = tpu.vector_load %arg10[%parallel_loop3A_296, %parallel_loop3A_297] {strides = array<i32>} : memref<48x640xf32, #tpu.memory_space<vmem>>, vector<1x16xf32>,
        %parallel_loop3A_299 = vector.shape_cast %parallel_loop3A_298 : vector<1x16xf32> to vector<16xf32>
        %parallel_loop3A_300 = arith.mulf %parallel_loop3A_295, %parallel_loop3A_299 : vector<16xf32>
        %parallel_loop3A_301 = arith.maximumf %parallel_loop3A_289, %parallel_loop3A_300 : vector<16xf32>
        %parallel_loop3A_302 = arith.constant 4 : i32
        %parallel_loop3A_303 = arith.addi %parallel_loop3A_132, %parallel_loop3A_302 : i32
        %parallel_loop3A_304 = arith.index_cast %parallel_loop3A_303 : i32 to index
        %parallel_loop3A_305 = arith.constant 32 : index
        %parallel_loop3A_306 = tpu.vector_load %arg9[%parallel_loop3A_304, %parallel_loop3A_305] {strides = array<i32>} : memref<56x128xf32, #tpu.memory_space<vmem>>, vector<1x16xf32>,
        %parallel_loop3A_307 = vector.shape_cast %parallel_loop3A_306 : vector<1x16xf32> to vector<16xf32>
        %parallel_loop3A_308 = arith.index_cast %parallel_loop3A_132 : i32 to index
        %parallel_loop3A_309 = arith.constant 544 : index
        %parallel_loop3A_310 = tpu.vector_load %arg10[%parallel_loop3A_308, %parallel_loop3A_309] {strides = array<i32>} : memref<48x640xf32, #tpu.memory_space<vmem>>, vector<1x16xf32>,
        %parallel_loop3A_311 = vector.shape_cast %parallel_loop3A_310 : vector<1x16xf32> to vector<16xf32>
        %parallel_loop3A_312 = arith.mulf %parallel_loop3A_307, %parallel_loop3A_311 : vector<16xf32>
        %parallel_loop3A_313 = arith.maximumf %parallel_loop3A_301, %parallel_loop3A_312 : vector<16xf32>
        %parallel_loop3A_314 = arith.index_cast %parallel_loop3A_132 : i32 to index
        %parallel_loop3A_315 = arith.constant 32 : index
        %parallel_loop3A_316 = tpu.vector_load %arg13[%parallel_loop3A_314, %parallel_loop3A_315] {strides = array<i32>} : memref<46x128xf32, #tpu.memory_space<vmem>>, vector<1x16xf32>,
        %parallel_loop3A_317 = vector.shape_cast %parallel_loop3A_316 : vector<1x16xf32> to vector<16xf32>
        %parallel_loop3A_318 = vector.shape_cast %parallel_loop3A_313 : vector<16xf32> to vector<1x16xf32>
        tpu.vector_store %arg13[%parallel_loop3A_314, %parallel_loop3A_315], %parallel_loop3A_318 {strides = array<i32>} : memref<46x128xf32, #tpu.memory_space<vmem>>, vector<1x16xf32>,
        %parallel_loop3A_319 = arith.index_cast %parallel_loop3A_132 : i32 to index
        %parallel_loop3A_320 = arith.constant 48 : index
        %parallel_loop3A_321 = tpu.vector_load %arg9[%parallel_loop3A_319, %parallel_loop3A_320] {strides = array<i32>} : memref<56x128xf32, #tpu.memory_space<vmem>>, vector<1x16xf32>,
        %parallel_loop3A_322 = vector.shape_cast %parallel_loop3A_321 : vector<1x16xf32> to vector<16xf32>
        %parallel_loop3A_323 = arith.index_cast %parallel_loop3A_132 : i32 to index
        %parallel_loop3A_324 = arith.constant 48 : index
        %parallel_loop3A_325 = tpu.vector_load %arg10[%parallel_loop3A_323, %parallel_loop3A_324] {strides = array<i32>} : memref<48x640xf32, #tpu.memory_space<vmem>>, vector<1x16xf32>,
        %parallel_loop3A_326 = vector.shape_cast %parallel_loop3A_325 : vector<1x16xf32> to vector<16xf32>
        %parallel_loop3A_327 = arith.mulf %parallel_loop3A_322, %parallel_loop3A_326 : vector<16xf32>
        %parallel_loop3A_328 = arith.constant 1 : i32
        %parallel_loop3A_329 = arith.addi %parallel_loop3A_132, %parallel_loop3A_328 : i32
        %parallel_loop3A_330 = arith.index_cast %parallel_loop3A_329 : i32 to index
        %parallel_loop3A_331 = arith.constant 48 : index
        %parallel_loop3A_332 = tpu.vector_load %arg9[%parallel_loop3A_330, %parallel_loop3A_331] {strides = array<i32>} : memref<56x128xf32, #tpu.memory_space<vmem>>, vector<1x16xf32>,
        %parallel_loop3A_333 = vector.shape_cast %parallel_loop3A_332 : vector<1x16xf32> to vector<16xf32>
        %parallel_loop3A_334 = arith.index_cast %parallel_loop3A_132 : i32 to index
        %parallel_loop3A_335 = arith.constant 176 : index
        %parallel_loop3A_336 = tpu.vector_load %arg10[%parallel_loop3A_334, %parallel_loop3A_335] {strides = array<i32>} : memref<48x640xf32, #tpu.memory_space<vmem>>, vector<1x16xf32>,
        %parallel_loop3A_337 = vector.shape_cast %parallel_loop3A_336 : vector<1x16xf32> to vector<16xf32>
        %parallel_loop3A_338 = arith.mulf %parallel_loop3A_333, %parallel_loop3A_337 : vector<16xf32>
        %parallel_loop3A_339 = arith.maximumf %parallel_loop3A_327, %parallel_loop3A_338 : vector<16xf32>
        %parallel_loop3A_340 = arith.constant 2 : i32
        %parallel_loop3A_341 = arith.addi %parallel_loop3A_132, %parallel_loop3A_340 : i32
        %parallel_loop3A_342 = arith.index_cast %parallel_loop3A_341 : i32 to index
        %parallel_loop3A_343 = arith.constant 48 : index
        %parallel_loop3A_344 = tpu.vector_load %arg9[%parallel_loop3A_342, %parallel_loop3A_343] {strides = array<i32>} : memref<56x128xf32, #tpu.memory_space<vmem>>, vector<1x16xf32>,
        %parallel_loop3A_345 = vector.shape_cast %parallel_loop3A_344 : vector<1x16xf32> to vector<16xf32>
        %parallel_loop3A_346 = arith.index_cast %parallel_loop3A_132 : i32 to index
        %parallel_loop3A_347 = arith.constant 304 : index
        %parallel_loop3A_348 = tpu.vector_load %arg10[%parallel_loop3A_346, %parallel_loop3A_347] {strides = array<i32>} : memref<48x640xf32, #tpu.memory_space<vmem>>, vector<1x16xf32>,
        %parallel_loop3A_349 = vector.shape_cast %parallel_loop3A_348 : vector<1x16xf32> to vector<16xf32>
        %parallel_loop3A_350 = arith.mulf %parallel_loop3A_345, %parallel_loop3A_349 : vector<16xf32>
        %parallel_loop3A_351 = arith.maximumf %parallel_loop3A_339, %parallel_loop3A_350 : vector<16xf32>
        %parallel_loop3A_352 = arith.constant 3 : i32
        %parallel_loop3A_353 = arith.addi %parallel_loop3A_132, %parallel_loop3A_352 : i32
        %parallel_loop3A_354 = arith.index_cast %parallel_loop3A_353 : i32 to index
        %parallel_loop3A_355 = arith.constant 48 : index
        %parallel_loop3A_356 = tpu.vector_load %arg9[%parallel_loop3A_354, %parallel_loop3A_355] {strides = array<i32>} : memref<56x128xf32, #tpu.memory_space<vmem>>, vector<1x16xf32>,
        %parallel_loop3A_357 = vector.shape_cast %parallel_loop3A_356 : vector<1x16xf32> to vector<16xf32>
        %parallel_loop3A_358 = arith.index_cast %parallel_loop3A_132 : i32 to index
        %parallel_loop3A_359 = arith.constant 432 : index
        %parallel_loop3A_360 = tpu.vector_load %arg10[%parallel_loop3A_358, %parallel_loop3A_359] {strides = array<i32>} : memref<48x640xf32, #tpu.memory_space<vmem>>, vector<1x16xf32>,
        %parallel_loop3A_361 = vector.shape_cast %parallel_loop3A_360 : vector<1x16xf32> to vector<16xf32>
        %parallel_loop3A_362 = arith.mulf %parallel_loop3A_357, %parallel_loop3A_361 : vector<16xf32>
        %parallel_loop3A_363 = arith.maximumf %parallel_loop3A_351, %parallel_loop3A_362 : vector<16xf32>
        %parallel_loop3A_364 = arith.constant 4 : i32
        %parallel_loop3A_365 = arith.addi %parallel_loop3A_132, %parallel_loop3A_364 : i32
        %parallel_loop3A_366 = arith.index_cast %parallel_loop3A_365 : i32 to index
        %parallel_loop3A_367 = arith.constant 48 : index
        %parallel_loop3A_368 = tpu.vector_load %arg9[%parallel_loop3A_366, %parallel_loop3A_367] {strides = array<i32>} : memref<56x128xf32, #tpu.memory_space<vmem>>, vector<1x16xf32>,
        %parallel_loop3A_369 = vector.shape_cast %parallel_loop3A_368 : vector<1x16xf32> to vector<16xf32>
        %parallel_loop3A_370 = arith.index_cast %parallel_loop3A_132 : i32 to index
        %parallel_loop3A_371 = arith.constant 560 : index
        %parallel_loop3A_372 = tpu.vector_load %arg10[%parallel_loop3A_370, %parallel_loop3A_371] {strides = array<i32>} : memref<48x640xf32, #tpu.memory_space<vmem>>, vector<1x16xf32>,
        %parallel_loop3A_373 = vector.shape_cast %parallel_loop3A_372 : vector<1x16xf32> to vector<16xf32>
        %parallel_loop3A_374 = arith.mulf %parallel_loop3A_369, %parallel_loop3A_373 : vector<16xf32>
        %parallel_loop3A_375 = arith.maximumf %parallel_loop3A_363, %parallel_loop3A_374 : vector<16xf32>
        %parallel_loop3A_376 = arith.index_cast %parallel_loop3A_132 : i32 to index
        %parallel_loop3A_377 = arith.constant 48 : index
        %parallel_loop3A_378 = tpu.vector_load %arg13[%parallel_loop3A_376, %parallel_loop3A_377] {strides = array<i32>} : memref<46x128xf32, #tpu.memory_space<vmem>>, vector<1x16xf32>,
        %parallel_loop3A_379 = vector.shape_cast %parallel_loop3A_378 : vector<1x16xf32> to vector<16xf32>
        %parallel_loop3A_380 = vector.shape_cast %parallel_loop3A_375 : vector<16xf32> to vector<1x16xf32>
        tpu.vector_store %arg13[%parallel_loop3A_376, %parallel_loop3A_377], %parallel_loop3A_380 {strides = array<i32>} : memref<46x128xf32, #tpu.memory_space<vmem>>, vector<1x16xf32>,
        %parallel_loop3A_381 = arith.index_cast %parallel_loop3A_132 : i32 to index
        %parallel_loop3A_382 = arith.constant 64 : index
        %parallel_loop3A_383 = tpu.vector_load %arg9[%parallel_loop3A_381, %parallel_loop3A_382] {strides = array<i32>} : memref<56x128xf32, #tpu.memory_space<vmem>>, vector<1x16xf32>,
        %parallel_loop3A_384 = vector.shape_cast %parallel_loop3A_383 : vector<1x16xf32> to vector<16xf32>
        %parallel_loop3A_385 = arith.index_cast %parallel_loop3A_132 : i32 to index
        %parallel_loop3A_386 = arith.constant 64 : index
        %parallel_loop3A_387 = tpu.vector_load %arg10[%parallel_loop3A_385, %parallel_loop3A_386] {strides = array<i32>} : memref<48x640xf32, #tpu.memory_space<vmem>>, vector<1x16xf32>,
        %parallel_loop3A_388 = vector.shape_cast %parallel_loop3A_387 : vector<1x16xf32> to vector<16xf32>
        %parallel_loop3A_389 = arith.mulf %parallel_loop3A_384, %parallel_loop3A_388 : vector<16xf32>
        %parallel_loop3A_390 = arith.constant 1 : i32
        %parallel_loop3A_391 = arith.addi %parallel_loop3A_132, %parallel_loop3A_390 : i32
        %parallel_loop3A_392 = arith.index_cast %parallel_loop3A_391 : i32 to index
        %parallel_loop3A_393 = arith.constant 64 : index
        %parallel_loop3A_394 = tpu.vector_load %arg9[%parallel_loop3A_392, %parallel_loop3A_393] {strides = array<i32>} : memref<56x128xf32, #tpu.memory_space<vmem>>, vector<1x16xf32>,
        %parallel_loop3A_395 = vector.shape_cast %parallel_loop3A_394 : vector<1x16xf32> to vector<16xf32>
        %parallel_loop3A_396 = arith.index_cast %parallel_loop3A_132 : i32 to index
        %parallel_loop3A_397 = arith.constant 192 : index
        %parallel_loop3A_398 = tpu.vector_load %arg10[%parallel_loop3A_396, %parallel_loop3A_397] {strides = array<i32>} : memref<48x640xf32, #tpu.memory_space<vmem>>, vector<1x16xf32>,
        %parallel_loop3A_399 = vector.shape_cast %parallel_loop3A_398 : vector<1x16xf32> to vector<16xf32>
        %parallel_loop3A_400 = arith.mulf %parallel_loop3A_395, %parallel_loop3A_399 : vector<16xf32>
        %parallel_loop3A_401 = arith.maximumf %parallel_loop3A_389, %parallel_loop3A_400 : vector<16xf32>
        %parallel_loop3A_402 = arith.constant 2 : i32
        %parallel_loop3A_403 = arith.addi %parallel_loop3A_132, %parallel_loop3A_402 : i32
        %parallel_loop3A_404 = arith.index_cast %parallel_loop3A_403 : i32 to index
        %parallel_loop3A_405 = arith.constant 64 : index
        %parallel_loop3A_406 = tpu.vector_load %arg9[%parallel_loop3A_404, %parallel_loop3A_405] {strides = array<i32>} : memref<56x128xf32, #tpu.memory_space<vmem>>, vector<1x16xf32>,
        %parallel_loop3A_407 = vector.shape_cast %parallel_loop3A_406 : vector<1x16xf32> to vector<16xf32>
        %parallel_loop3A_408 = arith.index_cast %parallel_loop3A_132 : i32 to index
        %parallel_loop3A_409 = arith.constant 320 : index
        %parallel_loop3A_410 = tpu.vector_load %arg10[%parallel_loop3A_408, %parallel_loop3A_409] {strides = array<i32>} : memref<48x640xf32, #tpu.memory_space<vmem>>, vector<1x16xf32>,
        %parallel_loop3A_411 = vector.shape_cast %parallel_loop3A_410 : vector<1x16xf32> to vector<16xf32>
        %parallel_loop3A_412 = arith.mulf %parallel_loop3A_407, %parallel_loop3A_411 : vector<16xf32>
        %parallel_loop3A_413 = arith.maximumf %parallel_loop3A_401, %parallel_loop3A_412 : vector<16xf32>
        %parallel_loop3A_414 = arith.constant 3 : i32
        %parallel_loop3A_415 = arith.addi %parallel_loop3A_132, %parallel_loop3A_414 : i32
        %parallel_loop3A_416 = arith.index_cast %parallel_loop3A_415 : i32 to index
        %parallel_loop3A_417 = arith.constant 64 : index
        %parallel_loop3A_418 = tpu.vector_load %arg9[%parallel_loop3A_416, %parallel_loop3A_417] {strides = array<i32>} : memref<56x128xf32, #tpu.memory_space<vmem>>, vector<1x16xf32>,
        %parallel_loop3A_419 = vector.shape_cast %parallel_loop3A_418 : vector<1x16xf32> to vector<16xf32>
        %parallel_loop3A_420 = arith.index_cast %parallel_loop3A_132 : i32 to index
        %parallel_loop3A_421 = arith.constant 448 : index
        %parallel_loop3A_422 = tpu.vector_load %arg10[%parallel_loop3A_420, %parallel_loop3A_421] {strides = array<i32>} : memref<48x640xf32, #tpu.memory_space<vmem>>, vector<1x16xf32>,
        %parallel_loop3A_423 = vector.shape_cast %parallel_loop3A_422 : vector<1x16xf32> to vector<16xf32>
        %parallel_loop3A_424 = arith.mulf %parallel_loop3A_419, %parallel_loop3A_423 : vector<16xf32>
        %parallel_loop3A_425 = arith.maximumf %parallel_loop3A_413, %parallel_loop3A_424 : vector<16xf32>
        %parallel_loop3A_426 = arith.constant 4 : i32
        %parallel_loop3A_427 = arith.addi %parallel_loop3A_132, %parallel_loop3A_426 : i32
        %parallel_loop3A_428 = arith.index_cast %parallel_loop3A_427 : i32 to index
        %parallel_loop3A_429 = arith.constant 64 : index
        %parallel_loop3A_430 = tpu.vector_load %arg9[%parallel_loop3A_428, %parallel_loop3A_429] {strides = array<i32>} : memref<56x128xf32, #tpu.memory_space<vmem>>, vector<1x16xf32>,
        %parallel_loop3A_431 = vector.shape_cast %parallel_loop3A_430 : vector<1x16xf32> to vector<16xf32>
        %parallel_loop3A_432 = arith.index_cast %parallel_loop3A_132 : i32 to index
        %parallel_loop3A_433 = arith.constant 576 : index
        %parallel_loop3A_434 = tpu.vector_load %arg10[%parallel_loop3A_432, %parallel_loop3A_433] {strides = array<i32>} : memref<48x640xf32, #tpu.memory_space<vmem>>, vector<1x16xf32>,
        %parallel_loop3A_435 = vector.shape_cast %parallel_loop3A_434 : vector<1x16xf32> to vector<16xf32>
        %parallel_loop3A_436 = arith.mulf %parallel_loop3A_431, %parallel_loop3A_435 : vector<16xf32>
        %parallel_loop3A_437 = arith.maximumf %parallel_loop3A_425, %parallel_loop3A_436 : vector<16xf32>
        %parallel_loop3A_438 = arith.index_cast %parallel_loop3A_132 : i32 to index
        %parallel_loop3A_439 = arith.constant 64 : index
        %parallel_loop3A_440 = tpu.vector_load %arg13[%parallel_loop3A_438, %parallel_loop3A_439] {strides = array<i32>} : memref<46x128xf32, #tpu.memory_space<vmem>>, vector<1x16xf32>,
        %parallel_loop3A_441 = vector.shape_cast %parallel_loop3A_440 : vector<1x16xf32> to vector<16xf32>
        %parallel_loop3A_442 = vector.shape_cast %parallel_loop3A_437 : vector<16xf32> to vector<1x16xf32>
        tpu.vector_store %arg13[%parallel_loop3A_438, %parallel_loop3A_439], %parallel_loop3A_442 {strides = array<i32>} : memref<46x128xf32, #tpu.memory_space<vmem>>, vector<1x16xf32>,
        %parallel_loop3A_443 = arith.index_cast %parallel_loop3A_132 : i32 to index
        %parallel_loop3A_444 = arith.constant 80 : index
        %parallel_loop3A_445 = tpu.vector_load %arg9[%parallel_loop3A_443, %parallel_loop3A_444] {strides = array<i32>} : memref<56x128xf32, #tpu.memory_space<vmem>>, vector<1x16xf32>,
        %parallel_loop3A_446 = vector.shape_cast %parallel_loop3A_445 : vector<1x16xf32> to vector<16xf32>
        %parallel_loop3A_447 = arith.index_cast %parallel_loop3A_132 : i32 to index
        %parallel_loop3A_448 = arith.constant 80 : index
        %parallel_loop3A_449 = tpu.vector_load %arg10[%parallel_loop3A_447, %parallel_loop3A_448] {strides = array<i32>} : memref<48x640xf32, #tpu.memory_space<vmem>>, vector<1x16xf32>,
        %parallel_loop3A_450 = vector.shape_cast %parallel_loop3A_449 : vector<1x16xf32> to vector<16xf32>
        %parallel_loop3A_451 = arith.mulf %parallel_loop3A_446, %parallel_loop3A_450 : vector<16xf32>
        %parallel_loop3A_452 = arith.constant 1 : i32
        %parallel_loop3A_453 = arith.addi %parallel_loop3A_132, %parallel_loop3A_452 : i32
        %parallel_loop3A_454 = arith.index_cast %parallel_loop3A_453 : i32 to index
        %parallel_loop3A_455 = arith.constant 80 : index
        %parallel_loop3A_456 = tpu.vector_load %arg9[%parallel_loop3A_454, %parallel_loop3A_455] {strides = array<i32>} : memref<56x128xf32, #tpu.memory_space<vmem>>, vector<1x16xf32>,
        %parallel_loop3A_457 = vector.shape_cast %parallel_loop3A_456 : vector<1x16xf32> to vector<16xf32>
        %parallel_loop3A_458 = arith.index_cast %parallel_loop3A_132 : i32 to index
        %parallel_loop3A_459 = arith.constant 208 : index
        %parallel_loop3A_460 = tpu.vector_load %arg10[%parallel_loop3A_458, %parallel_loop3A_459] {strides = array<i32>} : memref<48x640xf32, #tpu.memory_space<vmem>>, vector<1x16xf32>,
        %parallel_loop3A_461 = vector.shape_cast %parallel_loop3A_460 : vector<1x16xf32> to vector<16xf32>
        %parallel_loop3A_462 = arith.mulf %parallel_loop3A_457, %parallel_loop3A_461 : vector<16xf32>
        %parallel_loop3A_463 = arith.maximumf %parallel_loop3A_451, %parallel_loop3A_462 : vector<16xf32>
        %parallel_loop3A_464 = arith.constant 2 : i32
        %parallel_loop3A_465 = arith.addi %parallel_loop3A_132, %parallel_loop3A_464 : i32
        %parallel_loop3A_466 = arith.index_cast %parallel_loop3A_465 : i32 to index
        %parallel_loop3A_467 = arith.constant 80 : index
        %parallel_loop3A_468 = tpu.vector_load %arg9[%parallel_loop3A_466, %parallel_loop3A_467] {strides = array<i32>} : memref<56x128xf32, #tpu.memory_space<vmem>>, vector<1x16xf32>,
        %parallel_loop3A_469 = vector.shape_cast %parallel_loop3A_468 : vector<1x16xf32> to vector<16xf32>
        %parallel_loop3A_470 = arith.index_cast %parallel_loop3A_132 : i32 to index
        %parallel_loop3A_471 = arith.constant 336 : index
        %parallel_loop3A_472 = tpu.vector_load %arg10[%parallel_loop3A_470, %parallel_loop3A_471] {strides = array<i32>} : memref<48x640xf32, #tpu.memory_space<vmem>>, vector<1x16xf32>,
        %parallel_loop3A_473 = vector.shape_cast %parallel_loop3A_472 : vector<1x16xf32> to vector<16xf32>
        %parallel_loop3A_474 = arith.mulf %parallel_loop3A_469, %parallel_loop3A_473 : vector<16xf32>
        %parallel_loop3A_475 = arith.maximumf %parallel_loop3A_463, %parallel_loop3A_474 : vector<16xf32>
        %parallel_loop3A_476 = arith.constant 3 : i32
        %parallel_loop3A_477 = arith.addi %parallel_loop3A_132, %parallel_loop3A_476 : i32
        %parallel_loop3A_478 = arith.index_cast %parallel_loop3A_477 : i32 to index
        %parallel_loop3A_479 = arith.constant 80 : index
        %parallel_loop3A_480 = tpu.vector_load %arg9[%parallel_loop3A_478, %parallel_loop3A_479] {strides = array<i32>} : memref<56x128xf32, #tpu.memory_space<vmem>>, vector<1x16xf32>,
        %parallel_loop3A_481 = vector.shape_cast %parallel_loop3A_480 : vector<1x16xf32> to vector<16xf32>
        %parallel_loop3A_482 = arith.index_cast %parallel_loop3A_132 : i32 to index
        %parallel_loop3A_483 = arith.constant 464 : index
        %parallel_loop3A_484 = tpu.vector_load %arg10[%parallel_loop3A_482, %parallel_loop3A_483] {strides = array<i32>} : memref<48x640xf32, #tpu.memory_space<vmem>>, vector<1x16xf32>,
        %parallel_loop3A_485 = vector.shape_cast %parallel_loop3A_484 : vector<1x16xf32> to vector<16xf32>
        %parallel_loop3A_486 = arith.mulf %parallel_loop3A_481, %parallel_loop3A_485 : vector<16xf32>
        %parallel_loop3A_487 = arith.maximumf %parallel_loop3A_475, %parallel_loop3A_486 : vector<16xf32>
        %parallel_loop3A_488 = arith.constant 4 : i32
        %parallel_loop3A_489 = arith.addi %parallel_loop3A_132, %parallel_loop3A_488 : i32
        %parallel_loop3A_490 = arith.index_cast %parallel_loop3A_489 : i32 to index
        %parallel_loop3A_491 = arith.constant 80 : index
        %parallel_loop3A_492 = tpu.vector_load %arg9[%parallel_loop3A_490, %parallel_loop3A_491] {strides = array<i32>} : memref<56x128xf32, #tpu.memory_space<vmem>>, vector<1x16xf32>,
        %parallel_loop3A_493 = vector.shape_cast %parallel_loop3A_492 : vector<1x16xf32> to vector<16xf32>
        %parallel_loop3A_494 = arith.index_cast %parallel_loop3A_132 : i32 to index
        %parallel_loop3A_495 = arith.constant 592 : index
        %parallel_loop3A_496 = tpu.vector_load %arg10[%parallel_loop3A_494, %parallel_loop3A_495] {strides = array<i32>} : memref<48x640xf32, #tpu.memory_space<vmem>>, vector<1x16xf32>,
        %parallel_loop3A_497 = vector.shape_cast %parallel_loop3A_496 : vector<1x16xf32> to vector<16xf32>
        %parallel_loop3A_498 = arith.mulf %parallel_loop3A_493, %parallel_loop3A_497 : vector<16xf32>
        %parallel_loop3A_499 = arith.maximumf %parallel_loop3A_487, %parallel_loop3A_498 : vector<16xf32>
        %parallel_loop3A_500 = arith.index_cast %parallel_loop3A_132 : i32 to index
        %parallel_loop3A_501 = arith.constant 80 : index
        %parallel_loop3A_502 = tpu.vector_load %arg13[%parallel_loop3A_500, %parallel_loop3A_501] {strides = array<i32>} : memref<46x128xf32, #tpu.memory_space<vmem>>, vector<1x16xf32>,
        %parallel_loop3A_503 = vector.shape_cast %parallel_loop3A_502 : vector<1x16xf32> to vector<16xf32>
        %parallel_loop3A_504 = vector.shape_cast %parallel_loop3A_499 : vector<16xf32> to vector<1x16xf32>
        tpu.vector_store %arg13[%parallel_loop3A_500, %parallel_loop3A_501], %parallel_loop3A_504 {strides = array<i32>} : memref<46x128xf32, #tpu.memory_space<vmem>>, vector<1x16xf32>,
        %parallel_loop3A_505 = arith.index_cast %parallel_loop3A_132 : i32 to index
        %parallel_loop3A_506 = arith.constant 96 : index
        %parallel_loop3A_507 = tpu.vector_load %arg9[%parallel_loop3A_505, %parallel_loop3A_506] {strides = array<i32>} : memref<56x128xf32, #tpu.memory_space<vmem>>, vector<1x16xf32>,
        %parallel_loop3A_508 = vector.shape_cast %parallel_loop3A_507 : vector<1x16xf32> to vector<16xf32>
        %parallel_loop3A_509 = arith.index_cast %parallel_loop3A_132 : i32 to index
        %parallel_loop3A_510 = arith.constant 96 : index
        %parallel_loop3A_511 = tpu.vector_load %arg10[%parallel_loop3A_509, %parallel_loop3A_510] {strides = array<i32>} : memref<48x640xf32, #tpu.memory_space<vmem>>, vector<1x16xf32>,
        %parallel_loop3A_512 = vector.shape_cast %parallel_loop3A_511 : vector<1x16xf32> to vector<16xf32>
        %parallel_loop3A_513 = arith.mulf %parallel_loop3A_508, %parallel_loop3A_512 : vector<16xf32>
        %parallel_loop3A_514 = arith.constant 1 : i32
        %parallel_loop3A_515 = arith.addi %parallel_loop3A_132, %parallel_loop3A_514 : i32
        %parallel_loop3A_516 = arith.index_cast %parallel_loop3A_515 : i32 to index
        %parallel_loop3A_517 = arith.constant 96 : index
        %parallel_loop3A_518 = tpu.vector_load %arg9[%parallel_loop3A_516, %parallel_loop3A_517] {strides = array<i32>} : memref<56x128xf32, #tpu.memory_space<vmem>>, vector<1x16xf32>,
        %parallel_loop3A_519 = vector.shape_cast %parallel_loop3A_518 : vector<1x16xf32> to vector<16xf32>
        %parallel_loop3A_520 = arith.index_cast %parallel_loop3A_132 : i32 to index
        %parallel_loop3A_521 = arith.constant 224 : index
        %parallel_loop3A_522 = tpu.vector_load %arg10[%parallel_loop3A_520, %parallel_loop3A_521] {strides = array<i32>} : memref<48x640xf32, #tpu.memory_space<vmem>>, vector<1x16xf32>,
        %parallel_loop3A_523 = vector.shape_cast %parallel_loop3A_522 : vector<1x16xf32> to vector<16xf32>
        %parallel_loop3A_524 = arith.mulf %parallel_loop3A_519, %parallel_loop3A_523 : vector<16xf32>
        %parallel_loop3A_525 = arith.maximumf %parallel_loop3A_513, %parallel_loop3A_524 : vector<16xf32>
        %parallel_loop3A_526 = arith.constant 2 : i32
        %parallel_loop3A_527 = arith.addi %parallel_loop3A_132, %parallel_loop3A_526 : i32
        %parallel_loop3A_528 = arith.index_cast %parallel_loop3A_527 : i32 to index
        %parallel_loop3A_529 = arith.constant 96 : index
        %parallel_loop3A_530 = tpu.vector_load %arg9[%parallel_loop3A_528, %parallel_loop3A_529] {strides = array<i32>} : memref<56x128xf32, #tpu.memory_space<vmem>>, vector<1x16xf32>,
        %parallel_loop3A_531 = vector.shape_cast %parallel_loop3A_530 : vector<1x16xf32> to vector<16xf32>
        %parallel_loop3A_532 = arith.index_cast %parallel_loop3A_132 : i32 to index
        %parallel_loop3A_533 = arith.constant 352 : index
        %parallel_loop3A_534 = tpu.vector_load %arg10[%parallel_loop3A_532, %parallel_loop3A_533] {strides = array<i32>} : memref<48x640xf32, #tpu.memory_space<vmem>>, vector<1x16xf32>,
        %parallel_loop3A_535 = vector.shape_cast %parallel_loop3A_534 : vector<1x16xf32> to vector<16xf32>
        %parallel_loop3A_536 = arith.mulf %parallel_loop3A_531, %parallel_loop3A_535 : vector<16xf32>
        %parallel_loop3A_537 = arith.maximumf %parallel_loop3A_525, %parallel_loop3A_536 : vector<16xf32>
        %parallel_loop3A_538 = arith.constant 3 : i32
        %parallel_loop3A_539 = arith.addi %parallel_loop3A_132, %parallel_loop3A_538 : i32
        %parallel_loop3A_540 = arith.index_cast %parallel_loop3A_539 : i32 to index
        %parallel_loop3A_541 = arith.constant 96 : index
        %parallel_loop3A_542 = tpu.vector_load %arg9[%parallel_loop3A_540, %parallel_loop3A_541] {strides = array<i32>} : memref<56x128xf32, #tpu.memory_space<vmem>>, vector<1x16xf32>,
        %parallel_loop3A_543 = vector.shape_cast %parallel_loop3A_542 : vector<1x16xf32> to vector<16xf32>
        %parallel_loop3A_544 = arith.index_cast %parallel_loop3A_132 : i32 to index
        %parallel_loop3A_545 = arith.constant 480 : index
        %parallel_loop3A_546 = tpu.vector_load %arg10[%parallel_loop3A_544, %parallel_loop3A_545] {strides = array<i32>} : memref<48x640xf32, #tpu.memory_space<vmem>>, vector<1x16xf32>,
        %parallel_loop3A_547 = vector.shape_cast %parallel_loop3A_546 : vector<1x16xf32> to vector<16xf32>
        %parallel_loop3A_548 = arith.mulf %parallel_loop3A_543, %parallel_loop3A_547 : vector<16xf32>
        %parallel_loop3A_549 = arith.maximumf %parallel_loop3A_537, %parallel_loop3A_548 : vector<16xf32>
        %parallel_loop3A_550 = arith.constant 4 : i32
        %parallel_loop3A_551 = arith.addi %parallel_loop3A_132, %parallel_loop3A_550 : i32
        %parallel_loop3A_552 = arith.index_cast %parallel_loop3A_551 : i32 to index
        %parallel_loop3A_553 = arith.constant 96 : index
        %parallel_loop3A_554 = tpu.vector_load %arg9[%parallel_loop3A_552, %parallel_loop3A_553] {strides = array<i32>} : memref<56x128xf32, #tpu.memory_space<vmem>>, vector<1x16xf32>,
        %parallel_loop3A_555 = vector.shape_cast %parallel_loop3A_554 : vector<1x16xf32> to vector<16xf32>
        %parallel_loop3A_556 = arith.index_cast %parallel_loop3A_132 : i32 to index
        %parallel_loop3A_557 = arith.constant 608 : index
        %parallel_loop3A_558 = tpu.vector_load %arg10[%parallel_loop3A_556, %parallel_loop3A_557] {strides = array<i32>} : memref<48x640xf32, #tpu.memory_space<vmem>>, vector<1x16xf32>,
        %parallel_loop3A_559 = vector.shape_cast %parallel_loop3A_558 : vector<1x16xf32> to vector<16xf32>
        %parallel_loop3A_560 = arith.mulf %parallel_loop3A_555, %parallel_loop3A_559 : vector<16xf32>
        %parallel_loop3A_561 = arith.maximumf %parallel_loop3A_549, %parallel_loop3A_560 : vector<16xf32>
        %parallel_loop3A_562 = arith.index_cast %parallel_loop3A_132 : i32 to index
        %parallel_loop3A_563 = arith.constant 96 : index
        %parallel_loop3A_564 = tpu.vector_load %arg13[%parallel_loop3A_562, %parallel_loop3A_563] {strides = array<i32>} : memref<46x128xf32, #tpu.memory_space<vmem>>, vector<1x16xf32>,
        %parallel_loop3A_565 = vector.shape_cast %parallel_loop3A_564 : vector<1x16xf32> to vector<16xf32>
        %parallel_loop3A_566 = vector.shape_cast %parallel_loop3A_561 : vector<16xf32> to vector<1x16xf32>
        tpu.vector_store %arg13[%parallel_loop3A_562, %parallel_loop3A_563], %parallel_loop3A_566 {strides = array<i32>} : memref<46x128xf32, #tpu.memory_space<vmem>>, vector<1x16xf32>,
        %parallel_loop3A_567 = arith.index_cast %parallel_loop3A_132 : i32 to index
        %parallel_loop3A_568 = arith.constant 112 : index
        %parallel_loop3A_569 = tpu.vector_load %arg9[%parallel_loop3A_567, %parallel_loop3A_568] {strides = array<i32>} : memref<56x128xf32, #tpu.memory_space<vmem>>, vector<1x16xf32>,
        %parallel_loop3A_570 = vector.shape_cast %parallel_loop3A_569 : vector<1x16xf32> to vector<16xf32>
        %parallel_loop3A_571 = arith.index_cast %parallel_loop3A_132 : i32 to index
        %parallel_loop3A_572 = arith.constant 112 : index
        %parallel_loop3A_573 = tpu.vector_load %arg10[%parallel_loop3A_571, %parallel_loop3A_572] {strides = array<i32>} : memref<48x640xf32, #tpu.memory_space<vmem>>, vector<1x16xf32>,
        %parallel_loop3A_574 = vector.shape_cast %parallel_loop3A_573 : vector<1x16xf32> to vector<16xf32>
        %parallel_loop3A_575 = arith.mulf %parallel_loop3A_570, %parallel_loop3A_574 : vector<16xf32>
        %parallel_loop3A_576 = arith.constant 1 : i32
        %parallel_loop3A_577 = arith.addi %parallel_loop3A_132, %parallel_loop3A_576 : i32
        %parallel_loop3A_578 = arith.index_cast %parallel_loop3A_577 : i32 to index
        %parallel_loop3A_579 = arith.constant 112 : index
        %parallel_loop3A_580 = tpu.vector_load %arg9[%parallel_loop3A_578, %parallel_loop3A_579] {strides = array<i32>} : memref<56x128xf32, #tpu.memory_space<vmem>>, vector<1x16xf32>,
        %parallel_loop3A_581 = vector.shape_cast %parallel_loop3A_580 : vector<1x16xf32> to vector<16xf32>
        %parallel_loop3A_582 = arith.index_cast %parallel_loop3A_132 : i32 to index
        %parallel_loop3A_583 = arith.constant 240 : index
        %parallel_loop3A_584 = tpu.vector_load %arg10[%parallel_loop3A_582, %parallel_loop3A_583] {strides = array<i32>} : memref<48x640xf32, #tpu.memory_space<vmem>>, vector<1x16xf32>,
        %parallel_loop3A_585 = vector.shape_cast %parallel_loop3A_584 : vector<1x16xf32> to vector<16xf32>
        %parallel_loop3A_586 = arith.mulf %parallel_loop3A_581, %parallel_loop3A_585 : vector<16xf32>
        %parallel_loop3A_587 = arith.maximumf %parallel_loop3A_575, %parallel_loop3A_586 : vector<16xf32>
        %parallel_loop3A_588 = arith.constant 2 : i32
        %parallel_loop3A_589 = arith.addi %parallel_loop3A_132, %parallel_loop3A_588 : i32
        %parallel_loop3A_590 = arith.index_cast %parallel_loop3A_589 : i32 to index
        %parallel_loop3A_591 = arith.constant 112 : index
        %parallel_loop3A_592 = tpu.vector_load %arg9[%parallel_loop3A_590, %parallel_loop3A_591] {strides = array<i32>} : memref<56x128xf32, #tpu.memory_space<vmem>>, vector<1x16xf32>,
        %parallel_loop3A_593 = vector.shape_cast %parallel_loop3A_592 : vector<1x16xf32> to vector<16xf32>
        %parallel_loop3A_594 = arith.index_cast %parallel_loop3A_132 : i32 to index
        %parallel_loop3A_595 = arith.constant 368 : index
        %parallel_loop3A_596 = tpu.vector_load %arg10[%parallel_loop3A_594, %parallel_loop3A_595] {strides = array<i32>} : memref<48x640xf32, #tpu.memory_space<vmem>>, vector<1x16xf32>,
        %parallel_loop3A_597 = vector.shape_cast %parallel_loop3A_596 : vector<1x16xf32> to vector<16xf32>
        %parallel_loop3A_598 = arith.mulf %parallel_loop3A_593, %parallel_loop3A_597 : vector<16xf32>
        %parallel_loop3A_599 = arith.maximumf %parallel_loop3A_587, %parallel_loop3A_598 : vector<16xf32>
        %parallel_loop3A_600 = arith.constant 3 : i32
        %parallel_loop3A_601 = arith.addi %parallel_loop3A_132, %parallel_loop3A_600 : i32
        %parallel_loop3A_602 = arith.index_cast %parallel_loop3A_601 : i32 to index
        %parallel_loop3A_603 = arith.constant 112 : index
        %parallel_loop3A_604 = tpu.vector_load %arg9[%parallel_loop3A_602, %parallel_loop3A_603] {strides = array<i32>} : memref<56x128xf32, #tpu.memory_space<vmem>>, vector<1x16xf32>,
        %parallel_loop3A_605 = vector.shape_cast %parallel_loop3A_604 : vector<1x16xf32> to vector<16xf32>
        %parallel_loop3A_606 = arith.index_cast %parallel_loop3A_132 : i32 to index
        %parallel_loop3A_607 = arith.constant 496 : index
        %parallel_loop3A_608 = tpu.vector_load %arg10[%parallel_loop3A_606, %parallel_loop3A_607] {strides = array<i32>} : memref<48x640xf32, #tpu.memory_space<vmem>>, vector<1x16xf32>,
        %parallel_loop3A_609 = vector.shape_cast %parallel_loop3A_608 : vector<1x16xf32> to vector<16xf32>
        %parallel_loop3A_610 = arith.mulf %parallel_loop3A_605, %parallel_loop3A_609 : vector<16xf32>
        %parallel_loop3A_611 = arith.maximumf %parallel_loop3A_599, %parallel_loop3A_610 : vector<16xf32>
        %parallel_loop3A_612 = arith.constant 4 : i32
        %parallel_loop3A_613 = arith.addi %parallel_loop3A_132, %parallel_loop3A_612 : i32
        %parallel_loop3A_614 = arith.index_cast %parallel_loop3A_613 : i32 to index
        %parallel_loop3A_615 = arith.constant 112 : index
        %parallel_loop3A_616 = tpu.vector_load %arg9[%parallel_loop3A_614, %parallel_loop3A_615] {strides = array<i32>} : memref<56x128xf32, #tpu.memory_space<vmem>>, vector<1x16xf32>,
        %parallel_loop3A_617 = vector.shape_cast %parallel_loop3A_616 : vector<1x16xf32> to vector<16xf32>
        %parallel_loop3A_618 = arith.index_cast %parallel_loop3A_132 : i32 to index
        %parallel_loop3A_619 = arith.constant 624 : index
        %parallel_loop3A_620 = tpu.vector_load %arg10[%parallel_loop3A_618, %parallel_loop3A_619] {strides = array<i32>} : memref<48x640xf32, #tpu.memory_space<vmem>>, vector<1x16xf32>,
        %parallel_loop3A_621 = vector.shape_cast %parallel_loop3A_620 : vector<1x16xf32> to vector<16xf32>
        %parallel_loop3A_622 = arith.mulf %parallel_loop3A_617, %parallel_loop3A_621 : vector<16xf32>
        %parallel_loop3A_623 = arith.maximumf %parallel_loop3A_611, %parallel_loop3A_622 : vector<16xf32>
        %parallel_loop3A_624 = arith.index_cast %parallel_loop3A_132 : i32 to index
        %parallel_loop3A_625 = arith.constant 112 : index
        %parallel_loop3A_626 = tpu.vector_load %arg13[%parallel_loop3A_624, %parallel_loop3A_625] {strides = array<i32>} : memref<46x128xf32, #tpu.memory_space<vmem>>, vector<1x16xf32>,
        %parallel_loop3A_627 = vector.shape_cast %parallel_loop3A_626 : vector<1x16xf32> to vector<16xf32>
        %parallel_loop3A_628 = vector.shape_cast %parallel_loop3A_623 : vector<16xf32> to vector<1x16xf32>
        tpu.vector_store %arg13[%parallel_loop3A_624, %parallel_loop3A_625], %parallel_loop3A_628 {strides = array<i32>} : memref<46x128xf32, #tpu.memory_space<vmem>>, vector<1x16xf32>,
      } {sc.loop_unroll_factor = 1 : i64, sc.parallel_access}
      %add3A_77 = arith.addi %mul3A_2, %add3A_60 : i32
      %dma_start3A_78 = arith.constant 0 : i32
      %dma_start3A_79 = arith.constant 0 : i32
      %dma_start3A_80 = tpu.memref_slice %arg6[%add3A_77, %dma_start3A_78, %dma_start3A_79] : memref<1024x46x128xf32, #tpu.memory_space<hbm>> -> memref<1x46x128xf32, #tpu.memory_space<hbm>>
      %dma_start3A_81 = tpu.memref_squeeze %dma_start3A_80 : memref<1x46x128xf32, #tpu.memory_space<hbm>> -> memref<46x128xf32, #tpu.memory_space<hbm>>
      %dma_start3A_82 = arith.constant 0 : i32
      %dma_start3A_83 = arith.constant 0 : i32
      %dma_start3A_84 = tpu.memref_slice %arg6[%add3A_77, %dma_start3A_82, %dma_start3A_83] : memref<1024x46x128xf32, #tpu.memory_space<hbm>> -> memref<1x46x128xf32, #tpu.memory_space<hbm>>
      %dma_start3A_85 = tpu.memref_squeeze %dma_start3A_84 : memref<1x46x128xf32, #tpu.memory_space<hbm>> -> memref<46x128xf32, #tpu.memory_space<hbm>>
      tpu.enqueue_dma source(%arg13 : memref<46x128xf32, #tpu.memory_space<vmem>>) target(%dma_start3A_85 : memref<46x128xf32, #tpu.memory_space<hbm>>) target_semaphore(%arg17 : memref<!tpu.dma_semaphore, #tpu.memory_space<semaphore_mem>>)
      %add3A_86 = arith.constant 2 : i32
      %add3A_87 = arith.addi %add3A_60, %add3A_86 : i32
      %lt3A = arith.constant 32 : i32
      %lt3A_88 = arith.cmpi slt, %add3A_87, %lt3A : i32
      %convert_element_type3A_89 = arith.extui %lt3A_88 : i1 to i32
      %cond3A_90 = arith.constant 0 : i32
      %cond3A_91 = arith.cmpi ne, %convert_element_type3A_89, %cond3A_90 : i32
      scf.if %cond3A_91 {
        %add3A_132 = arith.constant 2 : i32
        %add3A_133 = arith.addi %add3A_60, %add3A_132 : i32
        %dma_start3A_134 = arith.constant 0 : i32
        %dma_start3A_135 = tpu.memref_slice %arg7[%add3A_133, %dma_start3A_134] : memref<32x56xi32, #tpu.memory_space<vmem>> -> memref<1x56xi32, #tpu.memory_space<vmem>>
        %dma_start3A_136 = tpu.memref_squeeze %dma_start3A_135 : memref<1x56xi32, #tpu.memory_space<vmem>> -> memref<56xi32, #tpu.memory_space<vmem>>
        %dma_start3A_137 = arith.constant 0 : i32
        %dma_start3A_138 = arith.constant 0 : i32
        %dma_start3A_139 = tpu.memref_slice %arg4[%dma_start3A_137, %dma_start3A_138] : memref<1000x128xf32, #tpu.memory_space<hbm>> -> memref<1000x128xf32, #tpu.memory_space<hbm>>
        tpu.enqueue_indirect_dma source(%dma_start3A_139 : memref<1000x128xf32, #tpu.memory_space<hbm>>) target(%arg9 : memref<56x128xf32, #tpu.memory_space<vmem>>) offsets(%dma_start3A_136 : memref<56xi32, #tpu.memory_space<vmem>>) semaphore(%arg15 : memref<!tpu.dma_semaphore, #tpu.memory_space<semaphore_mem>>)
        %dma_start3A_140 = arith.constant 0 : i32
        %dma_start3A_141 = tpu.memref_slice %arg8[%add3A_133, %dma_start3A_140] : memref<32x48xi32, #tpu.memory_space<vmem>> -> memref<1x48xi32, #tpu.memory_space<vmem>>
        %dma_start3A_142 = tpu.memref_squeeze %dma_start3A_141 : memref<1x48xi32, #tpu.memory_space<vmem>> -> memref<48xi32, #tpu.memory_space<vmem>>
        %dma_start3A_143 = arith.constant 0 : i32
        %dma_start3A_144 = arith.constant 0 : i32
        %dma_start3A_145 = tpu.memref_slice %arg5[%dma_start3A_143, %dma_start3A_144] : memref<1000x640xf32, #tpu.memory_space<hbm>> -> memref<1000x640xf32, #tpu.memory_space<hbm>>
        tpu.enqueue_indirect_dma source(%dma_start3A_145 : memref<1000x640xf32, #tpu.memory_space<hbm>>) target(%arg10 : memref<48x640xf32, #tpu.memory_space<vmem>>) offsets(%dma_start3A_142 : memref<48xi32, #tpu.memory_space<vmem>>) semaphore(%arg15 : memref<!tpu.dma_semaphore, #tpu.memory_space<semaphore_mem>>)
      } else {
      }
      %add3A_92 = arith.constant 1 : i32
      %add3A_93 = arith.addi %add3A_60, %add3A_92 : i32
      %dma_wait3A_94 = arith.constant 0 : i32
      %dma_wait3A_95 = tpu.memref_slice %arg7[%add3A_93, %dma_wait3A_94] : memref<32x56xi32, #tpu.memory_space<vmem>> -> memref<1x56xi32, #tpu.memory_space<vmem>>
      %dma_wait3A_96 = tpu.memref_squeeze %dma_wait3A_95 : memref<1x56xi32, #tpu.memory_space<vmem>> -> memref<56xi32, #tpu.memory_space<vmem>>
      %dma_wait3A_97 = arith.constant 0 : i32
      %dma_wait3A_98 = arith.constant 0 : i32
      %dma_wait3A_99 = tpu.memref_slice %arg4[%dma_wait3A_97, %dma_wait3A_98] : memref<1000x128xf32, #tpu.memory_space<hbm>> -> memref<1000x128xf32, #tpu.memory_space<hbm>>
      tpu.wait_indirect_dma semaphore(%arg16 : memref<!tpu.dma_semaphore, #tpu.memory_space<semaphore_mem>>) src(%dma_wait3A_99 : memref<1000x128xf32, #tpu.memory_space<hbm>>) dst(%arg11 : memref<56x128xf32, #tpu.memory_space<vmem>>)
      %dma_wait3A_100 = arith.constant 0 : i32
      %dma_wait3A_101 = tpu.memref_slice %arg8[%add3A_93, %dma_wait3A_100] : memref<32x48xi32, #tpu.memory_space<vmem>> -> memref<1x48xi32, #tpu.memory_space<vmem>>
      %dma_wait3A_102 = tpu.memref_squeeze %dma_wait3A_101 : memref<1x48xi32, #tpu.memory_space<vmem>> -> memref<48xi32, #tpu.memory_space<vmem>>
      %dma_wait3A_103 = arith.constant 0 : i32
      %dma_wait3A_104 = arith.constant 0 : i32
      %dma_wait3A_105 = tpu.memref_slice %arg5[%dma_wait3A_103, %dma_wait3A_104] : memref<1000x640xf32, #tpu.memory_space<hbm>> -> memref<1000x640xf32, #tpu.memory_space<hbm>>
      tpu.wait_indirect_dma semaphore(%arg16 : memref<!tpu.dma_semaphore, #tpu.memory_space<semaphore_mem>>) src(%dma_wait3A_105 : memref<1000x640xf32, #tpu.memory_space<hbm>>) dst(%arg12 : memref<48x640xf32, #tpu.memory_space<vmem>>)
      %ge3A_106 = arith.constant 2 : i32
      %ge3A_107 = arith.cmpi sge, %add3A_60, %ge3A_106 : i32
      %convert_element_type3A_108 = arith.extui %ge3A_107 : i1 to i32
      %cond3A_109 = arith.constant 0 : i32
      %cond3A_110 = arith.cmpi ne, %convert_element_type3A_108, %cond3A_109 : i32
      scf.if %cond3A_110 {
        %add3A_132 = arith.addi %mul3A_2, %add3A_60 : i32
        %sub3A_133 = arith.constant 1 : i32
        %sub3A_134 = arith.subi %add3A_132, %sub3A_133 : i32
        %dma_wait3A_135 = arith.constant 0 : i32
        %dma_wait3A_136 = arith.constant 0 : i32
        %dma_wait3A_137 = tpu.memref_slice %arg6[%sub3A_134, %dma_wait3A_135, %dma_wait3A_136] : memref<1024x46x128xf32, #tpu.memory_space<hbm>> -> memref<1x46x128xf32, #tpu.memory_space<hbm>>
        %dma_wait3A_138 = tpu.memref_squeeze %dma_wait3A_137 : memref<1x46x128xf32, #tpu.memory_space<hbm>> -> memref<46x128xf32, #tpu.memory_space<hbm>>
        %dma_wait3A_139 = arith.constant 0 : i32
        %dma_wait3A_140 = arith.constant 0 : i32
        %dma_wait3A_141 = tpu.memref_slice %arg6[%sub3A_134, %dma_wait3A_139, %dma_wait3A_140] : memref<1024x46x128xf32, #tpu.memory_space<hbm>> -> memref<1x46x128xf32, #tpu.memory_space<hbm>>
        %dma_wait3A_142 = tpu.memref_squeeze %dma_wait3A_141 : memref<1x46x128xf32, #tpu.memory_space<hbm>> -> memref<46x128xf32, #tpu.memory_space<hbm>>
        tpu.wait_dma2 semaphore(%arg18 : memref<!tpu.dma_semaphore, #tpu.memory_space<semaphore_mem>>) src(%arg14 : memref<46x128xf32, #tpu.memory_space<vmem>>) dst(%dma_wait3A_142 : memref<46x128xf32, #tpu.memory_space<hbm>>)
      } else {
      }
      %parallel_loop3A_111 = arith.constant 0 : i32
      %parallel_loop3A_112 = arith.constant 46 : i32
      %parallel_loop3A_113 = arith.constant 1 : i32
      scf.for %parallel_loop3A_132 = %parallel_loop3A_111 to %parallel_loop3A_112 step %parallel_loop3A_113  : i32 {
        %parallel_loop3A_133 = arith.index_cast %parallel_loop3A_132 : i32 to index
        %parallel_loop3A_134 = arith.constant 0 : index
        %parallel_loop3A_135 = tpu.vector_load %arg11[%parallel_loop3A_133, %parallel_loop3A_134] {strides = array<i32>} : memref<56x128xf32, #tpu.memory_space<vmem>>, vector<1x16xf32>,
        %parallel_loop3A_136 = vector.shape_cast %parallel_loop3A_135 : vector<1x16xf32> to vector<16xf32>
        %parallel_loop3A_137 = arith.index_cast %parallel_loop3A_132 : i32 to index
        %parallel_loop3A_138 = arith.constant 0 : index
        %parallel_loop3A_139 = tpu.vector_load %arg12[%parallel_loop3A_137, %parallel_loop3A_138] {strides = array<i32>} : memref<48x640xf32, #tpu.memory_space<vmem>>, vector<1x16xf32>,
        %parallel_loop3A_140 = vector.shape_cast %parallel_loop3A_139 : vector<1x16xf32> to vector<16xf32>
        %parallel_loop3A_141 = arith.mulf %parallel_loop3A_136, %parallel_loop3A_140 : vector<16xf32>
        %parallel_loop3A_142 = arith.constant 1 : i32
        %parallel_loop3A_143 = arith.addi %parallel_loop3A_132, %parallel_loop3A_142 : i32
        %parallel_loop3A_144 = arith.index_cast %parallel_loop3A_143 : i32 to index
        %parallel_loop3A_145 = arith.constant 0 : index
        %parallel_loop3A_146 = tpu.vector_load %arg11[%parallel_loop3A_144, %parallel_loop3A_145] {strides = array<i32>} : memref<56x128xf32, #tpu.memory_space<vmem>>, vector<1x16xf32>,
        %parallel_loop3A_147 = vector.shape_cast %parallel_loop3A_146 : vector<1x16xf32> to vector<16xf32>
        %parallel_loop3A_148 = arith.index_cast %parallel_loop3A_132 : i32 to index
        %parallel_loop3A_149 = arith.constant 128 : index
        %parallel_loop3A_150 = tpu.vector_load %arg12[%parallel_loop3A_148, %parallel_loop3A_149] {strides = array<i32>} : memref<48x640xf32, #tpu.memory_space<vmem>>, vector<1x16xf32>,
        %parallel_loop3A_151 = vector.shape_cast %parallel_loop3A_150 : vector<1x16xf32> to vector<16xf32>
        %parallel_loop3A_152 = arith.mulf %parallel_loop3A_147, %parallel_loop3A_151 : vector<16xf32>
        %parallel_loop3A_153 = arith.maximumf %parallel_loop3A_141, %parallel_loop3A_152 : vector<16xf32>
        %parallel_loop3A_154 = arith.constant 2 : i32
        %parallel_loop3A_155 = arith.addi %parallel_loop3A_132, %parallel_loop3A_154 : i32
        %parallel_loop3A_156 = arith.index_cast %parallel_loop3A_155 : i32 to index
        %parallel_loop3A_157 = arith.constant 0 : index
        %parallel_loop3A_158 = tpu.vector_load %arg11[%parallel_loop3A_156, %parallel_loop3A_157] {strides = array<i32>} : memref<56x128xf32, #tpu.memory_space<vmem>>, vector<1x16xf32>,
        %parallel_loop3A_159 = vector.shape_cast %parallel_loop3A_158 : vector<1x16xf32> to vector<16xf32>
        %parallel_loop3A_160 = arith.index_cast %parallel_loop3A_132 : i32 to index
        %parallel_loop3A_161 = arith.constant 256 : index
        %parallel_loop3A_162 = tpu.vector_load %arg12[%parallel_loop3A_160, %parallel_loop3A_161] {strides = array<i32>} : memref<48x640xf32, #tpu.memory_space<vmem>>, vector<1x16xf32>,
        %parallel_loop3A_163 = vector.shape_cast %parallel_loop3A_162 : vector<1x16xf32> to vector<16xf32>
        %parallel_loop3A_164 = arith.mulf %parallel_loop3A_159, %parallel_loop3A_163 : vector<16xf32>
        %parallel_loop3A_165 = arith.maximumf %parallel_loop3A_153, %parallel_loop3A_164 : vector<16xf32>
        %parallel_loop3A_166 = arith.constant 3 : i32
        %parallel_loop3A_167 = arith.addi %parallel_loop3A_132, %parallel_loop3A_166 : i32
        %parallel_loop3A_168 = arith.index_cast %parallel_loop3A_167 : i32 to index
        %parallel_loop3A_169 = arith.constant 0 : index
        %parallel_loop3A_170 = tpu.vector_load %arg11[%parallel_loop3A_168, %parallel_loop3A_169] {strides = array<i32>} : memref<56x128xf32, #tpu.memory_space<vmem>>, vector<1x16xf32>,
        %parallel_loop3A_171 = vector.shape_cast %parallel_loop3A_170 : vector<1x16xf32> to vector<16xf32>
        %parallel_loop3A_172 = arith.index_cast %parallel_loop3A_132 : i32 to index
        %parallel_loop3A_173 = arith.constant 384 : index
        %parallel_loop3A_174 = tpu.vector_load %arg12[%parallel_loop3A_172, %parallel_loop3A_173] {strides = array<i32>} : memref<48x640xf32, #tpu.memory_space<vmem>>, vector<1x16xf32>,
        %parallel_loop3A_175 = vector.shape_cast %parallel_loop3A_174 : vector<1x16xf32> to vector<16xf32>
        %parallel_loop3A_176 = arith.mulf %parallel_loop3A_171, %parallel_loop3A_175 : vector<16xf32>
        %parallel_loop3A_177 = arith.maximumf %parallel_loop3A_165, %parallel_loop3A_176 : vector<16xf32>
        %parallel_loop3A_178 = arith.constant 4 : i32
        %parallel_loop3A_179 = arith.addi %parallel_loop3A_132, %parallel_loop3A_178 : i32
        %parallel_loop3A_180 = arith.index_cast %parallel_loop3A_179 : i32 to index
        %parallel_loop3A_181 = arith.constant 0 : index
        %parallel_loop3A_182 = tpu.vector_load %arg11[%parallel_loop3A_180, %parallel_loop3A_181] {strides = array<i32>} : memref<56x128xf32, #tpu.memory_space<vmem>>, vector<1x16xf32>,
        %parallel_loop3A_183 = vector.shape_cast %parallel_loop3A_182 : vector<1x16xf32> to vector<16xf32>
        %parallel_loop3A_184 = arith.index_cast %parallel_loop3A_132 : i32 to index
        %parallel_loop3A_185 = arith.constant 512 : index
        %parallel_loop3A_186 = tpu.vector_load %arg12[%parallel_loop3A_184, %parallel_loop3A_185] {strides = array<i32>} : memref<48x640xf32, #tpu.memory_space<vmem>>, vector<1x16xf32>,
        %parallel_loop3A_187 = vector.shape_cast %parallel_loop3A_186 : vector<1x16xf32> to vector<16xf32>
        %parallel_loop3A_188 = arith.mulf %parallel_loop3A_183, %parallel_loop3A_187 : vector<16xf32>
        %parallel_loop3A_189 = arith.maximumf %parallel_loop3A_177, %parallel_loop3A_188 : vector<16xf32>
        %parallel_loop3A_190 = arith.index_cast %parallel_loop3A_132 : i32 to index
        %parallel_loop3A_191 = arith.constant 0 : index
        %parallel_loop3A_192 = tpu.vector_load %arg14[%parallel_loop3A_190, %parallel_loop3A_191] {strides = array<i32>} : memref<46x128xf32, #tpu.memory_space<vmem>>, vector<1x16xf32>,
        %parallel_loop3A_193 = vector.shape_cast %parallel_loop3A_192 : vector<1x16xf32> to vector<16xf32>
        %parallel_loop3A_194 = vector.shape_cast %parallel_loop3A_189 : vector<16xf32> to vector<1x16xf32>
        tpu.vector_store %arg14[%parallel_loop3A_190, %parallel_loop3A_191], %parallel_loop3A_194 {strides = array<i32>} : memref<46x128xf32, #tpu.memory_space<vmem>>, vector<1x16xf32>,
        %parallel_loop3A_195 = arith.index_cast %parallel_loop3A_132 : i32 to index
        %parallel_loop3A_196 = arith.constant 16 : index
        %parallel_loop3A_197 = tpu.vector_load %arg11[%parallel_loop3A_195, %parallel_loop3A_196] {strides = array<i32>} : memref<56x128xf32, #tpu.memory_space<vmem>>, vector<1x16xf32>,
        %parallel_loop3A_198 = vector.shape_cast %parallel_loop3A_197 : vector<1x16xf32> to vector<16xf32>
        %parallel_loop3A_199 = arith.index_cast %parallel_loop3A_132 : i32 to index
        %parallel_loop3A_200 = arith.constant 16 : index
        %parallel_loop3A_201 = tpu.vector_load %arg12[%parallel_loop3A_199, %parallel_loop3A_200] {strides = array<i32>} : memref<48x640xf32, #tpu.memory_space<vmem>>, vector<1x16xf32>,
        %parallel_loop3A_202 = vector.shape_cast %parallel_loop3A_201 : vector<1x16xf32> to vector<16xf32>
        %parallel_loop3A_203 = arith.mulf %parallel_loop3A_198, %parallel_loop3A_202 : vector<16xf32>
        %parallel_loop3A_204 = arith.constant 1 : i32
        %parallel_loop3A_205 = arith.addi %parallel_loop3A_132, %parallel_loop3A_204 : i32
        %parallel_loop3A_206 = arith.index_cast %parallel_loop3A_205 : i32 to index
        %parallel_loop3A_207 = arith.constant 16 : index
        %parallel_loop3A_208 = tpu.vector_load %arg11[%parallel_loop3A_206, %parallel_loop3A_207] {strides = array<i32>} : memref<56x128xf32, #tpu.memory_space<vmem>>, vector<1x16xf32>,
        %parallel_loop3A_209 = vector.shape_cast %parallel_loop3A_208 : vector<1x16xf32> to vector<16xf32>
        %parallel_loop3A_210 = arith.index_cast %parallel_loop3A_132 : i32 to index
        %parallel_loop3A_211 = arith.constant 144 : index
        %parallel_loop3A_212 = tpu.vector_load %arg12[%parallel_loop3A_210, %parallel_loop3A_211] {strides = array<i32>} : memref<48x640xf32, #tpu.memory_space<vmem>>, vector<1x16xf32>,
        %parallel_loop3A_213 = vector.shape_cast %parallel_loop3A_212 : vector<1x16xf32> to vector<16xf32>
        %parallel_loop3A_214 = arith.mulf %parallel_loop3A_209, %parallel_loop3A_213 : vector<16xf32>
        %parallel_loop3A_215 = arith.maximumf %parallel_loop3A_203, %parallel_loop3A_214 : vector<16xf32>
        %parallel_loop3A_216 = arith.constant 2 : i32
        %parallel_loop3A_217 = arith.addi %parallel_loop3A_132, %parallel_loop3A_216 : i32
        %parallel_loop3A_218 = arith.index_cast %parallel_loop3A_217 : i32 to index
        %parallel_loop3A_219 = arith.constant 16 : index
        %parallel_loop3A_220 = tpu.vector_load %arg11[%parallel_loop3A_218, %parallel_loop3A_219] {strides = array<i32>} : memref<56x128xf32, #tpu.memory_space<vmem>>, vector<1x16xf32>,
        %parallel_loop3A_221 = vector.shape_cast %parallel_loop3A_220 : vector<1x16xf32> to vector<16xf32>
        %parallel_loop3A_222 = arith.index_cast %parallel_loop3A_132 : i32 to index
        %parallel_loop3A_223 = arith.constant 272 : index
        %parallel_loop3A_224 = tpu.vector_load %arg12[%parallel_loop3A_222, %parallel_loop3A_223] {strides = array<i32>} : memref<48x640xf32, #tpu.memory_space<vmem>>, vector<1x16xf32>,
        %parallel_loop3A_225 = vector.shape_cast %parallel_loop3A_224 : vector<1x16xf32> to vector<16xf32>
        %parallel_loop3A_226 = arith.mulf %parallel_loop3A_221, %parallel_loop3A_225 : vector<16xf32>
        %parallel_loop3A_227 = arith.maximumf %parallel_loop3A_215, %parallel_loop3A_226 : vector<16xf32>
        %parallel_loop3A_228 = arith.constant 3 : i32
        %parallel_loop3A_229 = arith.addi %parallel_loop3A_132, %parallel_loop3A_228 : i32
        %parallel_loop3A_230 = arith.index_cast %parallel_loop3A_229 : i32 to index
        %parallel_loop3A_231 = arith.constant 16 : index
        %parallel_loop3A_232 = tpu.vector_load %arg11[%parallel_loop3A_230, %parallel_loop3A_231] {strides = array<i32>} : memref<56x128xf32, #tpu.memory_space<vmem>>, vector<1x16xf32>,
        %parallel_loop3A_233 = vector.shape_cast %parallel_loop3A_232 : vector<1x16xf32> to vector<16xf32>
        %parallel_loop3A_234 = arith.index_cast %parallel_loop3A_132 : i32 to index
        %parallel_loop3A_235 = arith.constant 400 : index
        %parallel_loop3A_236 = tpu.vector_load %arg12[%parallel_loop3A_234, %parallel_loop3A_235] {strides = array<i32>} : memref<48x640xf32, #tpu.memory_space<vmem>>, vector<1x16xf32>,
        %parallel_loop3A_237 = vector.shape_cast %parallel_loop3A_236 : vector<1x16xf32> to vector<16xf32>
        %parallel_loop3A_238 = arith.mulf %parallel_loop3A_233, %parallel_loop3A_237 : vector<16xf32>
        %parallel_loop3A_239 = arith.maximumf %parallel_loop3A_227, %parallel_loop3A_238 : vector<16xf32>
        %parallel_loop3A_240 = arith.constant 4 : i32
        %parallel_loop3A_241 = arith.addi %parallel_loop3A_132, %parallel_loop3A_240 : i32
        %parallel_loop3A_242 = arith.index_cast %parallel_loop3A_241 : i32 to index
        %parallel_loop3A_243 = arith.constant 16 : index
        %parallel_loop3A_244 = tpu.vector_load %arg11[%parallel_loop3A_242, %parallel_loop3A_243] {strides = array<i32>} : memref<56x128xf32, #tpu.memory_space<vmem>>, vector<1x16xf32>,
        %parallel_loop3A_245 = vector.shape_cast %parallel_loop3A_244 : vector<1x16xf32> to vector<16xf32>
        %parallel_loop3A_246 = arith.index_cast %parallel_loop3A_132 : i32 to index
        %parallel_loop3A_247 = arith.constant 528 : index
        %parallel_loop3A_248 = tpu.vector_load %arg12[%parallel_loop3A_246, %parallel_loop3A_247] {strides = array<i32>} : memref<48x640xf32, #tpu.memory_space<vmem>>, vector<1x16xf32>,
        %parallel_loop3A_249 = vector.shape_cast %parallel_loop3A_248 : vector<1x16xf32> to vector<16xf32>
        %parallel_loop3A_250 = arith.mulf %parallel_loop3A_245, %parallel_loop3A_249 : vector<16xf32>
        %parallel_loop3A_251 = arith.maximumf %parallel_loop3A_239, %parallel_loop3A_250 : vector<16xf32>
        %parallel_loop3A_252 = arith.index_cast %parallel_loop3A_132 : i32 to index
        %parallel_loop3A_253 = arith.constant 16 : index
        %parallel_loop3A_254 = tpu.vector_load %arg14[%parallel_loop3A_252, %parallel_loop3A_253] {strides = array<i32>} : memref<46x128xf32, #tpu.memory_space<vmem>>, vector<1x16xf32>,
        %parallel_loop3A_255 = vector.shape_cast %parallel_loop3A_254 : vector<1x16xf32> to vector<16xf32>
        %parallel_loop3A_256 = vector.shape_cast %parallel_loop3A_251 : vector<16xf32> to vector<1x16xf32>
        tpu.vector_store %arg14[%parallel_loop3A_252, %parallel_loop3A_253], %parallel_loop3A_256 {strides = array<i32>} : memref<46x128xf32, #tpu.memory_space<vmem>>, vector<1x16xf32>,
        %parallel_loop3A_257 = arith.index_cast %parallel_loop3A_132 : i32 to index
        %parallel_loop3A_258 = arith.constant 32 : index
        %parallel_loop3A_259 = tpu.vector_load %arg11[%parallel_loop3A_257, %parallel_loop3A_258] {strides = array<i32>} : memref<56x128xf32, #tpu.memory_space<vmem>>, vector<1x16xf32>,
        %parallel_loop3A_260 = vector.shape_cast %parallel_loop3A_259 : vector<1x16xf32> to vector<16xf32>
        %parallel_loop3A_261 = arith.index_cast %parallel_loop3A_132 : i32 to index
        %parallel_loop3A_262 = arith.constant 32 : index
        %parallel_loop3A_263 = tpu.vector_load %arg12[%parallel_loop3A_261, %parallel_loop3A_262] {strides = array<i32>} : memref<48x640xf32, #tpu.memory_space<vmem>>, vector<1x16xf32>,
        %parallel_loop3A_264 = vector.shape_cast %parallel_loop3A_263 : vector<1x16xf32> to vector<16xf32>
        %parallel_loop3A_265 = arith.mulf %parallel_loop3A_260, %parallel_loop3A_264 : vector<16xf32>
        %parallel_loop3A_266 = arith.constant 1 : i32
        %parallel_loop3A_267 = arith.addi %parallel_loop3A_132, %parallel_loop3A_266 : i32
        %parallel_loop3A_268 = arith.index_cast %parallel_loop3A_267 : i32 to index
        %parallel_loop3A_269 = arith.constant 32 : index
        %parallel_loop3A_270 = tpu.vector_load %arg11[%parallel_loop3A_268, %parallel_loop3A_269] {strides = array<i32>} : memref<56x128xf32, #tpu.memory_space<vmem>>, vector<1x16xf32>,
        %parallel_loop3A_271 = vector.shape_cast %parallel_loop3A_270 : vector<1x16xf32> to vector<16xf32>
        %parallel_loop3A_272 = arith.index_cast %parallel_loop3A_132 : i32 to index
        %parallel_loop3A_273 = arith.constant 160 : index
        %parallel_loop3A_274 = tpu.vector_load %arg12[%parallel_loop3A_272, %parallel_loop3A_273] {strides = array<i32>} : memref<48x640xf32, #tpu.memory_space<vmem>>, vector<1x16xf32>,
        %parallel_loop3A_275 = vector.shape_cast %parallel_loop3A_274 : vector<1x16xf32> to vector<16xf32>
        %parallel_loop3A_276 = arith.mulf %parallel_loop3A_271, %parallel_loop3A_275 : vector<16xf32>
        %parallel_loop3A_277 = arith.maximumf %parallel_loop3A_265, %parallel_loop3A_276 : vector<16xf32>
        %parallel_loop3A_278 = arith.constant 2 : i32
        %parallel_loop3A_279 = arith.addi %parallel_loop3A_132, %parallel_loop3A_278 : i32
        %parallel_loop3A_280 = arith.index_cast %parallel_loop3A_279 : i32 to index
        %parallel_loop3A_281 = arith.constant 32 : index
        %parallel_loop3A_282 = tpu.vector_load %arg11[%parallel_loop3A_280, %parallel_loop3A_281] {strides = array<i32>} : memref<56x128xf32, #tpu.memory_space<vmem>>, vector<1x16xf32>,
        %parallel_loop3A_283 = vector.shape_cast %parallel_loop3A_282 : vector<1x16xf32> to vector<16xf32>
        %parallel_loop3A_284 = arith.index_cast %parallel_loop3A_132 : i32 to index
        %parallel_loop3A_285 = arith.constant 288 : index
        %parallel_loop3A_286 = tpu.vector_load %arg12[%parallel_loop3A_284, %parallel_loop3A_285] {strides = array<i32>} : memref<48x640xf32, #tpu.memory_space<vmem>>, vector<1x16xf32>,
        %parallel_loop3A_287 = vector.shape_cast %parallel_loop3A_286 : vector<1x16xf32> to vector<16xf32>
        %parallel_loop3A_288 = arith.mulf %parallel_loop3A_283, %parallel_loop3A_287 : vector<16xf32>
        %parallel_loop3A_289 = arith.maximumf %parallel_loop3A_277, %parallel_loop3A_288 : vector<16xf32>
        %parallel_loop3A_290 = arith.constant 3 : i32
        %parallel_loop3A_291 = arith.addi %parallel_loop3A_132, %parallel_loop3A_290 : i32
        %parallel_loop3A_292 = arith.index_cast %parallel_loop3A_291 : i32 to index
        %parallel_loop3A_293 = arith.constant 32 : index
        %parallel_loop3A_294 = tpu.vector_load %arg11[%parallel_loop3A_292, %parallel_loop3A_293] {strides = array<i32>} : memref<56x128xf32, #tpu.memory_space<vmem>>, vector<1x16xf32>,
        %parallel_loop3A_295 = vector.shape_cast %parallel_loop3A_294 : vector<1x16xf32> to vector<16xf32>
        %parallel_loop3A_296 = arith.index_cast %parallel_loop3A_132 : i32 to index
        %parallel_loop3A_297 = arith.constant 416 : index
        %parallel_loop3A_298 = tpu.vector_load %arg12[%parallel_loop3A_296, %parallel_loop3A_297] {strides = array<i32>} : memref<48x640xf32, #tpu.memory_space<vmem>>, vector<1x16xf32>,
        %parallel_loop3A_299 = vector.shape_cast %parallel_loop3A_298 : vector<1x16xf32> to vector<16xf32>
        %parallel_loop3A_300 = arith.mulf %parallel_loop3A_295, %parallel_loop3A_299 : vector<16xf32>
        %parallel_loop3A_301 = arith.maximumf %parallel_loop3A_289, %parallel_loop3A_300 : vector<16xf32>
        %parallel_loop3A_302 = arith.constant 4 : i32
        %parallel_loop3A_303 = arith.addi %parallel_loop3A_132, %parallel_loop3A_302 : i32
        %parallel_loop3A_304 = arith.index_cast %parallel_loop3A_303 : i32 to index
        %parallel_loop3A_305 = arith.constant 32 : index
        %parallel_loop3A_306 = tpu.vector_load %arg11[%parallel_loop3A_304, %parallel_loop3A_305] {strides = array<i32>} : memref<56x128xf32, #tpu.memory_space<vmem>>, vector<1x16xf32>,
        %parallel_loop3A_307 = vector.shape_cast %parallel_loop3A_306 : vector<1x16xf32> to vector<16xf32>
        %parallel_loop3A_308 = arith.index_cast %parallel_loop3A_132 : i32 to index
        %parallel_loop3A_309 = arith.constant 544 : index
        %parallel_loop3A_310 = tpu.vector_load %arg12[%parallel_loop3A_308, %parallel_loop3A_309] {strides = array<i32>} : memref<48x640xf32, #tpu.memory_space<vmem>>, vector<1x16xf32>,
        %parallel_loop3A_311 = vector.shape_cast %parallel_loop3A_310 : vector<1x16xf32> to vector<16xf32>
        %parallel_loop3A_312 = arith.mulf %parallel_loop3A_307, %parallel_loop3A_311 : vector<16xf32>
        %parallel_loop3A_313 = arith.maximumf %parallel_loop3A_301, %parallel_loop3A_312 : vector<16xf32>
        %parallel_loop3A_314 = arith.index_cast %parallel_loop3A_132 : i32 to index
        %parallel_loop3A_315 = arith.constant 32 : index
        %parallel_loop3A_316 = tpu.vector_load %arg14[%parallel_loop3A_314, %parallel_loop3A_315] {strides = array<i32>} : memref<46x128xf32, #tpu.memory_space<vmem>>, vector<1x16xf32>,
        %parallel_loop3A_317 = vector.shape_cast %parallel_loop3A_316 : vector<1x16xf32> to vector<16xf32>
        %parallel_loop3A_318 = vector.shape_cast %parallel_loop3A_313 : vector<16xf32> to vector<1x16xf32>
        tpu.vector_store %arg14[%parallel_loop3A_314, %parallel_loop3A_315], %parallel_loop3A_318 {strides = array<i32>} : memref<46x128xf32, #tpu.memory_space<vmem>>, vector<1x16xf32>,
        %parallel_loop3A_319 = arith.index_cast %parallel_loop3A_132 : i32 to index
        %parallel_loop3A_320 = arith.constant 48 : index
        %parallel_loop3A_321 = tpu.vector_load %arg11[%parallel_loop3A_319, %parallel_loop3A_320] {strides = array<i32>} : memref<56x128xf32, #tpu.memory_space<vmem>>, vector<1x16xf32>,
        %parallel_loop3A_322 = vector.shape_cast %parallel_loop3A_321 : vector<1x16xf32> to vector<16xf32>
        %parallel_loop3A_323 = arith.index_cast %parallel_loop3A_132 : i32 to index
        %parallel_loop3A_324 = arith.constant 48 : index
        %parallel_loop3A_325 = tpu.vector_load %arg12[%parallel_loop3A_323, %parallel_loop3A_324] {strides = array<i32>} : memref<48x640xf32, #tpu.memory_space<vmem>>, vector<1x16xf32>,
        %parallel_loop3A_326 = vector.shape_cast %parallel_loop3A_325 : vector<1x16xf32> to vector<16xf32>
        %parallel_loop3A_327 = arith.mulf %parallel_loop3A_322, %parallel_loop3A_326 : vector<16xf32>
        %parallel_loop3A_328 = arith.constant 1 : i32
        %parallel_loop3A_329 = arith.addi %parallel_loop3A_132, %parallel_loop3A_328 : i32
        %parallel_loop3A_330 = arith.index_cast %parallel_loop3A_329 : i32 to index
        %parallel_loop3A_331 = arith.constant 48 : index
        %parallel_loop3A_332 = tpu.vector_load %arg11[%parallel_loop3A_330, %parallel_loop3A_331] {strides = array<i32>} : memref<56x128xf32, #tpu.memory_space<vmem>>, vector<1x16xf32>,
        %parallel_loop3A_333 = vector.shape_cast %parallel_loop3A_332 : vector<1x16xf32> to vector<16xf32>
        %parallel_loop3A_334 = arith.index_cast %parallel_loop3A_132 : i32 to index
        %parallel_loop3A_335 = arith.constant 176 : index
        %parallel_loop3A_336 = tpu.vector_load %arg12[%parallel_loop3A_334, %parallel_loop3A_335] {strides = array<i32>} : memref<48x640xf32, #tpu.memory_space<vmem>>, vector<1x16xf32>,
        %parallel_loop3A_337 = vector.shape_cast %parallel_loop3A_336 : vector<1x16xf32> to vector<16xf32>
        %parallel_loop3A_338 = arith.mulf %parallel_loop3A_333, %parallel_loop3A_337 : vector<16xf32>
        %parallel_loop3A_339 = arith.maximumf %parallel_loop3A_327, %parallel_loop3A_338 : vector<16xf32>
        %parallel_loop3A_340 = arith.constant 2 : i32
        %parallel_loop3A_341 = arith.addi %parallel_loop3A_132, %parallel_loop3A_340 : i32
        %parallel_loop3A_342 = arith.index_cast %parallel_loop3A_341 : i32 to index
        %parallel_loop3A_343 = arith.constant 48 : index
        %parallel_loop3A_344 = tpu.vector_load %arg11[%parallel_loop3A_342, %parallel_loop3A_343] {strides = array<i32>} : memref<56x128xf32, #tpu.memory_space<vmem>>, vector<1x16xf32>,
        %parallel_loop3A_345 = vector.shape_cast %parallel_loop3A_344 : vector<1x16xf32> to vector<16xf32>
        %parallel_loop3A_346 = arith.index_cast %parallel_loop3A_132 : i32 to index
        %parallel_loop3A_347 = arith.constant 304 : index
        %parallel_loop3A_348 = tpu.vector_load %arg12[%parallel_loop3A_346, %parallel_loop3A_347] {strides = array<i32>} : memref<48x640xf32, #tpu.memory_space<vmem>>, vector<1x16xf32>,
        %parallel_loop3A_349 = vector.shape_cast %parallel_loop3A_348 : vector<1x16xf32> to vector<16xf32>
        %parallel_loop3A_350 = arith.mulf %parallel_loop3A_345, %parallel_loop3A_349 : vector<16xf32>
        %parallel_loop3A_351 = arith.maximumf %parallel_loop3A_339, %parallel_loop3A_350 : vector<16xf32>
        %parallel_loop3A_352 = arith.constant 3 : i32
        %parallel_loop3A_353 = arith.addi %parallel_loop3A_132, %parallel_loop3A_352 : i32
        %parallel_loop3A_354 = arith.index_cast %parallel_loop3A_353 : i32 to index
        %parallel_loop3A_355 = arith.constant 48 : index
        %parallel_loop3A_356 = tpu.vector_load %arg11[%parallel_loop3A_354, %parallel_loop3A_355] {strides = array<i32>} : memref<56x128xf32, #tpu.memory_space<vmem>>, vector<1x16xf32>,
        %parallel_loop3A_357 = vector.shape_cast %parallel_loop3A_356 : vector<1x16xf32> to vector<16xf32>
        %parallel_loop3A_358 = arith.index_cast %parallel_loop3A_132 : i32 to index
        %parallel_loop3A_359 = arith.constant 432 : index
        %parallel_loop3A_360 = tpu.vector_load %arg12[%parallel_loop3A_358, %parallel_loop3A_359] {strides = array<i32>} : memref<48x640xf32, #tpu.memory_space<vmem>>, vector<1x16xf32>,
        %parallel_loop3A_361 = vector.shape_cast %parallel_loop3A_360 : vector<1x16xf32> to vector<16xf32>
        %parallel_loop3A_362 = arith.mulf %parallel_loop3A_357, %parallel_loop3A_361 : vector<16xf32>
        %parallel_loop3A_363 = arith.maximumf %parallel_loop3A_351, %parallel_loop3A_362 : vector<16xf32>
        %parallel_loop3A_364 = arith.constant 4 : i32
        %parallel_loop3A_365 = arith.addi %parallel_loop3A_132, %parallel_loop3A_364 : i32
        %parallel_loop3A_366 = arith.index_cast %parallel_loop3A_365 : i32 to index
        %parallel_loop3A_367 = arith.constant 48 : index
        %parallel_loop3A_368 = tpu.vector_load %arg11[%parallel_loop3A_366, %parallel_loop3A_367] {strides = array<i32>} : memref<56x128xf32, #tpu.memory_space<vmem>>, vector<1x16xf32>,
        %parallel_loop3A_369 = vector.shape_cast %parallel_loop3A_368 : vector<1x16xf32> to vector<16xf32>
        %parallel_loop3A_370 = arith.index_cast %parallel_loop3A_132 : i32 to index
        %parallel_loop3A_371 = arith.constant 560 : index
        %parallel_loop3A_372 = tpu.vector_load %arg12[%parallel_loop3A_370, %parallel_loop3A_371] {strides = array<i32>} : memref<48x640xf32, #tpu.memory_space<vmem>>, vector<1x16xf32>,
        %parallel_loop3A_373 = vector.shape_cast %parallel_loop3A_372 : vector<1x16xf32> to vector<16xf32>
        %parallel_loop3A_374 = arith.mulf %parallel_loop3A_369, %parallel_loop3A_373 : vector<16xf32>
        %parallel_loop3A_375 = arith.maximumf %parallel_loop3A_363, %parallel_loop3A_374 : vector<16xf32>
        %parallel_loop3A_376 = arith.index_cast %parallel_loop3A_132 : i32 to index
        %parallel_loop3A_377 = arith.constant 48 : index
        %parallel_loop3A_378 = tpu.vector_load %arg14[%parallel_loop3A_376, %parallel_loop3A_377] {strides = array<i32>} : memref<46x128xf32, #tpu.memory_space<vmem>>, vector<1x16xf32>,
        %parallel_loop3A_379 = vector.shape_cast %parallel_loop3A_378 : vector<1x16xf32> to vector<16xf32>
        %parallel_loop3A_380 = vector.shape_cast %parallel_loop3A_375 : vector<16xf32> to vector<1x16xf32>
        tpu.vector_store %arg14[%parallel_loop3A_376, %parallel_loop3A_377], %parallel_loop3A_380 {strides = array<i32>} : memref<46x128xf32, #tpu.memory_space<vmem>>, vector<1x16xf32>,
        %parallel_loop3A_381 = arith.index_cast %parallel_loop3A_132 : i32 to index
        %parallel_loop3A_382 = arith.constant 64 : index
        %parallel_loop3A_383 = tpu.vector_load %arg11[%parallel_loop3A_381, %parallel_loop3A_382] {strides = array<i32>} : memref<56x128xf32, #tpu.memory_space<vmem>>, vector<1x16xf32>,
        %parallel_loop3A_384 = vector.shape_cast %parallel_loop3A_383 : vector<1x16xf32> to vector<16xf32>
        %parallel_loop3A_385 = arith.index_cast %parallel_loop3A_132 : i32 to index
        %parallel_loop3A_386 = arith.constant 64 : index
        %parallel_loop3A_387 = tpu.vector_load %arg12[%parallel_loop3A_385, %parallel_loop3A_386] {strides = array<i32>} : memref<48x640xf32, #tpu.memory_space<vmem>>, vector<1x16xf32>,
        %parallel_loop3A_388 = vector.shape_cast %parallel_loop3A_387 : vector<1x16xf32> to vector<16xf32>
        %parallel_loop3A_389 = arith.mulf %parallel_loop3A_384, %parallel_loop3A_388 : vector<16xf32>
        %parallel_loop3A_390 = arith.constant 1 : i32
        %parallel_loop3A_391 = arith.addi %parallel_loop3A_132, %parallel_loop3A_390 : i32
        %parallel_loop3A_392 = arith.index_cast %parallel_loop3A_391 : i32 to index
        %parallel_loop3A_393 = arith.constant 64 : index
        %parallel_loop3A_394 = tpu.vector_load %arg11[%parallel_loop3A_392, %parallel_loop3A_393] {strides = array<i32>} : memref<56x128xf32, #tpu.memory_space<vmem>>, vector<1x16xf32>,
        %parallel_loop3A_395 = vector.shape_cast %parallel_loop3A_394 : vector<1x16xf32> to vector<16xf32>
        %parallel_loop3A_396 = arith.index_cast %parallel_loop3A_132 : i32 to index
        %parallel_loop3A_397 = arith.constant 192 : index
        %parallel_loop3A_398 = tpu.vector_load %arg12[%parallel_loop3A_396, %parallel_loop3A_397] {strides = array<i32>} : memref<48x640xf32, #tpu.memory_space<vmem>>, vector<1x16xf32>,
        %parallel_loop3A_399 = vector.shape_cast %parallel_loop3A_398 : vector<1x16xf32> to vector<16xf32>
        %parallel_loop3A_400 = arith.mulf %parallel_loop3A_395, %parallel_loop3A_399 : vector<16xf32>
        %parallel_loop3A_401 = arith.maximumf %parallel_loop3A_389, %parallel_loop3A_400 : vector<16xf32>
        %parallel_loop3A_402 = arith.constant 2 : i32
        %parallel_loop3A_403 = arith.addi %parallel_loop3A_132, %parallel_loop3A_402 : i32
        %parallel_loop3A_404 = arith.index_cast %parallel_loop3A_403 : i32 to index
        %parallel_loop3A_405 = arith.constant 64 : index
        %parallel_loop3A_406 = tpu.vector_load %arg11[%parallel_loop3A_404, %parallel_loop3A_405] {strides = array<i32>} : memref<56x128xf32, #tpu.memory_space<vmem>>, vector<1x16xf32>,
        %parallel_loop3A_407 = vector.shape_cast %parallel_loop3A_406 : vector<1x16xf32> to vector<16xf32>
        %parallel_loop3A_408 = arith.index_cast %parallel_loop3A_132 : i32 to index
        %parallel_loop3A_409 = arith.constant 320 : index
        %parallel_loop3A_410 = tpu.vector_load %arg12[%parallel_loop3A_408, %parallel_loop3A_409] {strides = array<i32>} : memref<48x640xf32, #tpu.memory_space<vmem>>, vector<1x16xf32>,
        %parallel_loop3A_411 = vector.shape_cast %parallel_loop3A_410 : vector<1x16xf32> to vector<16xf32>
        %parallel_loop3A_412 = arith.mulf %parallel_loop3A_407, %parallel_loop3A_411 : vector<16xf32>
        %parallel_loop3A_413 = arith.maximumf %parallel_loop3A_401, %parallel_loop3A_412 : vector<16xf32>
        %parallel_loop3A_414 = arith.constant 3 : i32
        %parallel_loop3A_415 = arith.addi %parallel_loop3A_132, %parallel_loop3A_414 : i32
        %parallel_loop3A_416 = arith.index_cast %parallel_loop3A_415 : i32 to index
        %parallel_loop3A_417 = arith.constant 64 : index
        %parallel_loop3A_418 = tpu.vector_load %arg11[%parallel_loop3A_416, %parallel_loop3A_417] {strides = array<i32>} : memref<56x128xf32, #tpu.memory_space<vmem>>, vector<1x16xf32>,
        %parallel_loop3A_419 = vector.shape_cast %parallel_loop3A_418 : vector<1x16xf32> to vector<16xf32>
        %parallel_loop3A_420 = arith.index_cast %parallel_loop3A_132 : i32 to index
        %parallel_loop3A_421 = arith.constant 448 : index
        %parallel_loop3A_422 = tpu.vector_load %arg12[%parallel_loop3A_420, %parallel_loop3A_421] {strides = array<i32>} : memref<48x640xf32, #tpu.memory_space<vmem>>, vector<1x16xf32>,
        %parallel_loop3A_423 = vector.shape_cast %parallel_loop3A_422 : vector<1x16xf32> to vector<16xf32>
        %parallel_loop3A_424 = arith.mulf %parallel_loop3A_419, %parallel_loop3A_423 : vector<16xf32>
        %parallel_loop3A_425 = arith.maximumf %parallel_loop3A_413, %parallel_loop3A_424 : vector<16xf32>
        %parallel_loop3A_426 = arith.constant 4 : i32
        %parallel_loop3A_427 = arith.addi %parallel_loop3A_132, %parallel_loop3A_426 : i32
        %parallel_loop3A_428 = arith.index_cast %parallel_loop3A_427 : i32 to index
        %parallel_loop3A_429 = arith.constant 64 : index
        %parallel_loop3A_430 = tpu.vector_load %arg11[%parallel_loop3A_428, %parallel_loop3A_429] {strides = array<i32>} : memref<56x128xf32, #tpu.memory_space<vmem>>, vector<1x16xf32>,
        %parallel_loop3A_431 = vector.shape_cast %parallel_loop3A_430 : vector<1x16xf32> to vector<16xf32>
        %parallel_loop3A_432 = arith.index_cast %parallel_loop3A_132 : i32 to index
        %parallel_loop3A_433 = arith.constant 576 : index
        %parallel_loop3A_434 = tpu.vector_load %arg12[%parallel_loop3A_432, %parallel_loop3A_433] {strides = array<i32>} : memref<48x640xf32, #tpu.memory_space<vmem>>, vector<1x16xf32>,
        %parallel_loop3A_435 = vector.shape_cast %parallel_loop3A_434 : vector<1x16xf32> to vector<16xf32>
        %parallel_loop3A_436 = arith.mulf %parallel_loop3A_431, %parallel_loop3A_435 : vector<16xf32>
        %parallel_loop3A_437 = arith.maximumf %parallel_loop3A_425, %parallel_loop3A_436 : vector<16xf32>
        %parallel_loop3A_438 = arith.index_cast %parallel_loop3A_132 : i32 to index
        %parallel_loop3A_439 = arith.constant 64 : index
        %parallel_loop3A_440 = tpu.vector_load %arg14[%parallel_loop3A_438, %parallel_loop3A_439] {strides = array<i32>} : memref<46x128xf32, #tpu.memory_space<vmem>>, vector<1x16xf32>,
        %parallel_loop3A_441 = vector.shape_cast %parallel_loop3A_440 : vector<1x16xf32> to vector<16xf32>
        %parallel_loop3A_442 = vector.shape_cast %parallel_loop3A_437 : vector<16xf32> to vector<1x16xf32>
        tpu.vector_store %arg14[%parallel_loop3A_438, %parallel_loop3A_439], %parallel_loop3A_442 {strides = array<i32>} : memref<46x128xf32, #tpu.memory_space<vmem>>, vector<1x16xf32>,
        %parallel_loop3A_443 = arith.index_cast %parallel_loop3A_132 : i32 to index
        %parallel_loop3A_444 = arith.constant 80 : index
        %parallel_loop3A_445 = tpu.vector_load %arg11[%parallel_loop3A_443, %parallel_loop3A_444] {strides = array<i32>} : memref<56x128xf32, #tpu.memory_space<vmem>>, vector<1x16xf32>,
        %parallel_loop3A_446 = vector.shape_cast %parallel_loop3A_445 : vector<1x16xf32> to vector<16xf32>
        %parallel_loop3A_447 = arith.index_cast %parallel_loop3A_132 : i32 to index
        %parallel_loop3A_448 = arith.constant 80 : index
        %parallel_loop3A_449 = tpu.vector_load %arg12[%parallel_loop3A_447, %parallel_loop3A_448] {strides = array<i32>} : memref<48x640xf32, #tpu.memory_space<vmem>>, vector<1x16xf32>,
        %parallel_loop3A_450 = vector.shape_cast %parallel_loop3A_449 : vector<1x16xf32> to vector<16xf32>
        %parallel_loop3A_451 = arith.mulf %parallel_loop3A_446, %parallel_loop3A_450 : vector<16xf32>
        %parallel_loop3A_452 = arith.constant 1 : i32
        %parallel_loop3A_453 = arith.addi %parallel_loop3A_132, %parallel_loop3A_452 : i32
        %parallel_loop3A_454 = arith.index_cast %parallel_loop3A_453 : i32 to index
        %parallel_loop3A_455 = arith.constant 80 : index
        %parallel_loop3A_456 = tpu.vector_load %arg11[%parallel_loop3A_454, %parallel_loop3A_455] {strides = array<i32>} : memref<56x128xf32, #tpu.memory_space<vmem>>, vector<1x16xf32>,
        %parallel_loop3A_457 = vector.shape_cast %parallel_loop3A_456 : vector<1x16xf32> to vector<16xf32>
        %parallel_loop3A_458 = arith.index_cast %parallel_loop3A_132 : i32 to index
        %parallel_loop3A_459 = arith.constant 208 : index
        %parallel_loop3A_460 = tpu.vector_load %arg12[%parallel_loop3A_458, %parallel_loop3A_459] {strides = array<i32>} : memref<48x640xf32, #tpu.memory_space<vmem>>, vector<1x16xf32>,
        %parallel_loop3A_461 = vector.shape_cast %parallel_loop3A_460 : vector<1x16xf32> to vector<16xf32>
        %parallel_loop3A_462 = arith.mulf %parallel_loop3A_457, %parallel_loop3A_461 : vector<16xf32>
        %parallel_loop3A_463 = arith.maximumf %parallel_loop3A_451, %parallel_loop3A_462 : vector<16xf32>
        %parallel_loop3A_464 = arith.constant 2 : i32
        %parallel_loop3A_465 = arith.addi %parallel_loop3A_132, %parallel_loop3A_464 : i32
        %parallel_loop3A_466 = arith.index_cast %parallel_loop3A_465 : i32 to index
        %parallel_loop3A_467 = arith.constant 80 : index
        %parallel_loop3A_468 = tpu.vector_load %arg11[%parallel_loop3A_466, %parallel_loop3A_467] {strides = array<i32>} : memref<56x128xf32, #tpu.memory_space<vmem>>, vector<1x16xf32>,
        %parallel_loop3A_469 = vector.shape_cast %parallel_loop3A_468 : vector<1x16xf32> to vector<16xf32>
        %parallel_loop3A_470 = arith.index_cast %parallel_loop3A_132 : i32 to index
        %parallel_loop3A_471 = arith.constant 336 : index
        %parallel_loop3A_472 = tpu.vector_load %arg12[%parallel_loop3A_470, %parallel_loop3A_471] {strides = array<i32>} : memref<48x640xf32, #tpu.memory_space<vmem>>, vector<1x16xf32>,
        %parallel_loop3A_473 = vector.shape_cast %parallel_loop3A_472 : vector<1x16xf32> to vector<16xf32>
        %parallel_loop3A_474 = arith.mulf %parallel_loop3A_469, %parallel_loop3A_473 : vector<16xf32>
        %parallel_loop3A_475 = arith.maximumf %parallel_loop3A_463, %parallel_loop3A_474 : vector<16xf32>
        %parallel_loop3A_476 = arith.constant 3 : i32
        %parallel_loop3A_477 = arith.addi %parallel_loop3A_132, %parallel_loop3A_476 : i32
        %parallel_loop3A_478 = arith.index_cast %parallel_loop3A_477 : i32 to index
        %parallel_loop3A_479 = arith.constant 80 : index
        %parallel_loop3A_480 = tpu.vector_load %arg11[%parallel_loop3A_478, %parallel_loop3A_479] {strides = array<i32>} : memref<56x128xf32, #tpu.memory_space<vmem>>, vector<1x16xf32>,
        %parallel_loop3A_481 = vector.shape_cast %parallel_loop3A_480 : vector<1x16xf32> to vector<16xf32>
        %parallel_loop3A_482 = arith.index_cast %parallel_loop3A_132 : i32 to index
        %parallel_loop3A_483 = arith.constant 464 : index
        %parallel_loop3A_484 = tpu.vector_load %arg12[%parallel_loop3A_482, %parallel_loop3A_483] {strides = array<i32>} : memref<48x640xf32, #tpu.memory_space<vmem>>, vector<1x16xf32>,
        %parallel_loop3A_485 = vector.shape_cast %parallel_loop3A_484 : vector<1x16xf32> to vector<16xf32>
        %parallel_loop3A_486 = arith.mulf %parallel_loop3A_481, %parallel_loop3A_485 : vector<16xf32>
        %parallel_loop3A_487 = arith.maximumf %parallel_loop3A_475, %parallel_loop3A_486 : vector<16xf32>
        %parallel_loop3A_488 = arith.constant 4 : i32
        %parallel_loop3A_489 = arith.addi %parallel_loop3A_132, %parallel_loop3A_488 : i32
        %parallel_loop3A_490 = arith.index_cast %parallel_loop3A_489 : i32 to index
        %parallel_loop3A_491 = arith.constant 80 : index
        %parallel_loop3A_492 = tpu.vector_load %arg11[%parallel_loop3A_490, %parallel_loop3A_491] {strides = array<i32>} : memref<56x128xf32, #tpu.memory_space<vmem>>, vector<1x16xf32>,
        %parallel_loop3A_493 = vector.shape_cast %parallel_loop3A_492 : vector<1x16xf32> to vector<16xf32>
        %parallel_loop3A_494 = arith.index_cast %parallel_loop3A_132 : i32 to index
        %parallel_loop3A_495 = arith.constant 592 : index
        %parallel_loop3A_496 = tpu.vector_load %arg12[%parallel_loop3A_494, %parallel_loop3A_495] {strides = array<i32>} : memref<48x640xf32, #tpu.memory_space<vmem>>, vector<1x16xf32>,
        %parallel_loop3A_497 = vector.shape_cast %parallel_loop3A_496 : vector<1x16xf32> to vector<16xf32>
        %parallel_loop3A_498 = arith.mulf %parallel_loop3A_493, %parallel_loop3A_497 : vector<16xf32>
        %parallel_loop3A_499 = arith.maximumf %parallel_loop3A_487, %parallel_loop3A_498 : vector<16xf32>
        %parallel_loop3A_500 = arith.index_cast %parallel_loop3A_132 : i32 to index
        %parallel_loop3A_501 = arith.constant 80 : index
        %parallel_loop3A_502 = tpu.vector_load %arg14[%parallel_loop3A_500, %parallel_loop3A_501] {strides = array<i32>} : memref<46x128xf32, #tpu.memory_space<vmem>>, vector<1x16xf32>,
        %parallel_loop3A_503 = vector.shape_cast %parallel_loop3A_502 : vector<1x16xf32> to vector<16xf32>
        %parallel_loop3A_504 = vector.shape_cast %parallel_loop3A_499 : vector<16xf32> to vector<1x16xf32>
        tpu.vector_store %arg14[%parallel_loop3A_500, %parallel_loop3A_501], %parallel_loop3A_504 {strides = array<i32>} : memref<46x128xf32, #tpu.memory_space<vmem>>, vector<1x16xf32>,
        %parallel_loop3A_505 = arith.index_cast %parallel_loop3A_132 : i32 to index
        %parallel_loop3A_506 = arith.constant 96 : index
        %parallel_loop3A_507 = tpu.vector_load %arg11[%parallel_loop3A_505, %parallel_loop3A_506] {strides = array<i32>} : memref<56x128xf32, #tpu.memory_space<vmem>>, vector<1x16xf32>,
        %parallel_loop3A_508 = vector.shape_cast %parallel_loop3A_507 : vector<1x16xf32> to vector<16xf32>
        %parallel_loop3A_509 = arith.index_cast %parallel_loop3A_132 : i32 to index
        %parallel_loop3A_510 = arith.constant 96 : index
        %parallel_loop3A_511 = tpu.vector_load %arg12[%parallel_loop3A_509, %parallel_loop3A_510] {strides = array<i32>} : memref<48x640xf32, #tpu.memory_space<vmem>>, vector<1x16xf32>,
        %parallel_loop3A_512 = vector.shape_cast %parallel_loop3A_511 : vector<1x16xf32> to vector<16xf32>
        %parallel_loop3A_513 = arith.mulf %parallel_loop3A_508, %parallel_loop3A_512 : vector<16xf32>
        %parallel_loop3A_514 = arith.constant 1 : i32
        %parallel_loop3A_515 = arith.addi %parallel_loop3A_132, %parallel_loop3A_514 : i32
        %parallel_loop3A_516 = arith.index_cast %parallel_loop3A_515 : i32 to index
        %parallel_loop3A_517 = arith.constant 96 : index
        %parallel_loop3A_518 = tpu.vector_load %arg11[%parallel_loop3A_516, %parallel_loop3A_517] {strides = array<i32>} : memref<56x128xf32, #tpu.memory_space<vmem>>, vector<1x16xf32>,
        %parallel_loop3A_519 = vector.shape_cast %parallel_loop3A_518 : vector<1x16xf32> to vector<16xf32>
        %parallel_loop3A_520 = arith.index_cast %parallel_loop3A_132 : i32 to index
        %parallel_loop3A_521 = arith.constant 224 : index
        %parallel_loop3A_522 = tpu.vector_load %arg12[%parallel_loop3A_520, %parallel_loop3A_521] {strides = array<i32>} : memref<48x640xf32, #tpu.memory_space<vmem>>, vector<1x16xf32>,
        %parallel_loop3A_523 = vector.shape_cast %parallel_loop3A_522 : vector<1x16xf32> to vector<16xf32>
        %parallel_loop3A_524 = arith.mulf %parallel_loop3A_519, %parallel_loop3A_523 : vector<16xf32>
        %parallel_loop3A_525 = arith.maximumf %parallel_loop3A_513, %parallel_loop3A_524 : vector<16xf32>
        %parallel_loop3A_526 = arith.constant 2 : i32
        %parallel_loop3A_527 = arith.addi %parallel_loop3A_132, %parallel_loop3A_526 : i32
        %parallel_loop3A_528 = arith.index_cast %parallel_loop3A_527 : i32 to index
        %parallel_loop3A_529 = arith.constant 96 : index
        %parallel_loop3A_530 = tpu.vector_load %arg11[%parallel_loop3A_528, %parallel_loop3A_529] {strides = array<i32>} : memref<56x128xf32, #tpu.memory_space<vmem>>, vector<1x16xf32>,
        %parallel_loop3A_531 = vector.shape_cast %parallel_loop3A_530 : vector<1x16xf32> to vector<16xf32>
        %parallel_loop3A_532 = arith.index_cast %parallel_loop3A_132 : i32 to index
        %parallel_loop3A_533 = arith.constant 352 : index
        %parallel_loop3A_534 = tpu.vector_load %arg12[%parallel_loop3A_532, %parallel_loop3A_533] {strides = array<i32>} : memref<48x640xf32, #tpu.memory_space<vmem>>, vector<1x16xf32>,
        %parallel_loop3A_535 = vector.shape_cast %parallel_loop3A_534 : vector<1x16xf32> to vector<16xf32>
        %parallel_loop3A_536 = arith.mulf %parallel_loop3A_531, %parallel_loop3A_535 : vector<16xf32>
        %parallel_loop3A_537 = arith.maximumf %parallel_loop3A_525, %parallel_loop3A_536 : vector<16xf32>
        %parallel_loop3A_538 = arith.constant 3 : i32
        %parallel_loop3A_539 = arith.addi %parallel_loop3A_132, %parallel_loop3A_538 : i32
        %parallel_loop3A_540 = arith.index_cast %parallel_loop3A_539 : i32 to index
        %parallel_loop3A_541 = arith.constant 96 : index
        %parallel_loop3A_542 = tpu.vector_load %arg11[%parallel_loop3A_540, %parallel_loop3A_541] {strides = array<i32>} : memref<56x128xf32, #tpu.memory_space<vmem>>, vector<1x16xf32>,
        %parallel_loop3A_543 = vector.shape_cast %parallel_loop3A_542 : vector<1x16xf32> to vector<16xf32>
        %parallel_loop3A_544 = arith.index_cast %parallel_loop3A_132 : i32 to index
        %parallel_loop3A_545 = arith.constant 480 : index
        %parallel_loop3A_546 = tpu.vector_load %arg12[%parallel_loop3A_544, %parallel_loop3A_545] {strides = array<i32>} : memref<48x640xf32, #tpu.memory_space<vmem>>, vector<1x16xf32>,
        %parallel_loop3A_547 = vector.shape_cast %parallel_loop3A_546 : vector<1x16xf32> to vector<16xf32>
        %parallel_loop3A_548 = arith.mulf %parallel_loop3A_543, %parallel_loop3A_547 : vector<16xf32>
        %parallel_loop3A_549 = arith.maximumf %parallel_loop3A_537, %parallel_loop3A_548 : vector<16xf32>
        %parallel_loop3A_550 = arith.constant 4 : i32
        %parallel_loop3A_551 = arith.addi %parallel_loop3A_132, %parallel_loop3A_550 : i32
        %parallel_loop3A_552 = arith.index_cast %parallel_loop3A_551 : i32 to index
        %parallel_loop3A_553 = arith.constant 96 : index
        %parallel_loop3A_554 = tpu.vector_load %arg11[%parallel_loop3A_552, %parallel_loop3A_553] {strides = array<i32>} : memref<56x128xf32, #tpu.memory_space<vmem>>, vector<1x16xf32>,
        %parallel_loop3A_555 = vector.shape_cast %parallel_loop3A_554 : vector<1x16xf32> to vector<16xf32>
        %parallel_loop3A_556 = arith.index_cast %parallel_loop3A_132 : i32 to index
        %parallel_loop3A_557 = arith.constant 608 : index
        %parallel_loop3A_558 = tpu.vector_load %arg12[%parallel_loop3A_556, %parallel_loop3A_557] {strides = array<i32>} : memref<48x640xf32, #tpu.memory_space<vmem>>, vector<1x16xf32>,
        %parallel_loop3A_559 = vector.shape_cast %parallel_loop3A_558 : vector<1x16xf32> to vector<16xf32>
        %parallel_loop3A_560 = arith.mulf %parallel_loop3A_555, %parallel_loop3A_559 : vector<16xf32>
        %parallel_loop3A_561 = arith.maximumf %parallel_loop3A_549, %parallel_loop3A_560 : vector<16xf32>
        %parallel_loop3A_562 = arith.index_cast %parallel_loop3A_132 : i32 to index
        %parallel_loop3A_563 = arith.constant 96 : index
        %parallel_loop3A_564 = tpu.vector_load %arg14[%parallel_loop3A_562, %parallel_loop3A_563] {strides = array<i32>} : memref<46x128xf32, #tpu.memory_space<vmem>>, vector<1x16xf32>,
        %parallel_loop3A_565 = vector.shape_cast %parallel_loop3A_564 : vector<1x16xf32> to vector<16xf32>
        %parallel_loop3A_566 = vector.shape_cast %parallel_loop3A_561 : vector<16xf32> to vector<1x16xf32>
        tpu.vector_store %arg14[%parallel_loop3A_562, %parallel_loop3A_563], %parallel_loop3A_566 {strides = array<i32>} : memref<46x128xf32, #tpu.memory_space<vmem>>, vector<1x16xf32>,
        %parallel_loop3A_567 = arith.index_cast %parallel_loop3A_132 : i32 to index
        %parallel_loop3A_568 = arith.constant 112 : index
        %parallel_loop3A_569 = tpu.vector_load %arg11[%parallel_loop3A_567, %parallel_loop3A_568] {strides = array<i32>} : memref<56x128xf32, #tpu.memory_space<vmem>>, vector<1x16xf32>,
        %parallel_loop3A_570 = vector.shape_cast %parallel_loop3A_569 : vector<1x16xf32> to vector<16xf32>
        %parallel_loop3A_571 = arith.index_cast %parallel_loop3A_132 : i32 to index
        %parallel_loop3A_572 = arith.constant 112 : index
        %parallel_loop3A_573 = tpu.vector_load %arg12[%parallel_loop3A_571, %parallel_loop3A_572] {strides = array<i32>} : memref<48x640xf32, #tpu.memory_space<vmem>>, vector<1x16xf32>,
        %parallel_loop3A_574 = vector.shape_cast %parallel_loop3A_573 : vector<1x16xf32> to vector<16xf32>
        %parallel_loop3A_575 = arith.mulf %parallel_loop3A_570, %parallel_loop3A_574 : vector<16xf32>
        %parallel_loop3A_576 = arith.constant 1 : i32
        %parallel_loop3A_577 = arith.addi %parallel_loop3A_132, %parallel_loop3A_576 : i32
        %parallel_loop3A_578 = arith.index_cast %parallel_loop3A_577 : i32 to index
        %parallel_loop3A_579 = arith.constant 112 : index
        %parallel_loop3A_580 = tpu.vector_load %arg11[%parallel_loop3A_578, %parallel_loop3A_579] {strides = array<i32>} : memref<56x128xf32, #tpu.memory_space<vmem>>, vector<1x16xf32>,
        %parallel_loop3A_581 = vector.shape_cast %parallel_loop3A_580 : vector<1x16xf32> to vector<16xf32>
        %parallel_loop3A_582 = arith.index_cast %parallel_loop3A_132 : i32 to index
        %parallel_loop3A_583 = arith.constant 240 : index
        %parallel_loop3A_584 = tpu.vector_load %arg12[%parallel_loop3A_582, %parallel_loop3A_583] {strides = array<i32>} : memref<48x640xf32, #tpu.memory_space<vmem>>, vector<1x16xf32>,
        %parallel_loop3A_585 = vector.shape_cast %parallel_loop3A_584 : vector<1x16xf32> to vector<16xf32>
        %parallel_loop3A_586 = arith.mulf %parallel_loop3A_581, %parallel_loop3A_585 : vector<16xf32>
        %parallel_loop3A_587 = arith.maximumf %parallel_loop3A_575, %parallel_loop3A_586 : vector<16xf32>
        %parallel_loop3A_588 = arith.constant 2 : i32
        %parallel_loop3A_589 = arith.addi %parallel_loop3A_132, %parallel_loop3A_588 : i32
        %parallel_loop3A_590 = arith.index_cast %parallel_loop3A_589 : i32 to index
        %parallel_loop3A_591 = arith.constant 112 : index
        %parallel_loop3A_592 = tpu.vector_load %arg11[%parallel_loop3A_590, %parallel_loop3A_591] {strides = array<i32>} : memref<56x128xf32, #tpu.memory_space<vmem>>, vector<1x16xf32>,
        %parallel_loop3A_593 = vector.shape_cast %parallel_loop3A_592 : vector<1x16xf32> to vector<16xf32>
        %parallel_loop3A_594 = arith.index_cast %parallel_loop3A_132 : i32 to index
        %parallel_loop3A_595 = arith.constant 368 : index
        %parallel_loop3A_596 = tpu.vector_load %arg12[%parallel_loop3A_594, %parallel_loop3A_595] {strides = array<i32>} : memref<48x640xf32, #tpu.memory_space<vmem>>, vector<1x16xf32>,
        %parallel_loop3A_597 = vector.shape_cast %parallel_loop3A_596 : vector<1x16xf32> to vector<16xf32>
        %parallel_loop3A_598 = arith.mulf %parallel_loop3A_593, %parallel_loop3A_597 : vector<16xf32>
        %parallel_loop3A_599 = arith.maximumf %parallel_loop3A_587, %parallel_loop3A_598 : vector<16xf32>
        %parallel_loop3A_600 = arith.constant 3 : i32
        %parallel_loop3A_601 = arith.addi %parallel_loop3A_132, %parallel_loop3A_600 : i32
        %parallel_loop3A_602 = arith.index_cast %parallel_loop3A_601 : i32 to index
        %parallel_loop3A_603 = arith.constant 112 : index
        %parallel_loop3A_604 = tpu.vector_load %arg11[%parallel_loop3A_602, %parallel_loop3A_603] {strides = array<i32>} : memref<56x128xf32, #tpu.memory_space<vmem>>, vector<1x16xf32>,
        %parallel_loop3A_605 = vector.shape_cast %parallel_loop3A_604 : vector<1x16xf32> to vector<16xf32>
        %parallel_loop3A_606 = arith.index_cast %parallel_loop3A_132 : i32 to index
        %parallel_loop3A_607 = arith.constant 496 : index
        %parallel_loop3A_608 = tpu.vector_load %arg12[%parallel_loop3A_606, %parallel_loop3A_607] {strides = array<i32>} : memref<48x640xf32, #tpu.memory_space<vmem>>, vector<1x16xf32>,
        %parallel_loop3A_609 = vector.shape_cast %parallel_loop3A_608 : vector<1x16xf32> to vector<16xf32>
        %parallel_loop3A_610 = arith.mulf %parallel_loop3A_605, %parallel_loop3A_609 : vector<16xf32>
        %parallel_loop3A_611 = arith.maximumf %parallel_loop3A_599, %parallel_loop3A_610 : vector<16xf32>
        %parallel_loop3A_612 = arith.constant 4 : i32
        %parallel_loop3A_613 = arith.addi %parallel_loop3A_132, %parallel_loop3A_612 : i32
        %parallel_loop3A_614 = arith.index_cast %parallel_loop3A_613 : i32 to index
        %parallel_loop3A_615 = arith.constant 112 : index
        %parallel_loop3A_616 = tpu.vector_load %arg11[%parallel_loop3A_614, %parallel_loop3A_615] {strides = array<i32>} : memref<56x128xf32, #tpu.memory_space<vmem>>, vector<1x16xf32>,
        %parallel_loop3A_617 = vector.shape_cast %parallel_loop3A_616 : vector<1x16xf32> to vector<16xf32>
        %parallel_loop3A_618 = arith.index_cast %parallel_loop3A_132 : i32 to index
        %parallel_loop3A_619 = arith.constant 624 : index
        %parallel_loop3A_620 = tpu.vector_load %arg12[%parallel_loop3A_618, %parallel_loop3A_619] {strides = array<i32>} : memref<48x640xf32, #tpu.memory_space<vmem>>, vector<1x16xf32>,
        %parallel_loop3A_621 = vector.shape_cast %parallel_loop3A_620 : vector<1x16xf32> to vector<16xf32>
        %parallel_loop3A_622 = arith.mulf %parallel_loop3A_617, %parallel_loop3A_621 : vector<16xf32>
        %parallel_loop3A_623 = arith.maximumf %parallel_loop3A_611, %parallel_loop3A_622 : vector<16xf32>
        %parallel_loop3A_624 = arith.index_cast %parallel_loop3A_132 : i32 to index
        %parallel_loop3A_625 = arith.constant 112 : index
        %parallel_loop3A_626 = tpu.vector_load %arg14[%parallel_loop3A_624, %parallel_loop3A_625] {strides = array<i32>} : memref<46x128xf32, #tpu.memory_space<vmem>>, vector<1x16xf32>,
        %parallel_loop3A_627 = vector.shape_cast %parallel_loop3A_626 : vector<1x16xf32> to vector<16xf32>
        %parallel_loop3A_628 = vector.shape_cast %parallel_loop3A_623 : vector<16xf32> to vector<1x16xf32>
        tpu.vector_store %arg14[%parallel_loop3A_624, %parallel_loop3A_625], %parallel_loop3A_628 {strides = array<i32>} : memref<46x128xf32, #tpu.memory_space<vmem>>, vector<1x16xf32>,
      } {sc.loop_unroll_factor = 1 : i64, sc.parallel_access}
      %add3A_114 = arith.addi %mul3A_2, %add3A_60 : i32
      %add3A_115 = arith.constant 1 : i32
      %add3A_116 = arith.addi %add3A_114, %add3A_115 : i32
      %dma_start3A_117 = arith.constant 0 : i32
      %dma_start3A_118 = arith.constant 0 : i32
      %dma_start3A_119 = tpu.memref_slice %arg6[%add3A_116, %dma_start3A_117, %dma_start3A_118] : memref<1024x46x128xf32, #tpu.memory_space<hbm>> -> memref<1x46x128xf32, #tpu.memory_space<hbm>>
      %dma_start3A_120 = tpu.memref_squeeze %dma_start3A_119 : memref<1x46x128xf32, #tpu.memory_space<hbm>> -> memref<46x128xf32, #tpu.memory_space<hbm>>
      %dma_start3A_121 = arith.constant 0 : i32
      %dma_start3A_122 = arith.constant 0 : i32
      %dma_start3A_123 = tpu.memref_slice %arg6[%add3A_116, %dma_start3A_121, %dma_start3A_122] : memref<1024x46x128xf32, #tpu.memory_space<hbm>> -> memref<1x46x128xf32, #tpu.memory_space<hbm>>
      %dma_start3A_124 = tpu.memref_squeeze %dma_start3A_123 : memref<1x46x128xf32, #tpu.memory_space<hbm>> -> memref<46x128xf32, #tpu.memory_space<hbm>>
      tpu.enqueue_dma source(%arg14 : memref<46x128xf32, #tpu.memory_space<vmem>>) target(%dma_start3A_124 : memref<46x128xf32, #tpu.memory_space<hbm>>) target_semaphore(%arg18 : memref<!tpu.dma_semaphore, #tpu.memory_space<semaphore_mem>>)
      %add3A_125 = arith.constant 3 : i32
      %add3A_126 = arith.addi %add3A_60, %add3A_125 : i32
      %lt3A_127 = arith.constant 32 : i32
      %lt3A_128 = arith.cmpi slt, %add3A_126, %lt3A_127 : i32
      %convert_element_type3A_129 = arith.extui %lt3A_128 : i1 to i32
      %cond3A_130 = arith.constant 0 : i32
      %cond3A_131 = arith.cmpi ne, %convert_element_type3A_129, %cond3A_130 : i32
      scf.if %cond3A_131 {
        %add3A_132 = arith.constant 3 : i32
        %add3A_133 = arith.addi %add3A_60, %add3A_132 : i32
        %dma_start3A_134 = arith.constant 0 : i32
        %dma_start3A_135 = tpu.memref_slice %arg7[%add3A_133, %dma_start3A_134] : memref<32x56xi32, #tpu.memory_space<vmem>> -> memref<1x56xi32, #tpu.memory_space<vmem>>
        %dma_start3A_136 = tpu.memref_squeeze %dma_start3A_135 : memref<1x56xi32, #tpu.memory_space<vmem>> -> memref<56xi32, #tpu.memory_space<vmem>>
        %dma_start3A_137 = arith.constant 0 : i32
        %dma_start3A_138 = arith.constant 0 : i32
        %dma_start3A_139 = tpu.memref_slice %arg4[%dma_start3A_137, %dma_start3A_138] : memref<1000x128xf32, #tpu.memory_space<hbm>> -> memref<1000x128xf32, #tpu.memory_space<hbm>>
        tpu.enqueue_indirect_dma source(%dma_start3A_139 : memref<1000x128xf32, #tpu.memory_space<hbm>>) target(%arg11 : memref<56x128xf32, #tpu.memory_space<vmem>>) offsets(%dma_start3A_136 : memref<56xi32, #tpu.memory_space<vmem>>) semaphore(%arg16 : memref<!tpu.dma_semaphore, #tpu.memory_space<semaphore_mem>>)
        %dma_start3A_140 = arith.constant 0 : i32
        %dma_start3A_141 = tpu.memref_slice %arg8[%add3A_133, %dma_start3A_140] : memref<32x48xi32, #tpu.memory_space<vmem>> -> memref<1x48xi32, #tpu.memory_space<vmem>>
        %dma_start3A_142 = tpu.memref_squeeze %dma_start3A_141 : memref<1x48xi32, #tpu.memory_space<vmem>> -> memref<48xi32, #tpu.memory_space<vmem>>
        %dma_start3A_143 = arith.constant 0 : i32
        %dma_start3A_144 = arith.constant 0 : i32
        %dma_start3A_145 = tpu.memref_slice %arg5[%dma_start3A_143, %dma_start3A_144] : memref<1000x640xf32, #tpu.memory_space<hbm>> -> memref<1000x640xf32, #tpu.memory_space<hbm>>
        tpu.enqueue_indirect_dma source(%dma_start3A_145 : memref<1000x640xf32, #tpu.memory_space<hbm>>) target(%arg12 : memref<48x640xf32, #tpu.memory_space<vmem>>) offsets(%dma_start3A_142 : memref<48xi32, #tpu.memory_space<vmem>>) semaphore(%arg16 : memref<!tpu.dma_semaphore, #tpu.memory_space<semaphore_mem>>)
      } else {
      }
    }
    %scan3A_33 = arith.constant 16 : i32
    %add3A_34 = arith.constant 32 : i32
    %add3A_35 = arith.addi %mul3A_2, %add3A_34 : i32
    %sub3A = arith.constant 2 : i32
    %sub3A_36 = arith.subi %add3A_35, %sub3A : i32
    %dma_wait3A = arith.constant 0 : i32
    %dma_wait3A_37 = arith.constant 0 : i32
    %dma_wait3A_38 = tpu.memref_slice %arg6[%sub3A_36, %dma_wait3A, %dma_wait3A_37] : memref<1024x46x128xf32, #tpu.memory_space<hbm>> -> memref<1x46x128xf32, #tpu.memory_space<hbm>>
    %dma_wait3A_39 = tpu.memref_squeeze %dma_wait3A_38 : memref<1x46x128xf32, #tpu.memory_space<hbm>> -> memref<46x128xf32, #tpu.memory_space<hbm>>
    %dma_wait3A_40 = arith.constant 0 : i32
    %dma_wait3A_41 = arith.constant 0 : i32
    %dma_wait3A_42 = tpu.memref_slice %arg6[%sub3A_36, %dma_wait3A_40, %dma_wait3A_41] : memref<1024x46x128xf32, #tpu.memory_space<hbm>> -> memref<1x46x128xf32, #tpu.memory_space<hbm>>
    %dma_wait3A_43 = tpu.memref_squeeze %dma_wait3A_42 : memref<1x46x128xf32, #tpu.memory_space<hbm>> -> memref<46x128xf32, #tpu.memory_space<hbm>>
    tpu.wait_dma2 semaphore(%arg17 : memref<!tpu.dma_semaphore, #tpu.memory_space<semaphore_mem>>) src(%arg13 : memref<46x128xf32, #tpu.memory_space<vmem>>) dst(%dma_wait3A_43 : memref<46x128xf32, #tpu.memory_space<hbm>>)
    %add3A_44 = arith.constant 32 : i32
    %add3A_45 = arith.addi %mul3A_2, %add3A_44 : i32
    %sub3A_46 = arith.constant 1 : i32
    %sub3A_47 = arith.subi %add3A_45, %sub3A_46 : i32
    %dma_wait3A_48 = arith.constant 0 : i32
    %dma_wait3A_49 = arith.constant 0 : i32
    %dma_wait3A_50 = tpu.memref_slice %arg6[%sub3A_47, %dma_wait3A_48, %dma_wait3A_49] : memref<1024x46x128xf32, #tpu.memory_space<hbm>> -> memref<1x46x128xf32, #tpu.memory_space<hbm>>
    %dma_wait3A_51 = tpu.memref_squeeze %dma_wait3A_50 : memref<1x46x128xf32, #tpu.memory_space<hbm>> -> memref<46x128xf32, #tpu.memory_space<hbm>>
    %dma_wait3A_52 = arith.constant 0 : i32
    %dma_wait3A_53 = arith.constant 0 : i32
    %dma_wait3A_54 = tpu.memref_slice %arg6[%sub3A_47, %dma_wait3A_52, %dma_wait3A_53] : memref<1024x46x128xf32, #tpu.memory_space<hbm>> -> memref<1x46x128xf32, #tpu.memory_space<hbm>>
    %dma_wait3A_55 = tpu.memref_squeeze %dma_wait3A_54 : memref<1x46x128xf32, #tpu.memory_space<hbm>> -> memref<46x128xf32, #tpu.memory_space<hbm>>
    tpu.wait_dma2 semaphore(%arg18 : memref<!tpu.dma_semaphore, #tpu.memory_space<semaphore_mem>>) src(%arg14 : memref<46x128xf32, #tpu.memory_space<vmem>>) dst(%dma_wait3A_55 : memref<46x128xf32, #tpu.memory_space<hbm>>)
    return
  }
}

</mosaic_0001>

<sc_bundles>
// kernel: kernel.3.cloned.1.call-start
scs
__scs_entry_jumppad:
0x0: {  	(pc) =	sbr.rel $0x88, $3  }
0x1: {  	(tag) =	ssettag $0x0;
	lr =	simm.s32 $0x1  }
0x2: {  	[smem:$0x3F9E] =	sst lr;
	_ =	strace $0xD0000000  }
0x3: {  	_ = 	snop  }
0x4: {  	_ = 	snop  }
0x5: {  	_ = 	snop  }
0x6: {  	_ = 	snop  }
0x7: {  	_ = 	snop  }
__scs_overlays_trampoline_lowered:
0x8: {  	[smem:$0x3FAD] =	sst s0  }
0x9: {  	[smem:$0x3FAE] =	sst s1  }
0xa: {  	[smem:$0x3FAF] =	sst s2  }
0xb: {  	[smem:$0x3FB0] =	sst s3  }
0xc: {  	[smem:$0x3FB1] =	sst s4  }
0xd: {  	[smem:$0x3FB2] =	sst s5  }
0xe: {  	[smem:$0x3FB3] =	sst s6  }
0xf: {  	[smem:$0x3FB4] =	sst s7  }
0x10: {  	[smem:$0x3FB5] =	sst s8  }
0x11: {  	[smem:$0x3FB6] =	sst s9;
	s0 =	simm.s32 @!p0 $0x0  }
0x12: {  	s1 =	sld [smem:$0x3F9C];
	s0 =	simm.s32 @p0 $0x1  }
0x13: {  	[smem:$0x3FB7] =	sst s0;
	s0 =	simm.s32 @!p1 $0x0  }
0x14: {  	s2 =	sld [smem:$0x3F9B];
	s0 =	simm.s32 @p1 $0x1  }
0x15: {  	[smem:$0x3FB8] =	sst s0;
	s0 =	simm.s32 @!p2 $0x0  }
0x16: {  	s3 =	sld [smem:$0x3FDB];
	s0 =	simm.s32 @p2 $0x1  }
0x17: {  	s4 =	simm.s32 $0x1BF5;
	[smem:$0x3FBA] =	sst s0  }
0x18: {  	s0 =	sld [smem:$0x3F9D];
	_ =	swait.ge [sflag:s4], $0x0  }
0x19: {  	s7 =	sld [smem:$0x3F9E]  }
0x1a: {  	s8 =	sadd.s32 $0xFFFFE003, lr  }
0x1b: {  	s9 =	sadd.s32 $0xFFFFFEF7, lr;
	s5 =	simm.s32 $0xFFFFFFFF;
	p2 =	slt.u32 s8, $0xFFFFF086  }
0x1c: {  	p1 =	slt.u32 s9, $0xF7A;
	s5 =	simm.s32 @!p2 $0x0  }
0x1d: {  	s5 =	simm.s32 @p1 $0x1;
	p0 =	seq.s32 s7, s2  }
0x1e: {  	s7 =	smul.u32 @!p0 $0xF7A, s2;
	p2 =	seq.s32 @!p0 s5, $0x0  }
0x1f: {  	s9 =	smul.u32 $0xF7A, s1;
	s8 =	simm.s32 @!p0 $0x1BF5;
	p2 =	por !p2, p0  }
0x20: {  	[sflag:s8] =	ssyncset.s32 @!p0 $0xFFFFF086;
	s6 =	sadd.s32 @!p0 s3, s7;
	s7 =	simm.s32 @!p0 $0x108  }
0x21: {  	s3 =	sadd.s32 s3, s9;
	s6 =	sadd.s32 @!p0 $0x88, s6;
	s7 =	simm.s32 @p2 $0x1082  }
0x22: {  	[simem:s7], [sflag:s8] =	dma.local @!p0 [hbm:s6], $0xF7A  }
0x23: {  	s9 =	sor.u32 $0xD0000000, s2;
	s6 =	simm.s32 $0x108;
	_ =	swait.ge @!p0 [sflag:s8], $0x0  }
0x24: {  	s3 =	sadd.s32 $0x88, s3;
	s6 =	simm.s32 @!p1 $0x1082;
	[sflag:s4] =	ssyncset.s32 $0xFFFFF086  }
0x25: {  	[simem:s6], [sflag:s4] =	dma.local [hbm:s3], $0xF7A  }
0x26: {  	[smem:$0x3F9E] =	sst s1;
	(tag) =	ssettag s2;
	_ =	strace s9  }
0x27: {  	s1 =	sld [smem:$0x3FAE]  }
0x28: {  	s2 =	sld [smem:$0x3FAF]  }
0x29: {  	s4 =	sld [smem:$0x3FB1]  }
0x2a: {  	p0 =	seq.s32 s5, $0x0;
	s5 =	sld [smem:$0x3FB2]  }
0x2b: {  	s6 =	sld [smem:$0x3FB3]  }
0x2c: {  	s7 =	sld [smem:$0x3FB4]  }
0x2d: {  	s3 =	simm.s32 $0x108;
	s8 =	sld [smem:$0x3FB5]  }
0x2e: {  	s3 =	simm.s32 @!p0 $0x1082;
	s9 =	sld [smem:$0x3FB6]  }
0x2f: {  	lr =	sadd.s32 s0, s3;
	s0 =	sld [smem:$0x3FAD]  }
0x30: {  	s3 =	sld [smem:$0x3FB0]  }
0x31: {  	[smem:$0x3FB9] =	sst s10  }
0x32: {  	s10 =	sld [smem:$0x3FB7];
	_ =	sdelay $0x3  }
0x33: {  	p0 =	seq.s32 s10, $0x1;
	s10 =	sld [smem:$0x3FB9];
	_ =	sdelay $0x3  }
0x34: {  	[smem:$0x3FB9] =	sst s10  }
0x35: {  	s10 =	sld [smem:$0x3FB8];
	_ =	sdelay $0x3  }
0x36: {  	p1 =	seq.s32 s10, $0x1;
	s10 =	sld [smem:$0x3FB9];
	_ =	sdelay $0x3  }
0x37: {  	[smem:$0x3FB9] =	sst s10  }
0x38: {  	s10 =	sld [smem:$0x3FBA]  }
0x39: {  	_ = 	snop;
	(pc) =	sbr.ind lr, $3  }
0x3a: {  	_ = 	snop  }
0x3b: {  	_ = 	snop  }
0x3c: {  	p2 =	seq.s32 s10, $0x1;
	s10 =	sld [smem:$0x3FB9]  }
0x3d: {  	_ =	shalt  }
0x3e: {  	_ =	shalt  }
0x3f: {  	_ =	shalt  }
0x40: {  	_ =	shalt  }
0x41: {  	_ =	shalt  }
0x42: {  	_ =	shalt  }
0x43: {  	_ =	shalt  }
0x44: {  	_ =	shalt  }
0x45: {  	_ =	shalt  }
0x46: {  	_ =	shalt  }
0x47: {  	_ =	shalt  }
0x48: {  	_ =	shalt  }
0x49: {  	_ =	shalt  }
0x4a: {  	_ =	shalt  }
0x4b: {  	_ =	shalt  }
0x4c: {  	_ =	shalt  }
0x4d: {  	_ =	shalt  }
0x4e: {  	_ =	shalt  }
0x4f: {  	_ =	shalt  }
0x50: {  	_ =	shalt  }
0x51: {  	_ =	shalt  }
0x52: {  	_ =	shalt  }
0x53: {  	_ =	shalt  }
0x54: {  	_ =	shalt  }
0x55: {  	_ =	shalt  }
0x56: {  	_ =	shalt  }
0x57: {  	_ =	shalt  }
0x58: {  	_ =	shalt  }
0x59: {  	_ =	shalt  }
0x5a: {  	_ =	shalt  }
0x5b: {  	_ =	shalt  }
0x5c: {  	_ =	shalt  }
0x5d: {  	_ =	shalt  }
0x5e: {  	_ =	shalt  }
0x5f: {  	_ =	shalt  }
0x60: {  	_ =	shalt  }
0x61: {  	_ =	shalt  }
0x62: {  	_ =	shalt  }
0x63: {  	_ =	shalt  }
0x64: {  	_ =	shalt  }
0x65: {  	_ =	shalt  }
0x66: {  	_ =	shalt  }
0x67: {  	_ =	shalt  }
0x68: {  	_ =	shalt  }
0x69: {  	_ =	shalt  }
0x6a: {  	_ =	shalt  }
0x6b: {  	_ =	shalt  }
0x6c: {  	_ =	shalt  }
0x6d: {  	_ =	shalt  }
0x6e: {  	_ =	shalt  }
0x6f: {  	_ =	shalt  }
0x70: {  	_ =	shalt  }
0x71: {  	_ =	shalt  }
0x72: {  	_ =	shalt  }
0x73: {  	_ =	shalt  }
0x74: {  	_ =	shalt  }
0x75: {  	_ =	shalt  }
0x76: {  	_ =	shalt  }
0x77: {  	_ =	shalt  }
0x78: {  	_ =	shalt  }
0x79: {  	_ =	shalt  }
0x7a: {  	_ =	shalt  }
0x7b: {  	_ =	shalt  }
0x7c: {  	_ =	shalt  }
0x7d: {  	_ =	shalt  }
0x7e: {  	_ =	shalt  }
0x7f: {  	_ =	shalt  }
0x80: {  	_ =	shalt  }
0x81: {  	_ =	shalt  }
0x82: {  	_ =	shalt  }
0x83: {  	_ =	shalt  }
0x84: {  	_ =	shalt  }
0x85: {  	_ =	shalt  }
0x86: {  	_ =	shalt  }
0x87: {  	_ =	shalt  }
.Lfunc_end0:
.L_simem_size_0:
called_computation_lowered:
.L_overlay_start_0:
0x88: {  	s2 =	sld [smem:$0x3FD9]  }
0x89: {  	s3 =	sld [smem:$0x3FFE];
	_ =	sdelay $0x1  }
0x8a: {  	s1 =	srdreg.scid  }
0x8b: {  	s0 =	sand.u32 $0x1, s1  }
0x8c: {  	s17 =	sshll.u32 s0, $0xA;
	s2 =	sadd.s32 s3, s2  }
0x8d: {  	s2 =	sadd.s32 s2, s17  }
0x8e: {  	[smem:$0x3FC5] =	sst s2  }
0x8f: {  	_ = 	snop  }
0x90: {  	s2 =	sld [smem:$0x3FC8]  }
0x91: {  	s18 =	sld [smem:$0x3FC7]  }
0x92: {  	s4 =	sld [smem:$0x3FD0];
	(tm) =	ssettm $0x1  }
0x93: {  	s5 =	sld [smem:$0x3FFB];
	_ =	sdelay $0x3  }
0x94: {  	_ =	strace s5  }
0x95: {  	s5 =	sld [smem:$0x3FFC];
	_ =	sdelay $0x3  }
0x96: {  	_ =	strace s5  }
0x97: {  	s5 =	sld [smem:$0x3FFD];
	_ =	sdelay $0x3  }
0x98: {  	_ =	strace s5  }
0x99: {  	_ =	strace $0x8FFFFFFF  }
0x9a: {  	s19 =	sld [smem:$0x3FDB];
	_ =	sdelay $0x1  }
0x9b: {  	s6 =	simm.s32 $_scs_section_size  }
0x9c: {  	s7 =	simm.s32 $_size__tile_overlayer_lowered;
	s8 =	simm.s32 $_tile_overlayer_lowered  }
0x9d: {  	s22 =	simm.s32 $0x1BFF;
	s21 =	sshll.u32 s8, $0x1;
	s5 =	sadd.s32 s6, s19  }
0x9e: {  	s9 =	simm.s32 $0x0;
	s20 =	sshll.u32 s7, $0x1;
	s7 =	sadd.s32 s21, s5  }
0x9f: {  	[timem:s9], [sflag:s22] =	dma.local [hbm:s7], s20  }
0xa0: {  	_ =	swait.ge [sflag:s22], s20  }
0xa1: {  	s6 =	ssub.s32 $0x0, s20;
	[sflag:s22] =	ssyncset.done $0x0  }
0xa2: {  	[sflag:s22] =	ssyncadd.s32 s6;
	_ =	sdelay $0x1  }
0xa3: {  	s23 =	simm.s32 $0x1B8B  }
0xa4: {  	_ =	swait.ge [sflag:s23], $0x1  }
0xa5: {  	[sflag:s23] =	ssyncset.done $0x0  }
0xa6: {  	s25 =	simm.s32 $0x1B8E;
	s24 =	sld [smem:$0x3FFE];
	[sflag:s23] =	ssyncadd.s32 $0xFFFFFFFF  }
0xa7: {  	s26 =	simm.s32 $execute0_lowered;
	[smem:$0x3FD2] =	sst s25  }
0xa8: {  	s7 =	sshll.u32 s26, $0x1;
	_ =	strace $0x80000046;
	[dreg:$0x1] =	wrdreg $0xFFFFFFFF  }
0xa9: {  	s28 =	simm.s32 $_size_execute0_lowered;
	s5 =	sadd.s32 s5, s7;
	[dreg:$0x0] =	wrdreg $0x0  }
0xaa: {  	s7 =	sshll.u32 s28, $0x1;
	[dreg:$0x2] =	wrdreg s5  }
0xab: {  	[dreg:$0x3] =	wrdreg s7  }
0xac: {  	[dreg:$0x4] =	wrdreg $0xC0  }
0xad: {  	_ =	task [dreg:s9], $0x5FFFF  }
0xae: {  	[dreg:$0x1] =	wrdreg $0xFFFFFFFF  }
0xaf: {  	[dreg:$0x0] =	wrdreg $0x60  }
0xb0: {  	[dreg:$0x2] =	wrdreg s4  }
0xb1: {  	[dreg:$0x3] =	wrdreg s24  }
0xb2: {  	[dreg:$0x4] =	wrdreg s2  }
0xb3: {  	[dreg:$0x5] =	wrdreg s18  }
0xb4: {  	[dreg:$0x6] =	wrdreg $0x9  }
0xb5: {  	_ =	task.clear_ibuf [dreg:s9], $0x7FFFF;
	_ =	strace $0x90000046  }
0xb6: {  	s29 =	simm.s32 $0x9;
	_ =	strace $0x80000048  }
0xb7: {  	_ =	swait.ge [sflag:s29], $0x1  }
0xb8: {  	[sflag:s29] =	ssyncadd.s32 $0xFFFFFFFF  }
0xb9: {  	_ =	strace $0x90000048  }
0xba: {  	_ =	sfence  }
0xbb: {  	s30 =	sld [smem:$0x0];
	_ =	sdelay $0x2  }
0xbc: {  	s31 =	sshll.u32 s1, $0xD;
	s1 =	sshrl.u32 s1, $0x2  }
0xbd: {  	s3 =	sand.u32 $0x4000, s31;
	s1 =	sadd.s32 s1, s30  }
0xbe: {  	s0 =	sor.u32 s3, s0;
	s1 =	sshll.u32 s1, $0x11  }
0xbf: {  	s0 =	sor.u32 s1, s0  }
0xc0: {  	s0 =	sadd.s32 $0x8F2B, s0  }
0xc1: {  	[sflag:s0] =	ssyncadd.remote.s32 $0x1  }
0xc2: {  	_ =	sfence.sel $0xFFFF  }
0xc3: {  	[dreg:$0x0] =	wrdreg $0xFFFFFFFF;
	(pc) =	sbr.abs _section_cstart, $3  }
0xc4: {  	[dreg:$0x1] =	wrdreg $0xFFFFFFFF  }
0xc5: {  	_ =	task.clear_ibuf [dreg:s9], $0x2FFFF;
	_ =	strace $0x9FFFFFFF  }
0xc6: {  	(tm) =	ssettm $0x7FFFFFFF  }
0xc7: {  	_ =	shalt  }
tec
execute0_lowered:
.L_overlay_start_1:
0x0: {  	(tag) =	ssettag $0x1  }
0x1: {  	s0 =	rddreg [dreg:$0x0]  }
0x2: {  	s1 =	rddreg [dreg:$0x1]  }
0x3: {  	s2 =	rddreg [dreg:$0x2]  }
0x4: {  	s3 =	rddreg [dreg:$0x3]  }
0x5: {  	s4 =	srdreg.scid;
	s5 =	stileid.u32  }
0x6: {  	s14 =	simm.s32 $0x38;
	s22 =	simm.s32 $0x11400;
	s28 =	simm.s32 $0x13400  }
0x7: {  	s29 =	simm.s32 $0x13C00;
	s30 =	simm.s32 $0x14400;
	s31 =	simm.s32 $0x1  }
0x8: {  	s13 =	simm.s32 $0x16000;
	s11 =	simm.s32 $0x0;
	s6 =	sand.u32 $0x1, s4  }
0x9: {  	s4 =	simm.s32 $0x0;
	s5 =	sshll.u32 s5, $0x6;
	s7 =	sshll.u32 s6, $0x5  }
0xa: {  	[smem:$0x7FF] =	sst s4;
	s23 =	ssub.s32 $0x2, s6;
	s6 =	sadd.s32 $0x4400, s1  }
0xb: {  	s5 =	sor.u32 s7, s5;
	_ =	strace $0x80000047;
	s9 =	sshrl.u32 s23, $0x1  }
0xc: {  	s8 =	sshll.u32 s5, $0x4;
	s24 =	ssub.s32 s23, s9;
	s9 =	sadd.s32 $0x100, s3  }
.Ltmp0:
0xd: {  	s23 =	simm.s32 $0x11C00;
	s10 =	sadd.s32 s8, s1;
	(pc) =	sbr.rel .LBB2_1-.Ltmp0, $4  }
0xe: {  	s0 =	sadd.s32 s0, s8;
	s26 =	smax.u32 s24, $0x1;
	s24 =	simm.s32 $0x12000  }
0xf: {  	v2 =	vlaneseq.u32;
	s1 =	simm.s32 $0x2;
	[dreg:$0x5] =	wrdreg s0;
	s25 =	sadd.s32 $0x400, s10  }
0x10: {  	vm0 =	vmmov $0xffff;
	vm1 =	vmmov $0xff;
	v1 =	vshrl.u32 v2, $0x3;
	s10 =	sadd.s32 $0x200, s3;
	[dreg:$0x7] =	wrdreg s26;
	s26 =	simm.s32 $0x13000  }
0x11: {  	v0 =	vand.u32 $0x7, v2;
	v2 =	vor.u32 $0x8, v2;
	v1 =	vmul.u32 $0x8, v1;
	s0 =	simm.s32 $0x14800;
	[dreg:$0x6] =	wrdreg s25;
	s25 =	simm.s32 $0x12800  }
.LBB2_10:
0x12: {  	s7 =	simm.s32 $0x3  }
0x13: {  	_ =	swait.ge [sflag:s7], $0x1700  }
0x14: {  	[sflag:s7] =	ssyncset.done $0x0  }
0x15: {  	s8 =	simm.s32 $0x4;
	[sflag:s7] =	ssyncadd.s32 $0xFFFFE900  }
0x16: {  	_ =	swait.ge [sflag:s8], $0x1700  }
0x17: {  	s11 =	rddreg [dreg:$0x8]  }
0x18: {  	s21 =	rddreg [dreg:$0x7];
	s11 =	sadd.s32 $0x1, s11  }
0x19: {  	p0 =	sne.s32 s11, s21  }
.Ltmp1:
0x1a: {  	_ = 	snop;
	(pc) =	sbr.rel @!p0 .LBB2_11-.Ltmp1, $3  }
0x1b: {  	_ =	sdelay $0x1  }
0x1c: {  	[sflag:s8] =	ssyncset.done $0x0  }
0x1d: {  	[sflag:s8] =	ssyncadd.s32 $0xFFFFE900  }
.LBB2_1:
0x1e: {  	[dreg:$0x8] =	wrdreg s11  }
0x1f: {  	s7 =	rddreg [dreg:$0x5];
	s8 =	simm.s32 $0x5  }
0x20: {  	[tilespmem:s4], [sflag:$0x5] =	stream.linear.gather [hbm4b:s7+s4], $0x1000, $0x38;
	[tilespmem:$0x17800] =	vst v63  }
0x21: {  	_ =	swait.ge [sflag:s8], $0x1000  }
0x22: {  	[sflag:s8] =	ssyncset.done $0x0  }
0x23: {  	s20 =	simm.s32 $0x1000;
	s19 =	rddreg [dreg:$0x6];
	[sflag:s8] =	ssyncadd.s32 $0xFFFFF000  }
0x24: {  	[tilespmem:s20], [sflag:$0x5] =	stream.linear.gather [hbm4b:s19+s4], $0x1000, $0x38;
	[tilespmem:$0x17800] =	vst v63  }
0x25: {  	_ =	swait.ge [sflag:s8], $0x1000  }
0x26: {  	[sflag:s8] =	ssyncset.done $0x0  }
0x27: {  	s21 =	simm.s32 $0x2000;
	[sflag:s8] =	ssyncadd.s32 $0xFFFFF000  }
0x28: {  	[tilespmem:s21], [sflag:$0x1] =	stream.indirect.gather [hbm4b:s2+s14], $0x80, s4, s14, $0xb8;
	[tilespmem:$0x17800] =	vst v63  }
0x29: {  	v3 =	vld [tilespmem:$0x1000];
	_ =	sdelay $0x4  }
0x2a: {  	v4 =	vshrl.u32 v3, $0x3  }
0x2b: {  	v4 =	vmul.u32 $0x28, v4  }
0x2c: {  	v3 =	vand.u32 $0x7, v3  }
0x2d: {  	v3 =	vor.u32 v3, v4  }
0x2e: {  	v4 =	vperm.xlane v3, v0;
	_ =	sdelay $0x1  }
0x2f: {  	v4 =	vadd.s32 v1, v4;
	_ =	sdelay $0x3  }
0x30: {  	s8 =	simm.s32 $0x3C00;
	v3 =	vperm.xlane v3, v2  }
0x31: {  	[tilespmem:s8], [sflag:$0x1] =	stream.indirect_vreg.gather [hbm4b:s3+s4], $0x80, v4, vm0, $0xb8;
	[tilespmem:$0x17800] =	vst v63  }
0x32: {  	s11 =	simm.s32 $0x4400;
	v3 =	vadd.s32 v1, v3  }
0x33: {  	[tilespmem:s11], [sflag:$0x1] =	stream.indirect_vreg.gather [hbm4b:s9+s4], $0x80, v4, vm0, $0xb8;
	[tilespmem:$0x17800] =	vst v63  }
0x34: {  	s12 =	simm.s32 $0x4C00  }
0x35: {  	[tilespmem:s12], [sflag:$0x1] =	stream.indirect_vreg.gather [hbm4b:s10+s4], $0x80, v4, vm1, $0xb8;
	[tilespmem:$0x17800] =	vst v63  }
0x36: {  	s15 =	simm.s32 $0x5000  }
0x37: {  	[tilespmem:s15], [sflag:$0x1] =	stream.indirect_vreg.gather [hbm4b:s3+s4], $0x80, v3, vm0, $0xb8;
	[tilespmem:$0x17800] =	vst v63  }
0x38: {  	s16 =	simm.s32 $0x5800  }
0x39: {  	[tilespmem:s16], [sflag:$0x1] =	stream.indirect_vreg.gather [hbm4b:s9+s4], $0x80, v3, vm0, $0xb8;
	[tilespmem:$0x17800] =	vst v63  }
0x3a: {  	s17 =	simm.s32 $0x6000  }
0x3b: {  	[tilespmem:s17], [sflag:$0x1] =	stream.indirect_vreg.gather [hbm4b:s10+s4], $0x80, v3, vm1, $0xb8;
	[tilespmem:$0x17800] =	vst v63  }
0x3c: {  	v3 =	vld [tilespmem:$0x1010];
	_ =	sdelay $0x4  }
0x3d: {  	v59 =	vshrl.u32 v3, $0x3  }
0x3e: {  	v4 =	vmul.u32 $0x28, v59  }
0x3f: {  	v3 =	vand.u32 $0x7, v3  }
0x40: {  	v3 =	vor.u32 v3, v4  }
0x41: {  	v4 =	vperm.xlane v3, v0;
	_ =	sdelay $0x1  }
0x42: {  	v4 =	vadd.s32 v1, v4;
	_ =	sdelay $0x3  }
0x43: {  	s18 =	simm.s32 $0x6400;
	v3 =	vperm.xlane v3, v2  }
0x44: {  	[tilespmem:s18], [sflag:$0x1] =	stream.indirect_vreg.gather [hbm4b:s3+s4], $0x80, v4, vm0, $0xb8;
	[tilespmem:$0x17800] =	vst v63  }
0x45: {  	s19 =	simm.s32 $0x6C00;
	v3 =	vadd.s32 v1, v3  }
0x46: {  	[tilespmem:s19], [sflag:$0x1] =	stream.indirect_vreg.gather [hbm4b:s9+s4], $0x80, v4, vm0, $0xb8;
	[tilespmem:$0x17800] =	vst v63  }
0x47: {  	s20 =	simm.s32 $0x7400  }
0x48: {  	[tilespmem:s20], [sflag:$0x1] =	stream.indirect_vreg.gather [hbm4b:s10+s4], $0x80, v4, vm1, $0xb8;
	[tilespmem:$0x17800] =	vst v63  }
0x49: {  	s21 =	simm.s32 $0x7800  }
0x4a: {  	[tilespmem:s21], [sflag:$0x1] =	stream.indirect_vreg.gather [hbm4b:s3+s4], $0x80, v3, vm0, $0xb8;
	[tilespmem:$0x17800] =	vst v63  }
0x4b: {  	s8 =	simm.s32 $0x8000  }
0x4c: {  	[tilespmem:s8], [sflag:$0x1] =	stream.indirect_vreg.gather [hbm4b:s9+s4], $0x80, v3, vm0, $0xb8;
	[tilespmem:$0x17800] =	vst v63  }
0x4d: {  	s11 =	simm.s32 $0x8800  }
0x4e: {  	[tilespmem:s11], [sflag:$0x1] =	stream.indirect_vreg.gather [hbm4b:s10+s4], $0x80, v3, vm1, $0xb8;
	[tilespmem:$0x17800] =	vst v63  }
0x4f: {  	v3 =	vld [tilespmem:$0x1020];
	_ =	sdelay $0x4  }
0x50: {  	v60 =	vshrl.u32 v3, $0x3  }
0x51: {  	v4 =	vmul.u32 $0x28, v60  }
0x52: {  	v3 =	vand.u32 $0x7, v3  }
0x53: {  	v3 =	vor.u32 v3, v4  }
0x54: {  	v4 =	vperm.xlane v3, v0;
	_ =	sdelay $0x1  }
0x55: {  	v4 =	vadd.s32 v1, v4;
	_ =	sdelay $0x3  }
0x56: {  	s12 =	simm.s32 $0x8C00;
	v3 =	vperm.xlane v3, v2  }
0x57: {  	[tilespmem:s12], [sflag:$0x1] =	stream.indirect_vreg.gather [hbm4b:s3+s4], $0x80, v4, vm0, $0xb8;
	[tilespmem:$0x17800] =	vst v63  }
0x58: {  	s15 =	simm.s32 $0x9400;
	v3 =	vadd.s32 v1, v3  }
0x59: {  	[tilespmem:s15], [sflag:$0x1] =	stream.indirect_vreg.gather [hbm4b:s9+s4], $0x80, v4, vm0, $0xb8;
	[tilespmem:$0x17800] =	vst v63  }
0x5a: {  	s16 =	simm.s32 $0x9C00  }
0x5b: {  	[tilespmem:s16], [sflag:$0x1] =	stream.indirect_vreg.gather [hbm4b:s10+s4], $0x80, v4, vm1, $0xb8;
	[tilespmem:$0x17800] =	vst v63  }
0x5c: {  	s17 =	simm.s32 $0xA000  }
0x5d: {  	[tilespmem:s17], [sflag:$0x1] =	stream.indirect_vreg.gather [hbm4b:s3+s4], $0x80, v3, vm0, $0xb8;
	[tilespmem:$0x17800] =	vst v63  }
0x5e: {  	s18 =	simm.s32 $0xA800  }
0x5f: {  	[tilespmem:s18], [sflag:$0x1] =	stream.indirect_vreg.gather [hbm4b:s9+s4], $0x80, v3, vm0, $0xb8;
	[tilespmem:$0x17800] =	vst v63  }
0x60: {  	s19 =	simm.s32 $0xB000  }
0x61: {  	[tilespmem:s19], [sflag:$0x1] =	stream.indirect_vreg.gather [hbm4b:s10+s4], $0x80, v3, vm1, $0xb8;
	[tilespmem:$0x17800] =	vst v63  }
0x62: {  	s20 =	simm.s32 $0x80;
	s21 =	simm.s32 $0xB400  }
0x63: {  	[tilespmem:s21], [sflag:$0x2] =	stream.indirect.gather [hbm4b:s2+s14], $0x80, s20, s14, $0xb8;
	[tilespmem:$0x17800] =	vst v63  }
0x64: {  	v3 =	vld [tilespmem:$0x1080];
	_ =	sdelay $0x4  }
0x65: {  	v61 =	vshrl.u32 v3, $0x3  }
0x66: {  	v4 =	vmul.u32 $0x28, v61  }
0x67: {  	v3 =	vand.u32 $0x7, v3  }
0x68: {  	v3 =	vor.u32 v3, v4  }
0x69: {  	v4 =	vperm.xlane v3, v0;
	_ =	sdelay $0x1  }
0x6a: {  	v4 =	vadd.s32 v1, v4;
	_ =	sdelay $0x3  }
0x6b: {  	s8 =	simm.s32 $0xD000;
	v3 =	vperm.xlane v3, v2  }
0x6c: {  	[tilespmem:s8], [sflag:$0x2] =	stream.indirect_vreg.gather [hbm4b:s3+s4], $0x80, v4, vm0, $0xb8;
	[tilespmem:$0x17800] =	vst v63  }
0x6d: {  	s11 =	simm.s32 $0xD800;
	v3 =	vadd.s32 v1, v3  }
0x6e: {  	[tilespmem:s11], [sflag:$0x2] =	stream.indirect_vreg.gather [hbm4b:s9+s4], $0x80, v4, vm0, $0xb8;
	[tilespmem:$0x17800] =	vst v63  }
0x6f: {  	s12 =	simm.s32 $0xE000  }
0x70: {  	[tilespmem:s12], [sflag:$0x2] =	stream.indirect_vreg.gather [hbm4b:s10+s4], $0x80, v4, vm1, $0xb8;
	[tilespmem:$0x17800] =	vst v63  }
0x71: {  	s15 =	simm.s32 $0xE400  }
0x72: {  	[tilespmem:s15], [sflag:$0x2] =	stream.indirect_vreg.gather [hbm4b:s3+s4], $0x80, v3, vm0, $0xb8;
	[tilespmem:$0x17800] =	vst v63  }
0x73: {  	s16 =	simm.s32 $0xEC00  }
0x74: {  	[tilespmem:s16], [sflag:$0x2] =	stream.indirect_vreg.gather [hbm4b:s9+s4], $0x80, v3, vm0, $0xb8;
	[tilespmem:$0x17800] =	vst v63  }
0x75: {  	s17 =	simm.s32 $0xF400  }
0x76: {  	[tilespmem:s17], [sflag:$0x2] =	stream.indirect_vreg.gather [hbm4b:s10+s4], $0x80, v3, vm1, $0xb8;
	[tilespmem:$0x17800] =	vst v63  }
0x77: {  	v3 =	vld [tilespmem:$0x1090];
	_ =	sdelay $0x4  }
0x78: {  	v62 =	vshrl.u32 v3, $0x3  }
0x79: {  	v4 =	vmul.u32 $0x28, v62  }
0x7a: {  	v3 =	vand.u32 $0x7, v3  }
0x7b: {  	v3 =	vor.u32 v3, v4  }
0x7c: {  	v4 =	vperm.xlane v3, v0;
	_ =	sdelay $0x1  }
0x7d: {  	v4 =	vadd.s32 v1, v4;
	_ =	sdelay $0x3  }
0x7e: {  	s18 =	simm.s32 $0xF800;
	v3 =	vperm.xlane v3, v2  }
0x7f: {  	[tilespmem:s18], [sflag:$0x2] =	stream.indirect_vreg.gather [hbm4b:s3+s4], $0x80, v4, vm0, $0xb8;
	[tilespmem:$0x17800] =	vst v63  }
0x80: {  	s19 =	simm.s32 $0x10000;
	v3 =	vadd.s32 v1, v3  }
0x81: {  	[tilespmem:s19], [sflag:$0x2] =	stream.indirect_vreg.gather [hbm4b:s9+s4], $0x80, v4, vm0, $0xb8;
	[tilespmem:$0x17800] =	vst v63  }
0x82: {  	s20 =	simm.s32 $0x10800  }
0x83: {  	[tilespmem:s20], [sflag:$0x2] =	stream.indirect_vreg.gather [hbm4b:s10+s4], $0x80, v4, vm1, $0xb8;
	[tilespmem:$0x17800] =	vst v63  }
0x84: {  	s21 =	simm.s32 $0x10C00  }
0x85: {  	[tilespmem:s21], [sflag:$0x2] =	stream.indirect_vreg.gather [hbm4b:s3+s4], $0x80, v3, vm0, $0xb8;
	[tilespmem:$0x17800] =	vst v63  }
0x86: {  	_ = 	snop  }
0x87: {  	[tilespmem:s22], [sflag:$0x2] =	stream.indirect_vreg.gather [hbm4b:s9+s4], $0x80, v3, vm0, $0xb8;
	[tilespmem:$0x17800] =	vst v63  }
0x88: {  	_ = 	snop  }
0x89: {  	[tilespmem:s23], [sflag:$0x2] =	stream.indirect_vreg.gather [hbm4b:s10+s4], $0x80, v3, vm1, $0xb8;
	[tilespmem:$0x17800] =	vst v63  }
0x8a: {  	v3 =	vld [tilespmem:$0x10A0];
	_ =	sdelay $0x4  }
0x8b: {  	v63 =	vshrl.u32 v3, $0x3  }
0x8c: {  	v4 =	vmul.u32 $0x28, v63  }
0x8d: {  	v3 =	vand.u32 $0x7, v3  }
0x8e: {  	v3 =	vor.u32 v3, v4  }
0x8f: {  	v4 =	vperm.xlane v3, v0;
	_ =	sdelay $0x1  }
0x90: {  	v4 =	vadd.s32 v1, v4;
	_ =	sdelay $0x3  }
0x91: {  	v3 =	vperm.xlane v3, v2  }
0x92: {  	[tilespmem:s24], [sflag:$0x2] =	stream.indirect_vreg.gather [hbm4b:s3+s4], $0x80, v4, vm0, $0xb8;
	[tilespmem:$0x17800] =	vst v63  }
0x93: {  	v3 =	vadd.s32 v1, v3  }
0x94: {  	[tilespmem:s25], [sflag:$0x2] =	stream.indirect_vreg.gather [hbm4b:s9+s4], $0x80, v4, vm0, $0xb8;
	[tilespmem:$0x17800] =	vst v63  }
0x95: {  	_ = 	snop  }
0x96: {  	[tilespmem:s26], [sflag:$0x2] =	stream.indirect_vreg.gather [hbm4b:s10+s4], $0x80, v4, vm1, $0xb8;
	[tilespmem:$0x17800] =	vst v63  }
0x97: {  	_ = 	snop  }
0x98: {  	[tilespmem:s28], [sflag:$0x2] =	stream.indirect_vreg.gather [hbm4b:s3+s4], $0x80, v3, vm0, $0xb8;
	[tilespmem:$0x17800] =	vst v63  }
0x99: {  	_ = 	snop  }
0x9a: {  	[tilespmem:s29], [sflag:$0x2] =	stream.indirect_vreg.gather [hbm4b:s9+s4], $0x80, v3, vm0, $0xb8;
	[tilespmem:$0x17800] =	vst v63  }
0x9b: {  	s7 =	simm.s32 $0x0  }
0x9c: {  	[tilespmem:s30], [sflag:$0x2] =	stream.indirect_vreg.gather [hbm4b:s10+s4], $0x80, v3, vm1, $0xb8;
	[tilespmem:$0x17800] =	vst v63  }
.LBB2_2:
0x9d: {  	_ =	swait.ge [sflag:s31], $0x1C00  }
0x9e: {  	[sflag:s31] =	ssyncset.done $0x0  }
0x9f: {  	[sflag:s31] =	ssyncadd.s32 $0xFFFFE400  }
0xa0: {  	_ =	swait.ge [sflag:s31], $0x7800  }
0xa1: {  	p0 =	seq.s32 s7, $0x0;
	[sflag:s31] =	ssyncset.done $0x0  }
0xa2: {  	s8 =	simm.s32 @!p0 $0x3;
	[sflag:s31] =	ssyncadd.s32 $0xFFFF8800  }
0xa3: {  	_ =	swait.ge @!p0 [sflag:s8], $0x1700  }
0xa4: {  	[sflag:s8] =	ssyncset.done @!p0 $0x0  }
0xa5: {  	s17 =	simm.s32 $0x2140;
	[sflag:s8] =	ssyncadd.s32 @!p0 $0xFFFFE900  }
0xa6: {  	s20 =	simm.s32 $0x0;
	v3 =	vld [tilespmem:s17+$0xC0]  }
0xa7: {  	s8 =	smul.u32 $0x5000, s20;
	v4 =	vld [tilespmem:s17+$0x40]  }
0xa8: {  	s11 =	simm.s32 $0x0;
	v5 =	vld [tilespmem:s17+$0xFFFFFFC0]  }
0xa9: {  	s11 =	sand.u32 $0x380, s11;
	v6 =	vld [tilespmem:s17+$0xFFFFFEC0];
	s8 =	sshra.s32 s8, $0x2  }
0xaa: {  	v7 =	vld [tilespmem:s17+$0xFFFFFF40];
	s18 =	sor.u32 s11, s8  }
0xab: {  	v8 =	vld [tilespmem:s18+$0x3C00]  }
0xac: {  	v9 =	vld [tilespmem:s18+$0x4000]  }
0xad: {  	v10 =	vld [tilespmem:s18+$0x4400]  }
0xae: {  	v11 =	vld [tilespmem:s18+$0x4800]  }
0xaf: {  	v12 =	vld [tilespmem:s18+$0x4C00];
	_ =	sdelay $0x1  }
0xb0: {  	v6 =	vmul.f32 v8, v6;
	v7 =	vmul.f32 v9, v7  }
0xb1: {  	v5 =	vmul.f32 v10, v5  }
0xb2: {  	v4 =	vmul.f32 v11, v4;
	v6 =	vmax.f32 v6, v7  }
0xb3: {  	v3 =	vmul.f32 v12, v3;
	v5 =	vmax.f32 v6, v5  }
0xb4: {  	v4 =	vmax.f32 v5, v4  }
0xb5: {  	s11 =	simm.s32 $0x14840;
	v3 =	vmax.f32 v4, v3  }
0xb6: {  	[tilespmem:s11+$0xFFFFFFC0] =	vst v3  }
0xb7: {  	v3 =	vld [tilespmem:s17+$0xD0]  }
0xb8: {  	v4 =	vld [tilespmem:s17+$0x50]  }
0xb9: {  	v5 =	vld [tilespmem:s17+$0xFFFFFFD0]  }
0xba: {  	v6 =	vld [tilespmem:s17+$0xFFFFFED0]  }
0xbb: {  	v7 =	vld [tilespmem:s18+$0x3C10]  }
0xbc: {  	v8 =	vld [tilespmem:s17+$0xFFFFFF50]  }
0xbd: {  	v9 =	vld [tilespmem:s18+$0x4010]  }
0xbe: {  	v10 =	vld [tilespmem:s18+$0x4410]  }
0xbf: {  	v11 =	vld [tilespmem:s18+$0x4810]  }
0xc0: {  	v12 =	vld [tilespmem:s18+$0x4C10];
	_ =	sdelay $0x1  }
0xc1: {  	v6 =	vmul.f32 v7, v6;
	v7 =	vmul.f32 v9, v8  }
0xc2: {  	v5 =	vmul.f32 v10, v5  }
0xc3: {  	v4 =	vmul.f32 v11, v4;
	v6 =	vmax.f32 v6, v7  }
0xc4: {  	v3 =	vmul.f32 v12, v3;
	v5 =	vmax.f32 v6, v5  }
0xc5: {  	v4 =	vmax.f32 v5, v4  }
0xc6: {  	v3 =	vmax.f32 v4, v3  }
0xc7: {  	[tilespmem:s11+$0xFFFFFFD0] =	vst v3  }
0xc8: {  	v3 =	vld [tilespmem:s17+$0xE0]  }
0xc9: {  	v4 =	vld [tilespmem:s17+$0x60]  }
0xca: {  	v5 =	vld [tilespmem:s17+$0xFFFFFFE0]  }
0xcb: {  	v6 =	vld [tilespmem:s17+$0xFFFFFEE0]  }
0xcc: {  	v7 =	vld [tilespmem:s18+$0x3C20]  }
0xcd: {  	v8 =	vld [tilespmem:s17+$0xFFFFFF60]  }
0xce: {  	v9 =	vld [tilespmem:s18+$0x4020]  }
0xcf: {  	v10 =	vld [tilespmem:s18+$0x4420]  }
0xd0: {  	v11 =	vld [tilespmem:s18+$0x4820]  }
0xd1: {  	v12 =	vld [tilespmem:s18+$0x4C20];
	_ =	sdelay $0x1  }
0xd2: {  	v6 =	vmul.f32 v7, v6;
	v7 =	vmul.f32 v9, v8  }
0xd3: {  	v5 =	vmul.f32 v10, v5  }
0xd4: {  	v4 =	vmul.f32 v11, v4;
	v6 =	vmax.f32 v6, v7  }
0xd5: {  	v3 =	vmul.f32 v12, v3;
	v5 =	vmax.f32 v6, v5  }
0xd6: {  	s15 =	simm.s32 $0x21C0;
	v4 =	vmax.f32 v5, v4  }
0xd7: {  	v15 =	vld [tilespmem:s15+$0xFFFFFFC0];
	v3 =	vmax.f32 v4, v3  }
0xd8: {  	v16 =	vld [tilespmem:s15+$0xFFFFFEC0];
	[tilespmem:s11+$0xFFFFFFE0] =	vst v3  }
0xd9: {  	v3 =	vld [tilespmem:s17+$0xF0]  }
0xda: {  	v6 =	vld [tilespmem:s17+$0x70]  }
0xdb: {  	v7 =	vld [tilespmem:s17+$0xFFFFFFF0]  }
0xdc: {  	v8 =	vld [tilespmem:s17+$0xFFFFFEF0]  }
0xdd: {  	v9 =	vld [tilespmem:s18+$0x3C30]  }
0xde: {  	v10 =	vld [tilespmem:s17+$0xFFFFFF70]  }
0xdf: {  	v11 =	vld [tilespmem:s18+$0x4030]  }
0xe0: {  	v12 =	vld [tilespmem:s18+$0x4430]  }
0xe1: {  	s21 =	simm.s32 $0x0;
	v13 =	vld [tilespmem:s18+$0x4830]  }
0xe2: {  	s8 =	smul.u32 $0x5000, s21;
	v14 =	vld [tilespmem:s18+$0x4C30]  }
0xe3: {  	s16 =	simm.s32 $0x80;
	v5 =	vld [tilespmem:s15+$0xC0]  }
0xe4: {  	s12 =	sand.u32 $0x380, s16;
	s8 =	sshra.s32 s8, $0x2;
	v4 =	vld [tilespmem:s15+$0x40];
	v8 =	vmul.f32 v9, v8;
	v9 =	vmul.f32 v11, v10  }
0xe5: {  	s8 =	sor.u32 s12, s8;
	v10 =	vld [tilespmem:s15+$0xFFFFFF40];
	v7 =	vmul.f32 v12, v7  }
0xe6: {  	v11 =	vld [tilespmem:s8+$0x4C00];
	v6 =	vmul.f32 v13, v6;
	v8 =	vmax.f32 v8, v9  }
0xe7: {  	v3 =	vmul.f32 v14, v3;
	v9 =	vld [tilespmem:s8+$0x4800];
	v7 =	vmax.f32 v8, v7  }
0xe8: {  	v8 =	vld [tilespmem:s8+$0x4400];
	v6 =	vmax.f32 v7, v6  }
0xe9: {  	v7 =	vld [tilespmem:s8+$0x3C00];
	v3 =	vmax.f32 v6, v3  }
0xea: {  	v6 =	vld [tilespmem:s8+$0x4000];
	[tilespmem:s11+$0xFFFFFFF0] =	vst v3  }
0xeb: {  	v3 =	vld [tilespmem:s17+$0x100]  }
0xec: {  	v12 =	vld [tilespmem:s17+$0x80]  }
0xed: {  	v13 =	vld [tilespmem:s17+$0x0]  }
0xee: {  	v14 =	vld [tilespmem:s17+$0xFFFFFF00]  }
0xef: {  	v17 =	vld [tilespmem:s18+$0x3C40]  }
0xf0: {  	v18 =	vld [tilespmem:s17+$0xFFFFFF80]  }
0xf1: {  	v19 =	vld [tilespmem:s18+$0x4040]  }
0xf2: {  	v20 =	vld [tilespmem:s18+$0x4440]  }
0xf3: {  	v21 =	vld [tilespmem:s18+$0x4840]  }
0xf4: {  	v7 =	vmul.f32 v7, v16;
	v6 =	vmul.f32 v6, v10;
	v10 =	vld [tilespmem:s18+$0x4C40]  }
0xf5: {  	v4 =	vmul.f32 v9, v4;
	v8 =	vmul.f32 v8, v15  }
0xf6: {  	v6 =	vmax.f32 v7, v6;
	v7 =	vmul.f32 v17, v14;
	v9 =	vmul.f32 v19, v18  }
0xf7: {  	v5 =	vmul.f32 v11, v5;
	v6 =	vmax.f32 v6, v8;
	v8 =	vmul.f32 v20, v13  }
0xf8: {  	v4 =	vmax.f32 v6, v4;
	v6 =	vmax.f32 v7, v9;
	v7 =	vmul.f32 v21, v12  }
0xf9: {  	s12 =	simm.s32 $0x148C0;
	v4 =	vmax.f32 v4, v5;
	v5 =	vmax.f32 v6, v8;
	v3 =	vmul.f32 v10, v3  }
0xfa: {  	[tilespmem:s12+$0xFFFFFFC0] =	vst v4;
	v4 =	vmax.f32 v5, v7  }
0xfb: {  	v5 =	vld [tilespmem:s15+$0xD0];
	v3 =	vmax.f32 v4, v3  }
0xfc: {  	v4 =	vld [tilespmem:s8+$0x4C10];
	[tilespmem:s11+$0x0] =	vst v3  }
0xfd: {  	v3 =	vld [tilespmem:s17+$0x110]  }
0xfe: {  	v6 =	vld [tilespmem:s17+$0x90]  }
0xff: {  	v7 =	vld [tilespmem:s17+$0x10]  }
0x100: {  	v8 =	vld [tilespmem:s17+$0xFFFFFF10]  }
0x101: {  	v9 =	vld [tilespmem:s18+$0x3C50]  }
0x102: {  	v10 =	vld [tilespmem:s17+$0xFFFFFF90]  }
0x103: {  	v11 =	vld [tilespmem:s18+$0x4050]  }
0x104: {  	v12 =	vld [tilespmem:s18+$0x4450]  }
0x105: {  	v13 =	vld [tilespmem:s18+$0x4850]  }
0x106: {  	v14 =	vld [tilespmem:s18+$0x4C50]  }
0x107: {  	v15 =	vld [tilespmem:s15+$0x50]  }
0x108: {  	v16 =	vld [tilespmem:s8+$0x4810];
	v8 =	vmul.f32 v9, v8;
	v9 =	vmul.f32 v11, v10  }
0x109: {  	v10 =	vld [tilespmem:s15+$0xFFFFFFD0];
	v7 =	vmul.f32 v12, v7  }
0x10a: {  	v11 =	vld [tilespmem:s15+$0xFFFFFED0];
	v6 =	vmul.f32 v13, v6;
	v8 =	vmax.f32 v8, v9  }
0x10b: {  	v3 =	vmul.f32 v14, v3;
	v9 =	vld [tilespmem:s8+$0x3C10];
	v7 =	vmax.f32 v8, v7  }
0x10c: {  	v8 =	vld [tilespmem:s15+$0xFFFFFF50];
	v6 =	vmax.f32 v7, v6  }
0x10d: {  	v7 =	vld [tilespmem:s8+$0x4010];
	v3 =	vmax.f32 v6, v3  }
0x10e: {  	v6 =	vld [tilespmem:s8+$0x4410];
	[tilespmem:s11+$0x10] =	vst v3  }
0x10f: {  	v3 =	vld [tilespmem:s17+$0x120]  }
0x110: {  	v12 =	vld [tilespmem:s17+$0xA0]  }
0x111: {  	v17 =	vld [tilespmem:s17+$0x20]  }
0x112: {  	v9 =	vmul.f32 v9, v11;
	v11 =	vld [tilespmem:s17+$0xFFFFFFA0];
	v7 =	vmul.f32 v7, v8  }
0x113: {  	v4 =	vmul.f32 v4, v5;
	v5 =	vld [tilespmem:s18+$0x4060];
	v6 =	vmul.f32 v6, v10  }
0x114: {  	v8 =	vld [tilespmem:s17+$0xFFFFFF20];
	v7 =	vmax.f32 v9, v7;
	v9 =	vmul.f32 v16, v15  }
0x115: {  	v10 =	vld [tilespmem:s18+$0x3C60];
	v6 =	vmax.f32 v7, v6  }
0x116: {  	v7 =	vld [tilespmem:s18+$0x4460];
	v6 =	vmax.f32 v6, v9  }
0x117: {  	v4 =	vmax.f32 v6, v4;
	v6 =	vld [tilespmem:s18+$0x4860]  }
0x118: {  	[tilespmem:s12+$0xFFFFFFD0] =	vst v4;
	v4 =	vld [tilespmem:s18+$0x4C60]  }
0x119: {  	v13 =	vld [tilespmem:s15+$0xE0]  }
0x11a: {  	v5 =	vmul.f32 v5, v11;
	v8 =	vmul.f32 v10, v8;
	v14 =	vld [tilespmem:s15+$0x60]  }
0x11b: {  	v15 =	vld [tilespmem:s15+$0xFFFFFFE0];
	v7 =	vmul.f32 v7, v17  }
0x11c: {  	v16 =	vld [tilespmem:s8+$0x4420];
	v5 =	vmax.f32 v8, v5;
	v6 =	vmul.f32 v6, v12  }
0x11d: {  	v18 =	vld [tilespmem:s8+$0x3C20];
	v5 =	vmax.f32 v5, v7;
	v3 =	vmul.f32 v4, v3  }
0x11e: {  	v19 =	vld [tilespmem:s15+$0xFFFFFF60];
	v4 =	vmax.f32 v5, v6  }
0x11f: {  	v20 =	vld [tilespmem:s8+$0x4020];
	v3 =	vmax.f32 v4, v3  }
0x120: {  	v17 =	vld [tilespmem:s15+$0xFFFFFEE0];
	[tilespmem:s11+$0x20] =	vst v3  }
0x121: {  	v3 =	vld [tilespmem:s17+$0x130]  }
0x122: {  	v4 =	vld [tilespmem:s17+$0xB0]  }
0x123: {  	v5 =	vld [tilespmem:s17+$0x30]  }
0x124: {  	v6 =	vld [tilespmem:s17+$0xFFFFFF30]  }
0x125: {  	v9 =	vld [tilespmem:s18+$0x3C70]  }
0x126: {  	v10 =	vld [tilespmem:s17+$0xFFFFFFB0]  }
0x127: {  	v12 =	vld [tilespmem:s18+$0x4070]  }
0x128: {  	v11 =	vld [tilespmem:s18+$0x4470]  }
0x129: {  	v8 =	vld [tilespmem:s18+$0x4870]  }
0x12a: {  	s19 =	simm.s32 $0x2;
	s17 =	sshll.u32 s7, $0x1;
	v7 =	vld [tilespmem:s18+$0x4C70];
	s18 =	simm.s32 $0x21C0  }
.LBB2_3:
0x12b: {  	p1 =	sne.s32 s19, $0x2D;
	v21 =	vld [tilespmem:s8+$0x4820]  }
0x12c: {  	v6 =	vmul.f32 v9, v6;
	v22 =	vld [tilespmem:s8+$0x4C20];
	v9 =	vmul.f32 v12, v10  }
0x12d: {  	v10 =	vmul.f32 v18, v17;
	v5 =	vmul.f32 v11, v5  }
0x12e: {  	v11 =	vmul.f32 v20, v19;
	v6 =	vmax.f32 v6, v9;
	v4 =	vmul.f32 v8, v4  }
0x12f: {  	v8 =	vmul.f32 v16, v15;
	v5 =	vmax.f32 v6, v5;
	v3 =	vmul.f32 v7, v3  }
0x130: {  	v6 =	vmax.f32 v10, v11;
	v7 =	vmul.f32 v21, v14;
	v4 =	vmax.f32 v5, v4  }
0x131: {  	v5 =	vmax.f32 v6, v8;
	v6 =	vmul.f32 v22, v13;
	v3 =	vmax.f32 v4, v3  }
0x132: {  	s15 =	sadd.s32 $0x80, s15;
	v4 =	vmax.f32 v5, v7;
	[tilespmem:s11+$0x30] =	vst v3;
	s11 =	smov.u32 s12  }
0x133: {  	v3 =	vld [tilespmem:s15+$0xC0];
	v4 =	vmax.f32 v4, v6  }
0x134: {  	v5 =	vld [tilespmem:s15+$0x40];
	[tilespmem:s12+$0xFFFFFFE0] =	vst v4  }
0x135: {  	v4 =	vld [tilespmem:s18+$0xF0]  }
0x136: {  	v6 =	vld [tilespmem:s18+$0x70]  }
0x137: {  	v7 =	vld [tilespmem:s18+$0xFFFFFFF0]  }
0x138: {  	v8 =	vld [tilespmem:s18+$0xFFFFFEF0]  }
0x139: {  	v9 =	vld [tilespmem:s8+$0x3C30]  }
0x13a: {  	v10 =	vld [tilespmem:s18+$0xFFFFFF70]  }
0x13b: {  	v11 =	vld [tilespmem:s8+$0x4030]  }
0x13c: {  	v12 =	vld [tilespmem:s8+$0x4430]  }
0x13d: {  	s20 =	sshrl.u32 s19, $0x3;
	v13 =	vld [tilespmem:s8+$0x4830]  }
0x13e: {  	s20 =	smul.u32 $0x5000, s20;
	v14 =	vld [tilespmem:s8+$0x4C30]  }
0x13f: {  	s16 =	sadd.s32 $0x80, s16;
	v15 =	vld [tilespmem:s15+$0xFFFFFFC0]  }
0x140: {  	s21 =	sand.u32 $0x380, s16;
	s20 =	sshra.s32 s20, $0x2;
	v8 =	vmul.f32 v9, v8;
	v16 =	vld [tilespmem:s15+$0xFFFFFEC0];
	v9 =	vmul.f32 v11, v10  }
0x141: {  	s20 =	sor.u32 s21, s20;
	v10 =	vld [tilespmem:s15+$0xFFFFFF40];
	v7 =	vmul.f32 v12, v7  }
0x142: {  	v11 =	vld [tilespmem:s20+$0x4C00];
	v8 =	vmax.f32 v8, v9;
	v6 =	vmul.f32 v13, v6  }
0x143: {  	v9 =	vld [tilespmem:s20+$0x4800];
	v7 =	vmax.f32 v8, v7;
	v4 =	vmul.f32 v14, v4  }
0x144: {  	v8 =	vld [tilespmem:s20+$0x4400];
	v6 =	vmax.f32 v7, v6  }
0x145: {  	v7 =	vld [tilespmem:s20+$0x3C00];
	v4 =	vmax.f32 v6, v4  }
0x146: {  	v6 =	vld [tilespmem:s20+$0x4000];
	[tilespmem:s12+$0xFFFFFFF0] =	vst v4  }
0x147: {  	v4 =	vld [tilespmem:s18+$0x100]  }
0x148: {  	v12 =	vld [tilespmem:s18+$0x80]  }
0x149: {  	v13 =	vld [tilespmem:s18+$0x0]  }
0x14a: {  	v14 =	vld [tilespmem:s18+$0xFFFFFF00]  }
0x14b: {  	v17 =	vld [tilespmem:s8+$0x3C40]  }
0x14c: {  	v18 =	vld [tilespmem:s18+$0xFFFFFF80]  }
0x14d: {  	v19 =	vld [tilespmem:s8+$0x4040]  }
0x14e: {  	v20 =	vld [tilespmem:s8+$0x4440]  }
0x14f: {  	v21 =	vld [tilespmem:s8+$0x4840]  }
0x150: {  	v7 =	vmul.f32 v7, v16;
	v6 =	vmul.f32 v6, v10;
	v10 =	vld [tilespmem:s8+$0x4C40]  }
0x151: {  	v5 =	vmul.f32 v9, v5;
	v8 =	vmul.f32 v8, v15  }
0x152: {  	v6 =	vmax.f32 v7, v6;
	v7 =	vmul.f32 v17, v14;
	v9 =	vmul.f32 v19, v18  }
0x153: {  	v3 =	vmul.f32 v11, v3;
	v6 =	vmax.f32 v6, v8;
	v8 =	vmul.f32 v20, v13  }
0x154: {  	v5 =	vmax.f32 v6, v5;
	v6 =	vmax.f32 v7, v9;
	v7 =	vmul.f32 v21, v12  }
0x155: {  	s12 =	sadd.s32 $0x80, s12;
	v3 =	vmax.f32 v5, v3;
	v5 =	vmax.f32 v6, v8;
	v4 =	vmul.f32 v10, v4  }
0x156: {  	[tilespmem:s12+$0xFFFFFFC0] =	vst v3;
	v3 =	vmax.f32 v5, v7  }
0x157: {  	v5 =	vld [tilespmem:s15+$0xD0];
	v3 =	vmax.f32 v3, v4  }
0x158: {  	v4 =	vld [tilespmem:s20+$0x4C10];
	[tilespmem:s11+$0x0] =	vst v3  }
0x159: {  	v3 =	vld [tilespmem:s18+$0x110]  }
0x15a: {  	v6 =	vld [tilespmem:s18+$0x90]  }
0x15b: {  	v7 =	vld [tilespmem:s18+$0x10]  }
0x15c: {  	v8 =	vld [tilespmem:s18+$0xFFFFFF10]  }
0x15d: {  	v9 =	vld [tilespmem:s8+$0x3C50]  }
0x15e: {  	v10 =	vld [tilespmem:s18+$0xFFFFFF90]  }
0x15f: {  	v11 =	vld [tilespmem:s8+$0x4050]  }
0x160: {  	v12 =	vld [tilespmem:s8+$0x4450]  }
0x161: {  	v13 =	vld [tilespmem:s8+$0x4850]  }
0x162: {  	v14 =	vld [tilespmem:s8+$0x4C50]  }
0x163: {  	v15 =	vld [tilespmem:s15+$0x50]  }
0x164: {  	v8 =	vmul.f32 v9, v8;
	v16 =	vld [tilespmem:s20+$0x4810];
	v9 =	vmul.f32 v11, v10  }
0x165: {  	v10 =	vld [tilespmem:s15+$0xFFFFFFD0];
	v7 =	vmul.f32 v12, v7  }
0x166: {  	v11 =	vld [tilespmem:s15+$0xFFFFFED0];
	v8 =	vmax.f32 v8, v9;
	v6 =	vmul.f32 v13, v6  }
0x167: {  	v9 =	vld [tilespmem:s20+$0x3C10];
	v7 =	vmax.f32 v8, v7;
	v3 =	vmul.f32 v14, v3  }
0x168: {  	v8 =	vld [tilespmem:s15+$0xFFFFFF50];
	v6 =	vmax.f32 v7, v6  }
0x169: {  	v7 =	vld [tilespmem:s20+$0x4010];
	v3 =	vmax.f32 v6, v3  }
0x16a: {  	v6 =	vld [tilespmem:s20+$0x4410];
	[tilespmem:s11+$0x10] =	vst v3  }
0x16b: {  	v3 =	vld [tilespmem:s18+$0x120]  }
0x16c: {  	v12 =	vld [tilespmem:s18+$0xA0]  }
0x16d: {  	v17 =	vld [tilespmem:s18+$0x20]  }
0x16e: {  	v9 =	vmul.f32 v9, v11;
	v7 =	vmul.f32 v7, v8;
	v8 =	vld [tilespmem:s18+$0xFFFFFF20]  }
0x16f: {  	v6 =	vmul.f32 v6, v10;
	v10 =	vld [tilespmem:s8+$0x3C60]  }
0x170: {  	v7 =	vmax.f32 v9, v7;
	v9 =	vmul.f32 v16, v15;
	v11 =	vld [tilespmem:s18+$0xFFFFFFA0]  }
0x171: {  	v4 =	vmul.f32 v4, v5;
	v6 =	vmax.f32 v7, v6;
	v5 =	vld [tilespmem:s8+$0x4060]  }
0x172: {  	v6 =	vmax.f32 v6, v9;
	v7 =	vld [tilespmem:s8+$0x4460]  }
0x173: {  	v4 =	vmax.f32 v6, v4;
	v6 =	vld [tilespmem:s8+$0x4860]  }
0x174: {  	[tilespmem:s12+$0xFFFFFFD0] =	vst v4;
	v4 =	vld [tilespmem:s8+$0x4C60]  }
0x175: {  	v13 =	vld [tilespmem:s15+$0xE0]  }
0x176: {  	v8 =	vmul.f32 v10, v8;
	v14 =	vld [tilespmem:s15+$0x60];
	v5 =	vmul.f32 v5, v11  }
0x177: {  	v15 =	vld [tilespmem:s15+$0xFFFFFFE0];
	v7 =	vmul.f32 v7, v17  }
0x178: {  	v16 =	vld [tilespmem:s20+$0x4420];
	v5 =	vmax.f32 v8, v5;
	v6 =	vmul.f32 v6, v12  }
0x179: {  	v17 =	vld [tilespmem:s15+$0xFFFFFEE0];
	v5 =	vmax.f32 v5, v7;
	v3 =	vmul.f32 v4, v3  }
0x17a: {  	v18 =	vld [tilespmem:s20+$0x3C20];
	v4 =	vmax.f32 v5, v6  }
0x17b: {  	v19 =	vld [tilespmem:s15+$0xFFFFFF60];
	v3 =	vmax.f32 v4, v3  }
0x17c: {  	v20 =	vld [tilespmem:s20+$0x4020];
	[tilespmem:s11+$0x20] =	vst v3  }
0x17d: {  	v3 =	vld [tilespmem:s18+$0x130]  }
0x17e: {  	v4 =	vld [tilespmem:s18+$0xB0]  }
0x17f: {  	v5 =	vld [tilespmem:s18+$0x30]  }
0x180: {  	v6 =	vld [tilespmem:s18+$0xFFFFFF30]  }
0x181: {  	v9 =	vld [tilespmem:s8+$0x3C70]  }
.Ltmp2:
0x182: {  	v10 =	vld [tilespmem:s18+$0xFFFFFFB0];
	s18 =	smov.u32 s15;
	(pc) =	sbr.rel @p1 .LBB2_3-.Ltmp2, $4  }
0x183: {  	v12 =	vld [tilespmem:s8+$0x4070]  }
0x184: {  	v11 =	vld [tilespmem:s8+$0x4470]  }
0x185: {  	v8 =	vld [tilespmem:s8+$0x4870]  }
0x186: {  	s19 =	sadd.s32 $0x1, s19;
	v7 =	vld [tilespmem:s8+$0x4C70];
	s8 =	smov.u32 s20  }
0x187: {  	v21 =	vld [tilespmem:s8+$0x4820]  }
0x188: {  	v22 =	vld [tilespmem:s8+$0x4C20];
	_ =	sdelay $0x1  }
0x189: {  	v17 =	vmul.f32 v18, v17;
	v44 =	vmul.f32 v20, v19  }
0x18a: {  	v15 =	vmul.f32 v16, v15  }
0x18b: {  	v45 =	vmax.f32 v17, v44;
	v14 =	vmul.f32 v21, v14  }
0x18c: {  	v15 =	vmax.f32 v45, v15;
	v13 =	vmul.f32 v22, v13  }
0x18d: {  	v14 =	vmax.f32 v15, v14  }
0x18e: {  	v13 =	vmax.f32 v14, v13  }
0x18f: {  	[tilespmem:s12+$0xFFFFFFE0] =	vst v13  }
0x190: {  	v13 =	vld [tilespmem:s18+$0xF0]  }
0x191: {  	v46 =	vld [tilespmem:s18+$0x70]  }
0x192: {  	v47 =	vld [tilespmem:s18+$0xFFFFFFF0]  }
0x193: {  	v48 =	vld [tilespmem:s18+$0xFFFFFEF0]  }
0x194: {  	v49 =	vld [tilespmem:s8+$0x3C30]  }
0x195: {  	v50 =	vld [tilespmem:s18+$0xFFFFFF70]  }
0x196: {  	v51 =	vld [tilespmem:s8+$0x4030]  }
0x197: {  	v52 =	vld [tilespmem:s8+$0x4430]  }
0x198: {  	v53 =	vld [tilespmem:s8+$0x4830]  }
0x199: {  	v54 =	vld [tilespmem:s8+$0x4C30];
	_ =	sdelay $0x1  }
0x19a: {  	v16 =	vmul.f32 v49, v48;
	v55 =	vmul.f32 v51, v50  }
0x19b: {  	v15 =	vmul.f32 v52, v47  }
0x19c: {  	v14 =	vmul.f32 v53, v46;
	v16 =	vmax.f32 v16, v55  }
0x19d: {  	v13 =	vmul.f32 v54, v13;
	v15 =	vmax.f32 v16, v15  }
0x19e: {  	v14 =	vmax.f32 v15, v14  }
0x19f: {  	v13 =	vmax.f32 v14, v13  }
0x1a0: {  	[tilespmem:s12+$0xFFFFFFF0] =	vst v13  }
0x1a1: {  	v13 =	vld [tilespmem:s18+$0x100]  }
0x1a2: {  	v56 =	vld [tilespmem:s18+$0x80]  }
0x1a3: {  	v57 =	vld [tilespmem:s18+$0x0]  }
0x1a4: {  	v58 =	vld [tilespmem:s18+$0xFFFFFF00]  }
0x1a5: {  	v59 =	vld [tilespmem:s8+$0x3C40]  }
0x1a6: {  	v60 =	vld [tilespmem:s18+$0xFFFFFF80]  }
0x1a7: {  	v61 =	vld [tilespmem:s8+$0x4040]  }
0x1a8: {  	v62 =	vld [tilespmem:s8+$0x4440]  }
0x1a9: {  	v63 =	vld [tilespmem:s8+$0x4840]  }
0x1aa: {  	v24 =	vld [tilespmem:s8+$0x4C40];
	_ =	sdelay $0x1  }
0x1ab: {  	v16 =	vmul.f32 v59, v58;
	v25 =	vmul.f32 v61, v60  }
0x1ac: {  	v15 =	vmul.f32 v62, v57  }
0x1ad: {  	v14 =	vmul.f32 v63, v56;
	v16 =	vmax.f32 v16, v25  }
0x1ae: {  	v13 =	vmul.f32 v24, v13;
	v15 =	vmax.f32 v16, v15  }
0x1af: {  	v14 =	vmax.f32 v15, v14  }
0x1b0: {  	v13 =	vmax.f32 v14, v13  }
0x1b1: {  	[tilespmem:s12+$0x0] =	vst v13  }
0x1b2: {  	v13 =	vld [tilespmem:s18+$0x110]  }
0x1b3: {  	v26 =	vld [tilespmem:s18+$0x90]  }
0x1b4: {  	v27 =	vld [tilespmem:s18+$0x10]  }
0x1b5: {  	v28 =	vld [tilespmem:s18+$0xFFFFFF10]  }
0x1b6: {  	v29 =	vld [tilespmem:s8+$0x3C50]  }
0x1b7: {  	v30 =	vld [tilespmem:s18+$0xFFFFFF90]  }
0x1b8: {  	v31 =	vld [tilespmem:s8+$0x4050]  }
0x1b9: {  	v32 =	vld [tilespmem:s8+$0x4450]  }
0x1ba: {  	v33 =	vld [tilespmem:s8+$0x4850]  }
0x1bb: {  	v34 =	vld [tilespmem:s8+$0x4C50];
	_ =	sdelay $0x1  }
0x1bc: {  	v16 =	vmul.f32 v29, v28;
	v35 =	vmul.f32 v31, v30  }
0x1bd: {  	v15 =	vmul.f32 v32, v27  }
0x1be: {  	v14 =	vmul.f32 v33, v26;
	v16 =	vmax.f32 v16, v35  }
0x1bf: {  	v13 =	vmul.f32 v34, v13;
	v15 =	vmax.f32 v16, v15  }
0x1c0: {  	v14 =	vmax.f32 v15, v14  }
0x1c1: {  	v13 =	vmax.f32 v14, v13  }
0x1c2: {  	[tilespmem:s12+$0x10] =	vst v13  }
0x1c3: {  	v13 =	vld [tilespmem:s18+$0x120]  }
0x1c4: {  	v36 =	vld [tilespmem:s18+$0xA0]  }
0x1c5: {  	v37 =	vld [tilespmem:s18+$0x20]  }
0x1c6: {  	v38 =	vld [tilespmem:s18+$0xFFFFFF20]  }
0x1c7: {  	v39 =	vld [tilespmem:s8+$0x3C60]  }
0x1c8: {  	v40 =	vld [tilespmem:s18+$0xFFFFFFA0]  }
0x1c9: {  	v41 =	vld [tilespmem:s8+$0x4060]  }
0x1ca: {  	v42 =	vld [tilespmem:s8+$0x4460]  }
0x1cb: {  	v43 =	vld [tilespmem:s8+$0x4860]  }
0x1cc: {  	v44 =	vld [tilespmem:s8+$0x4C60];
	_ =	sdelay $0x1  }
0x1cd: {  	v16 =	vmul.f32 v39, v38;
	v45 =	vmul.f32 v41, v40  }
0x1ce: {  	v15 =	vmul.f32 v42, v37  }
0x1cf: {  	v14 =	vmul.f32 v43, v36;
	v16 =	vmax.f32 v16, v45  }
0x1d0: {  	v13 =	vmul.f32 v44, v13;
	v15 =	vmax.f32 v16, v15  }
0x1d1: {  	v14 =	vmax.f32 v15, v14  }
0x1d2: {  	v13 =	vmax.f32 v14, v13  }
0x1d3: {  	[tilespmem:s12+$0x20] =	vst v13  }
0x1d4: {  	v13 =	vld [tilespmem:s18+$0x130]  }
0x1d5: {  	v46 =	vld [tilespmem:s18+$0xB0]  }
0x1d6: {  	v47 =	vld [tilespmem:s18+$0x30]  }
0x1d7: {  	v48 =	vld [tilespmem:s18+$0xFFFFFF30]  }
0x1d8: {  	v49 =	vld [tilespmem:s8+$0x3C70]  }
0x1d9: {  	v50 =	vld [tilespmem:s18+$0xFFFFFFB0]  }
0x1da: {  	v51 =	vld [tilespmem:s8+$0x4070]  }
0x1db: {  	v52 =	vld [tilespmem:s8+$0x4470]  }
0x1dc: {  	v53 =	vld [tilespmem:s8+$0x4870]  }
0x1dd: {  	v6 =	vmul.f32 v9, v6;
	v5 =	vmul.f32 v11, v5;
	v55 =	vld [tilespmem:s8+$0x4C70]  }
0x1de: {  	v4 =	vmul.f32 v8, v4;
	v54 =	vmul.f32 v12, v10  }
0x1df: {  	v56 =	vmul.f32 v49, v48;
	v57 =	vmul.f32 v51, v50  }
0x1e0: {  	v3 =	vmul.f32 v7, v3;
	v6 =	vmax.f32 v6, v54;
	v58 =	vmul.f32 v52, v47  }
0x1e1: {  	p1 =	seq.s32 s7, $0xF;
	v5 =	vmax.f32 v6, v5;
	v60 =	vmul.f32 v53, v46;
	v59 =	vmax.f32 v56, v57  }
.Ltmp3:
0x1e2: {  	v4 =	vmax.f32 v5, v4;
	s8 =	sadd.s32 s5, s17;
	v62 =	vmul.f32 v55, v13;
	v61 =	vmax.f32 v59, v58;
	(pc) =	sbr.rel @p1 .LBB2_6-.Ltmp3, $4  }
0x1e3: {  	v3 =	vmax.f32 v4, v3;
	s15 =	smul.u32 $0x300, s8;
	v63 =	vmax.f32 v61, v60  }
0x1e4: {  	[tilespmem:s11+$0x30] =	vst v3;
	v3 =	vmax.f32 v63, v62  }
0x1e5: {  	s21 =	sadd.s32 s6, s15;
	[tilespmem:s12+$0x30] =	vst v3  }
0x1e6: {  	[hbm4b:s21+s4] =	stream.linear.scatter [tilespmem:s0], [sflag:$0x3], $0x1700, $0x38;
	[tilespmem:$0x17800] =	vst v63  }
0x1e7: {  	s11 =	sshll.u32 s7, $0x8  }
0x1e8: {  	s15 =	simm.s32 $0x2000;
	s12 =	sadd.s32 $0x100, s11  }
0x1e9: {  	[tilespmem:s15], [sflag:$0x1] =	stream.indirect.gather [hbm4b:s2+s14], $0x80, s12, s14, $0xb8;
	[tilespmem:$0x17800] =	vst v63  }
0x1ea: {  	v3 =	vld [tilespmem:s11+$0x1100];
	_ =	sdelay $0x4  }
0x1eb: {  	v4 =	vshrl.u32 v3, $0x3  }
0x1ec: {  	v4 =	vmul.u32 $0x28, v4  }
0x1ed: {  	v3 =	vand.u32 $0x7, v3  }
0x1ee: {  	v3 =	vor.u32 v3, v4  }
0x1ef: {  	v4 =	vperm.xlane v3, v0;
	_ =	sdelay $0x1  }
0x1f0: {  	v4 =	vadd.s32 v1, v4;
	_ =	sdelay $0x3  }
0x1f1: {  	s18 =	simm.s32 $0x3C00;
	v3 =	vperm.xlane v3, v2  }
0x1f2: {  	[tilespmem:s18], [sflag:$0x1] =	stream.indirect_vreg.gather [hbm4b:s3+s4], $0x80, v4, vm0, $0xb8;
	[tilespmem:$0x17800] =	vst v63  }
0x1f3: {  	s19 =	simm.s32 $0x4400;
	v3 =	vadd.s32 v1, v3  }
0x1f4: {  	[tilespmem:s19], [sflag:$0x1] =	stream.indirect_vreg.gather [hbm4b:s9+s4], $0x80, v4, vm0, $0xb8;
	[tilespmem:$0x17800] =	vst v63  }
0x1f5: {  	s20 =	simm.s32 $0x4C00  }
0x1f6: {  	[tilespmem:s20], [sflag:$0x1] =	stream.indirect_vreg.gather [hbm4b:s10+s4], $0x80, v4, vm1, $0xb8;
	[tilespmem:$0x17800] =	vst v63  }
0x1f7: {  	s21 =	simm.s32 $0x5000  }
0x1f8: {  	[tilespmem:s21], [sflag:$0x1] =	stream.indirect_vreg.gather [hbm4b:s3+s4], $0x80, v3, vm0, $0xb8;
	[tilespmem:$0x17800] =	vst v63  }
0x1f9: {  	s15 =	simm.s32 $0x5800  }
0x1fa: {  	[tilespmem:s15], [sflag:$0x1] =	stream.indirect_vreg.gather [hbm4b:s9+s4], $0x80, v3, vm0, $0xb8;
	[tilespmem:$0x17800] =	vst v63  }
0x1fb: {  	s16 =	simm.s32 $0x6000  }
0x1fc: {  	[tilespmem:s16], [sflag:$0x1] =	stream.indirect_vreg.gather [hbm4b:s10+s4], $0x80, v3, vm1, $0xb8;
	[tilespmem:$0x17800] =	vst v63  }
0x1fd: {  	v3 =	vld [tilespmem:s11+$0x1110];
	_ =	sdelay $0x4  }
0x1fe: {  	v62 =	vshrl.u32 v3, $0x3  }
0x1ff: {  	v4 =	vmul.u32 $0x28, v62  }
0x200: {  	v3 =	vand.u32 $0x7, v3  }
0x201: {  	v3 =	vor.u32 v3, v4  }
0x202: {  	v4 =	vperm.xlane v3, v0;
	_ =	sdelay $0x1  }
0x203: {  	v4 =	vadd.s32 v1, v4;
	_ =	sdelay $0x3  }
0x204: {  	s17 =	simm.s32 $0x6400;
	v3 =	vperm.xlane v3, v2  }
0x205: {  	[tilespmem:s17], [sflag:$0x1] =	stream.indirect_vreg.gather [hbm4b:s3+s4], $0x80, v4, vm0, $0xb8;
	[tilespmem:$0x17800] =	vst v63  }
0x206: {  	s18 =	simm.s32 $0x6C00;
	v3 =	vadd.s32 v1, v3  }
0x207: {  	[tilespmem:s18], [sflag:$0x1] =	stream.indirect_vreg.gather [hbm4b:s9+s4], $0x80, v4, vm0, $0xb8;
	[tilespmem:$0x17800] =	vst v63  }
0x208: {  	s19 =	simm.s32 $0x7400  }
0x209: {  	[tilespmem:s19], [sflag:$0x1] =	stream.indirect_vreg.gather [hbm4b:s10+s4], $0x80, v4, vm1, $0xb8;
	[tilespmem:$0x17800] =	vst v63  }
0x20a: {  	s20 =	simm.s32 $0x7800  }
0x20b: {  	[tilespmem:s20], [sflag:$0x1] =	stream.indirect_vreg.gather [hbm4b:s3+s4], $0x80, v3, vm0, $0xb8;
	[tilespmem:$0x17800] =	vst v63  }
0x20c: {  	s21 =	simm.s32 $0x8000  }
0x20d: {  	[tilespmem:s21], [sflag:$0x1] =	stream.indirect_vreg.gather [hbm4b:s9+s4], $0x80, v3, vm0, $0xb8;
	[tilespmem:$0x17800] =	vst v63  }
0x20e: {  	s15 =	simm.s32 $0x8800  }
0x20f: {  	[tilespmem:s15], [sflag:$0x1] =	stream.indirect_vreg.gather [hbm4b:s10+s4], $0x80, v3, vm1, $0xb8;
	[tilespmem:$0x17800] =	vst v63  }
0x210: {  	v3 =	vld [tilespmem:s11+$0x1120];
	_ =	sdelay $0x4  }
0x211: {  	v63 =	vshrl.u32 v3, $0x3  }
0x212: {  	v4 =	vmul.u32 $0x28, v63  }
0x213: {  	v3 =	vand.u32 $0x7, v3  }
0x214: {  	v3 =	vor.u32 v3, v4  }
0x215: {  	v4 =	vperm.xlane v3, v0;
	_ =	sdelay $0x1  }
0x216: {  	v4 =	vadd.s32 v1, v4;
	_ =	sdelay $0x3  }
0x217: {  	s16 =	simm.s32 $0x8C00;
	v3 =	vperm.xlane v3, v2  }
0x218: {  	[tilespmem:s16], [sflag:$0x1] =	stream.indirect_vreg.gather [hbm4b:s3+s4], $0x80, v4, vm0, $0xb8;
	[tilespmem:$0x17800] =	vst v63  }
0x219: {  	s17 =	simm.s32 $0x9400;
	v3 =	vadd.s32 v1, v3  }
0x21a: {  	[tilespmem:s17], [sflag:$0x1] =	stream.indirect_vreg.gather [hbm4b:s9+s4], $0x80, v4, vm0, $0xb8;
	[tilespmem:$0x17800] =	vst v63  }
0x21b: {  	s18 =	simm.s32 $0x9C00  }
0x21c: {  	[tilespmem:s18], [sflag:$0x1] =	stream.indirect_vreg.gather [hbm4b:s10+s4], $0x80, v4, vm1, $0xb8;
	[tilespmem:$0x17800] =	vst v63  }
0x21d: {  	s19 =	simm.s32 $0xA000  }
0x21e: {  	[tilespmem:s19], [sflag:$0x1] =	stream.indirect_vreg.gather [hbm4b:s3+s4], $0x80, v3, vm0, $0xb8;
	[tilespmem:$0x17800] =	vst v63  }
0x21f: {  	s20 =	simm.s32 $0xA800  }
0x220: {  	[tilespmem:s20], [sflag:$0x1] =	stream.indirect_vreg.gather [hbm4b:s9+s4], $0x80, v3, vm0, $0xb8;
	[tilespmem:$0x17800] =	vst v63  }
0x221: {  	s21 =	simm.s32 $0xB000  }
0x222: {  	[tilespmem:s21], [sflag:$0x1] =	stream.indirect_vreg.gather [hbm4b:s10+s4], $0x80, v3, vm1, $0xb8;
	[tilespmem:$0x17800] =	vst v63  }
.LBB2_6:
0x223: {  	_ =	swait.ge [sflag:s1], $0x1C00  }
0x224: {  	[sflag:s1] =	ssyncset.done $0x0  }
0x225: {  	[sflag:s1] =	ssyncadd.s32 $0xFFFFE400  }
0x226: {  	_ =	swait.ge [sflag:s1], $0x7800  }
0x227: {  	[sflag:s1] =	ssyncset.done $0x0  }
0x228: {  	s11 =	simm.s32 @!p0 $0x4;
	[sflag:s1] =	ssyncadd.s32 $0xFFFF8800  }
0x229: {  	_ =	swait.ge @!p0 [sflag:s11], $0x1700  }
0x22a: {  	[sflag:s11] =	ssyncset.done @!p0 $0x0  }
0x22b: {  	s18 =	simm.s32 $0xB540;
	[sflag:s11] =	ssyncadd.s32 @!p0 $0xFFFFE900  }
0x22c: {  	s20 =	simm.s32 $0x0;
	v3 =	vld [tilespmem:s18+$0xC0]  }
0x22d: {  	s11 =	smul.u32 $0x5000, s20;
	v4 =	vld [tilespmem:s18+$0x40]  }
0x22e: {  	s12 =	simm.s32 $0x0;
	v5 =	vld [tilespmem:s18+$0xFFFFFFC0]  }
0x22f: {  	s12 =	sand.u32 $0x380, s12;
	v6 =	vld [tilespmem:s18+$0xFFFFFEC0];
	s11 =	sshra.s32 s11, $0x2  }
0x230: {  	v7 =	vld [tilespmem:s18+$0xFFFFFF40];
	s20 =	sor.u32 s12, s11  }
0x231: {  	v8 =	vld [tilespmem:s20+$0xD000]  }
0x232: {  	v9 =	vld [tilespmem:s20+$0xD400]  }
0x233: {  	v10 =	vld [tilespmem:s20+$0xD800]  }
0x234: {  	v11 =	vld [tilespmem:s20+$0xDC00]  }
0x235: {  	v12 =	vld [tilespmem:s20+$0xE000];
	_ =	sdelay $0x1  }
0x236: {  	v6 =	vmul.f32 v8, v6;
	v7 =	vmul.f32 v9, v7  }
0x237: {  	v5 =	vmul.f32 v10, v5  }
0x238: {  	v4 =	vmul.f32 v11, v4;
	v6 =	vmax.f32 v6, v7  }
0x239: {  	v3 =	vmul.f32 v12, v3;
	v5 =	vmax.f32 v6, v5  }
0x23a: {  	v4 =	vmax.f32 v5, v4  }
0x23b: {  	s11 =	simm.s32 $0x16040;
	v3 =	vmax.f32 v4, v3  }
0x23c: {  	[tilespmem:s11+$0xFFFFFFC0] =	vst v3  }
0x23d: {  	v3 =	vld [tilespmem:s18+$0xD0]  }
0x23e: {  	v4 =	vld [tilespmem:s18+$0x50]  }
0x23f: {  	v5 =	vld [tilespmem:s18+$0xFFFFFFD0]  }
0x240: {  	v6 =	vld [tilespmem:s18+$0xFFFFFED0]  }
0x241: {  	v7 =	vld [tilespmem:s20+$0xD010]  }
0x242: {  	v8 =	vld [tilespmem:s18+$0xFFFFFF50]  }
0x243: {  	v9 =	vld [tilespmem:s20+$0xD410]  }
0x244: {  	v10 =	vld [tilespmem:s20+$0xD810]  }
0x245: {  	v11 =	vld [tilespmem:s20+$0xDC10]  }
0x246: {  	v12 =	vld [tilespmem:s20+$0xE010];
	_ =	sdelay $0x1  }
0x247: {  	v6 =	vmul.f32 v7, v6;
	v7 =	vmul.f32 v9, v8  }
0x248: {  	v5 =	vmul.f32 v10, v5  }
0x249: {  	v4 =	vmul.f32 v11, v4;
	v6 =	vmax.f32 v6, v7  }
0x24a: {  	v3 =	vmul.f32 v12, v3;
	v5 =	vmax.f32 v6, v5  }
0x24b: {  	v4 =	vmax.f32 v5, v4  }
0x24c: {  	v3 =	vmax.f32 v4, v3  }
0x24d: {  	[tilespmem:s11+$0xFFFFFFD0] =	vst v3  }
0x24e: {  	v3 =	vld [tilespmem:s18+$0xE0]  }
0x24f: {  	v4 =	vld [tilespmem:s18+$0x60]  }
0x250: {  	v5 =	vld [tilespmem:s18+$0xFFFFFFE0]  }
0x251: {  	v6 =	vld [tilespmem:s18+$0xFFFFFEE0]  }
0x252: {  	v7 =	vld [tilespmem:s20+$0xD020]  }
0x253: {  	v8 =	vld [tilespmem:s18+$0xFFFFFF60]  }
0x254: {  	v9 =	vld [tilespmem:s20+$0xD420]  }
0x255: {  	v10 =	vld [tilespmem:s20+$0xD820]  }
0x256: {  	v11 =	vld [tilespmem:s20+$0xDC20]  }
0x257: {  	v12 =	vld [tilespmem:s20+$0xE020];
	_ =	sdelay $0x1  }
0x258: {  	v6 =	vmul.f32 v7, v6;
	v7 =	vmul.f32 v9, v8  }
0x259: {  	v5 =	vmul.f32 v10, v5  }
0x25a: {  	v4 =	vmul.f32 v11, v4;
	v6 =	vmax.f32 v6, v7  }
0x25b: {  	v3 =	vmul.f32 v12, v3;
	v5 =	vmax.f32 v6, v5  }
0x25c: {  	s16 =	simm.s32 $0xB5C0;
	v4 =	vmax.f32 v5, v4  }
0x25d: {  	v15 =	vld [tilespmem:s16+$0xFFFFFFC0];
	v3 =	vmax.f32 v4, v3  }
0x25e: {  	v16 =	vld [tilespmem:s16+$0xFFFFFEC0];
	[tilespmem:s11+$0xFFFFFFE0] =	vst v3  }
0x25f: {  	v3 =	vld [tilespmem:s18+$0xF0]  }
0x260: {  	v6 =	vld [tilespmem:s18+$0x70]  }
0x261: {  	v7 =	vld [tilespmem:s18+$0xFFFFFFF0]  }
0x262: {  	v8 =	vld [tilespmem:s18+$0xFFFFFEF0]  }
0x263: {  	v9 =	vld [tilespmem:s20+$0xD030]  }
0x264: {  	v10 =	vld [tilespmem:s18+$0xFFFFFF70]  }
0x265: {  	v11 =	vld [tilespmem:s20+$0xD430]  }
0x266: {  	v12 =	vld [tilespmem:s20+$0xD830]  }
0x267: {  	s21 =	simm.s32 $0x0;
	v13 =	vld [tilespmem:s20+$0xDC30]  }
0x268: {  	s12 =	smul.u32 $0x5000, s21;
	v14 =	vld [tilespmem:s20+$0xE030]  }
0x269: {  	s17 =	simm.s32 $0x80;
	v5 =	vld [tilespmem:s16+$0xC0]  }
0x26a: {  	s15 =	sand.u32 $0x380, s17;
	s12 =	sshra.s32 s12, $0x2;
	v4 =	vld [tilespmem:s16+$0x40];
	v8 =	vmul.f32 v9, v8;
	v9 =	vmul.f32 v11, v10  }
0x26b: {  	s12 =	sor.u32 s15, s12;
	v10 =	vld [tilespmem:s16+$0xFFFFFF40];
	v7 =	vmul.f32 v12, v7  }
0x26c: {  	v11 =	vld [tilespmem:s12+$0xE000];
	v6 =	vmul.f32 v13, v6;
	v8 =	vmax.f32 v8, v9  }
0x26d: {  	v3 =	vmul.f32 v14, v3;
	v9 =	vld [tilespmem:s12+$0xDC00];
	v7 =	vmax.f32 v8, v7  }
0x26e: {  	v8 =	vld [tilespmem:s12+$0xD800];
	v6 =	vmax.f32 v7, v6  }
0x26f: {  	v7 =	vld [tilespmem:s12+$0xD000];
	v3 =	vmax.f32 v6, v3  }
0x270: {  	v6 =	vld [tilespmem:s12+$0xD400];
	[tilespmem:s11+$0xFFFFFFF0] =	vst v3  }
0x271: {  	v3 =	vld [tilespmem:s18+$0x100]  }
0x272: {  	v12 =	vld [tilespmem:s18+$0x80]  }
0x273: {  	v13 =	vld [tilespmem:s18+$0x0]  }
0x274: {  	v14 =	vld [tilespmem:s18+$0xFFFFFF00]  }
0x275: {  	v17 =	vld [tilespmem:s20+$0xD040]  }
0x276: {  	v18 =	vld [tilespmem:s18+$0xFFFFFF80]  }
0x277: {  	v19 =	vld [tilespmem:s20+$0xD440]  }
0x278: {  	v20 =	vld [tilespmem:s20+$0xD840]  }
0x279: {  	v21 =	vld [tilespmem:s20+$0xDC40]  }
0x27a: {  	v7 =	vmul.f32 v7, v16;
	v6 =	vmul.f32 v6, v10;
	v10 =	vld [tilespmem:s20+$0xE040]  }
0x27b: {  	v4 =	vmul.f32 v9, v4;
	v8 =	vmul.f32 v8, v15  }
0x27c: {  	v6 =	vmax.f32 v7, v6;
	v7 =	vmul.f32 v17, v14;
	v9 =	vmul.f32 v19, v18  }
0x27d: {  	v5 =	vmul.f32 v11, v5;
	v6 =	vmax.f32 v6, v8;
	v8 =	vmul.f32 v20, v13  }
0x27e: {  	v4 =	vmax.f32 v6, v4;
	v6 =	vmax.f32 v7, v9;
	v7 =	vmul.f32 v21, v12  }
0x27f: {  	s15 =	simm.s32 $0x160C0;
	v4 =	vmax.f32 v4, v5;
	v5 =	vmax.f32 v6, v8;
	v3 =	vmul.f32 v10, v3  }
0x280: {  	[tilespmem:s15+$0xFFFFFFC0] =	vst v4;
	v4 =	vmax.f32 v5, v7  }
0x281: {  	v5 =	vld [tilespmem:s16+$0xD0];
	v3 =	vmax.f32 v4, v3  }
0x282: {  	v4 =	vld [tilespmem:s12+$0xE010];
	[tilespmem:s11+$0x0] =	vst v3  }
0x283: {  	v3 =	vld [tilespmem:s18+$0x110]  }
0x284: {  	v6 =	vld [tilespmem:s18+$0x90]  }
0x285: {  	v7 =	vld [tilespmem:s18+$0x10]  }
0x286: {  	v8 =	vld [tilespmem:s18+$0xFFFFFF10]  }
0x287: {  	v9 =	vld [tilespmem:s20+$0xD050]  }
0x288: {  	v10 =	vld [tilespmem:s18+$0xFFFFFF90]  }
0x289: {  	v11 =	vld [tilespmem:s20+$0xD450]  }
0x28a: {  	v12 =	vld [tilespmem:s20+$0xD850]  }
0x28b: {  	v13 =	vld [tilespmem:s20+$0xDC50]  }
0x28c: {  	v14 =	vld [tilespmem:s20+$0xE050]  }
0x28d: {  	v15 =	vld [tilespmem:s16+$0x50]  }
0x28e: {  	v16 =	vld [tilespmem:s12+$0xDC10];
	v8 =	vmul.f32 v9, v8;
	v9 =	vmul.f32 v11, v10  }
0x28f: {  	v10 =	vld [tilespmem:s16+$0xFFFFFFD0];
	v7 =	vmul.f32 v12, v7  }
0x290: {  	v11 =	vld [tilespmem:s16+$0xFFFFFED0];
	v6 =	vmul.f32 v13, v6;
	v8 =	vmax.f32 v8, v9  }
0x291: {  	v3 =	vmul.f32 v14, v3;
	v9 =	vld [tilespmem:s12+$0xD010];
	v7 =	vmax.f32 v8, v7  }
0x292: {  	v8 =	vld [tilespmem:s16+$0xFFFFFF50];
	v6 =	vmax.f32 v7, v6  }
0x293: {  	v7 =	vld [tilespmem:s12+$0xD410];
	v3 =	vmax.f32 v6, v3  }
0x294: {  	v6 =	vld [tilespmem:s12+$0xD810];
	[tilespmem:s11+$0x10] =	vst v3  }
0x295: {  	v3 =	vld [tilespmem:s18+$0x120]  }
0x296: {  	v12 =	vld [tilespmem:s18+$0xA0]  }
0x297: {  	v17 =	vld [tilespmem:s18+$0x20]  }
0x298: {  	v9 =	vmul.f32 v9, v11;
	v11 =	vld [tilespmem:s18+$0xFFFFFFA0];
	v7 =	vmul.f32 v7, v8  }
0x299: {  	v4 =	vmul.f32 v4, v5;
	v5 =	vld [tilespmem:s20+$0xD460];
	v6 =	vmul.f32 v6, v10  }
0x29a: {  	v8 =	vld [tilespmem:s18+$0xFFFFFF20];
	v7 =	vmax.f32 v9, v7;
	v9 =	vmul.f32 v16, v15  }
0x29b: {  	v10 =	vld [tilespmem:s20+$0xD060];
	v6 =	vmax.f32 v7, v6  }
0x29c: {  	v7 =	vld [tilespmem:s20+$0xD860];
	v6 =	vmax.f32 v6, v9  }
0x29d: {  	v4 =	vmax.f32 v6, v4;
	v6 =	vld [tilespmem:s20+$0xDC60]  }
0x29e: {  	[tilespmem:s15+$0xFFFFFFD0] =	vst v4;
	v4 =	vld [tilespmem:s20+$0xE060]  }
0x29f: {  	v13 =	vld [tilespmem:s16+$0xE0]  }
0x2a0: {  	v5 =	vmul.f32 v5, v11;
	v8 =	vmul.f32 v10, v8;
	v14 =	vld [tilespmem:s16+$0x60]  }
0x2a1: {  	v15 =	vld [tilespmem:s16+$0xFFFFFFE0];
	v7 =	vmul.f32 v7, v17  }
0x2a2: {  	v16 =	vld [tilespmem:s12+$0xD820];
	v5 =	vmax.f32 v8, v5;
	v6 =	vmul.f32 v6, v12  }
0x2a3: {  	v18 =	vld [tilespmem:s12+$0xD020];
	v5 =	vmax.f32 v5, v7;
	v3 =	vmul.f32 v4, v3  }
0x2a4: {  	v19 =	vld [tilespmem:s16+$0xFFFFFF60];
	v4 =	vmax.f32 v5, v6  }
0x2a5: {  	v20 =	vld [tilespmem:s12+$0xD420];
	v3 =	vmax.f32 v4, v3  }
0x2a6: {  	v17 =	vld [tilespmem:s16+$0xFFFFFEE0];
	[tilespmem:s11+$0x20] =	vst v3  }
0x2a7: {  	v3 =	vld [tilespmem:s18+$0x130]  }
0x2a8: {  	v4 =	vld [tilespmem:s18+$0xB0]  }
0x2a9: {  	v5 =	vld [tilespmem:s18+$0x30]  }
0x2aa: {  	v7 =	vld [tilespmem:s18+$0xFFFFFF30]  }
0x2ab: {  	v9 =	vld [tilespmem:s20+$0xD070]  }
0x2ac: {  	v10 =	vld [tilespmem:s18+$0xFFFFFFB0]  }
0x2ad: {  	v12 =	vld [tilespmem:s20+$0xD470]  }
0x2ae: {  	v11 =	vld [tilespmem:s20+$0xD870]  }
0x2af: {  	v8 =	vld [tilespmem:s20+$0xDC70]  }
0x2b0: {  	s19 =	simm.s32 $0x2;
	v6 =	vld [tilespmem:s20+$0xE070];
	s18 =	simm.s32 $0xB5C0  }
.LBB2_7:
0x2b1: {  	p0 =	sne.s32 s19, $0x2D;
	v21 =	vld [tilespmem:s12+$0xDC20]  }
0x2b2: {  	v7 =	vmul.f32 v9, v7;
	v22 =	vld [tilespmem:s12+$0xE020];
	v9 =	vmul.f32 v12, v10  }
0x2b3: {  	v10 =	vmul.f32 v18, v17;
	v5 =	vmul.f32 v11, v5  }
0x2b4: {  	v11 =	vmul.f32 v20, v19;
	v7 =	vmax.f32 v7, v9;
	v4 =	vmul.f32 v8, v4  }
0x2b5: {  	v8 =	vmul.f32 v16, v15;
	v5 =	vmax.f32 v7, v5;
	v3 =	vmul.f32 v6, v3  }
0x2b6: {  	v6 =	vmax.f32 v10, v11;
	v7 =	vmul.f32 v21, v14;
	v4 =	vmax.f32 v5, v4  }
0x2b7: {  	v5 =	vmax.f32 v6, v8;
	v6 =	vmul.f32 v22, v13;
	v3 =	vmax.f32 v4, v3  }
0x2b8: {  	s16 =	sadd.s32 $0x80, s16;
	v4 =	vmax.f32 v5, v7;
	[tilespmem:s11+$0x30] =	vst v3;
	s11 =	smov.u32 s15  }
0x2b9: {  	v3 =	vld [tilespmem:s16+$0xC0];
	v4 =	vmax.f32 v4, v6  }
0x2ba: {  	v5 =	vld [tilespmem:s16+$0x40];
	[tilespmem:s15+$0xFFFFFFE0] =	vst v4  }
0x2bb: {  	v4 =	vld [tilespmem:s18+$0xF0]  }
0x2bc: {  	v6 =	vld [tilespmem:s18+$0x70]  }
0x2bd: {  	v7 =	vld [tilespmem:s18+$0xFFFFFFF0]  }
0x2be: {  	v8 =	vld [tilespmem:s18+$0xFFFFFEF0]  }
0x2bf: {  	v9 =	vld [tilespmem:s12+$0xD030]  }
0x2c0: {  	v10 =	vld [tilespmem:s18+$0xFFFFFF70]  }
0x2c1: {  	v11 =	vld [tilespmem:s12+$0xD430]  }
0x2c2: {  	v12 =	vld [tilespmem:s12+$0xD830]  }
0x2c3: {  	s20 =	sshrl.u32 s19, $0x3;
	v13 =	vld [tilespmem:s12+$0xDC30]  }
0x2c4: {  	s20 =	smul.u32 $0x5000, s20;
	v14 =	vld [tilespmem:s12+$0xE030]  }
0x2c5: {  	s17 =	sadd.s32 $0x80, s17;
	v15 =	vld [tilespmem:s16+$0xFFFFFFC0]  }
0x2c6: {  	s21 =	sand.u32 $0x380, s17;
	s20 =	sshra.s32 s20, $0x2;
	v8 =	vmul.f32 v9, v8;
	v16 =	vld [tilespmem:s16+$0xFFFFFEC0];
	v9 =	vmul.f32 v11, v10  }
0x2c7: {  	s20 =	sor.u32 s21, s20;
	v10 =	vld [tilespmem:s16+$0xFFFFFF40];
	v7 =	vmul.f32 v12, v7  }
0x2c8: {  	v11 =	vld [tilespmem:s20+$0xE000];
	v8 =	vmax.f32 v8, v9;
	v6 =	vmul.f32 v13, v6  }
0x2c9: {  	v9 =	vld [tilespmem:s20+$0xDC00];
	v7 =	vmax.f32 v8, v7;
	v4 =	vmul.f32 v14, v4  }
0x2ca: {  	v8 =	vld [tilespmem:s20+$0xD800];
	v6 =	vmax.f32 v7, v6  }
0x2cb: {  	v7 =	vld [tilespmem:s20+$0xD000];
	v4 =	vmax.f32 v6, v4  }
0x2cc: {  	v6 =	vld [tilespmem:s20+$0xD400];
	[tilespmem:s15+$0xFFFFFFF0] =	vst v4  }
0x2cd: {  	v4 =	vld [tilespmem:s18+$0x100]  }
0x2ce: {  	v12 =	vld [tilespmem:s18+$0x80]  }
0x2cf: {  	v13 =	vld [tilespmem:s18+$0x0]  }
0x2d0: {  	v14 =	vld [tilespmem:s18+$0xFFFFFF00]  }
0x2d1: {  	v17 =	vld [tilespmem:s12+$0xD040]  }
0x2d2: {  	v18 =	vld [tilespmem:s18+$0xFFFFFF80]  }
0x2d3: {  	v19 =	vld [tilespmem:s12+$0xD440]  }
0x2d4: {  	v20 =	vld [tilespmem:s12+$0xD840]  }
0x2d5: {  	v21 =	vld [tilespmem:s12+$0xDC40]  }
0x2d6: {  	v7 =	vmul.f32 v7, v16;
	v6 =	vmul.f32 v6, v10;
	v10 =	vld [tilespmem:s12+$0xE040]  }
0x2d7: {  	v5 =	vmul.f32 v9, v5;
	v8 =	vmul.f32 v8, v15  }
0x2d8: {  	v6 =	vmax.f32 v7, v6;
	v7 =	vmul.f32 v17, v14;
	v9 =	vmul.f32 v19, v18  }
0x2d9: {  	v3 =	vmul.f32 v11, v3;
	v6 =	vmax.f32 v6, v8;
	v8 =	vmul.f32 v20, v13  }
0x2da: {  	v5 =	vmax.f32 v6, v5;
	v6 =	vmax.f32 v7, v9;
	v7 =	vmul.f32 v21, v12  }
0x2db: {  	s15 =	sadd.s32 $0x80, s15;
	v3 =	vmax.f32 v5, v3;
	v5 =	vmax.f32 v6, v8;
	v4 =	vmul.f32 v10, v4  }
0x2dc: {  	[tilespmem:s15+$0xFFFFFFC0] =	vst v3;
	v3 =	vmax.f32 v5, v7  }
0x2dd: {  	v5 =	vld [tilespmem:s16+$0xD0];
	v3 =	vmax.f32 v3, v4  }
0x2de: {  	v4 =	vld [tilespmem:s20+$0xE010];
	[tilespmem:s11+$0x0] =	vst v3  }
0x2df: {  	v3 =	vld [tilespmem:s18+$0x110]  }
0x2e0: {  	v6 =	vld [tilespmem:s18+$0x90]  }
0x2e1: {  	v7 =	vld [tilespmem:s18+$0x10]  }
0x2e2: {  	v8 =	vld [tilespmem:s18+$0xFFFFFF10]  }
0x2e3: {  	v9 =	vld [tilespmem:s12+$0xD050]  }
0x2e4: {  	v10 =	vld [tilespmem:s18+$0xFFFFFF90]  }
0x2e5: {  	v11 =	vld [tilespmem:s12+$0xD450]  }
0x2e6: {  	v12 =	vld [tilespmem:s12+$0xD850]  }
0x2e7: {  	v13 =	vld [tilespmem:s12+$0xDC50]  }
0x2e8: {  	v14 =	vld [tilespmem:s12+$0xE050]  }
0x2e9: {  	v15 =	vld [tilespmem:s16+$0x50]  }
0x2ea: {  	v8 =	vmul.f32 v9, v8;
	v16 =	vld [tilespmem:s20+$0xDC10];
	v9 =	vmul.f32 v11, v10  }
0x2eb: {  	v10 =	vld [tilespmem:s16+$0xFFFFFFD0];
	v7 =	vmul.f32 v12, v7  }
0x2ec: {  	v11 =	vld [tilespmem:s16+$0xFFFFFED0];
	v8 =	vmax.f32 v8, v9;
	v6 =	vmul.f32 v13, v6  }
0x2ed: {  	v9 =	vld [tilespmem:s20+$0xD010];
	v7 =	vmax.f32 v8, v7;
	v3 =	vmul.f32 v14, v3  }
0x2ee: {  	v8 =	vld [tilespmem:s16+$0xFFFFFF50];
	v6 =	vmax.f32 v7, v6  }
0x2ef: {  	v7 =	vld [tilespmem:s20+$0xD410];
	v3 =	vmax.f32 v6, v3  }
0x2f0: {  	v6 =	vld [tilespmem:s20+$0xD810];
	[tilespmem:s11+$0x10] =	vst v3  }
0x2f1: {  	v3 =	vld [tilespmem:s18+$0x120]  }
0x2f2: {  	v12 =	vld [tilespmem:s18+$0xA0]  }
0x2f3: {  	v17 =	vld [tilespmem:s18+$0x20]  }
0x2f4: {  	v9 =	vmul.f32 v9, v11;
	v7 =	vmul.f32 v7, v8;
	v8 =	vld [tilespmem:s18+$0xFFFFFF20]  }
0x2f5: {  	v6 =	vmul.f32 v6, v10;
	v10 =	vld [tilespmem:s12+$0xD060]  }
0x2f6: {  	v7 =	vmax.f32 v9, v7;
	v9 =	vmul.f32 v16, v15;
	v11 =	vld [tilespmem:s18+$0xFFFFFFA0]  }
0x2f7: {  	v4 =	vmul.f32 v4, v5;
	v6 =	vmax.f32 v7, v6;
	v5 =	vld [tilespmem:s12+$0xD460]  }
0x2f8: {  	v6 =	vmax.f32 v6, v9;
	v7 =	vld [tilespmem:s12+$0xD860]  }
0x2f9: {  	v4 =	vmax.f32 v6, v4;
	v6 =	vld [tilespmem:s12+$0xDC60]  }
0x2fa: {  	[tilespmem:s15+$0xFFFFFFD0] =	vst v4;
	v4 =	vld [tilespmem:s12+$0xE060]  }
0x2fb: {  	v13 =	vld [tilespmem:s16+$0xE0]  }
0x2fc: {  	v8 =	vmul.f32 v10, v8;
	v14 =	vld [tilespmem:s16+$0x60];
	v5 =	vmul.f32 v5, v11  }
0x2fd: {  	v15 =	vld [tilespmem:s16+$0xFFFFFFE0];
	v7 =	vmul.f32 v7, v17  }
0x2fe: {  	v16 =	vld [tilespmem:s20+$0xD820];
	v5 =	vmax.f32 v8, v5;
	v6 =	vmul.f32 v6, v12  }
0x2ff: {  	v17 =	vld [tilespmem:s16+$0xFFFFFEE0];
	v5 =	vmax.f32 v5, v7;
	v3 =	vmul.f32 v4, v3  }
0x300: {  	v18 =	vld [tilespmem:s20+$0xD020];
	v4 =	vmax.f32 v5, v6  }
0x301: {  	v19 =	vld [tilespmem:s16+$0xFFFFFF60];
	v3 =	vmax.f32 v4, v3  }
0x302: {  	v20 =	vld [tilespmem:s20+$0xD420];
	[tilespmem:s11+$0x20] =	vst v3  }
0x303: {  	v3 =	vld [tilespmem:s18+$0x130]  }
0x304: {  	v4 =	vld [tilespmem:s18+$0xB0]  }
0x305: {  	v5 =	vld [tilespmem:s18+$0x30]  }
0x306: {  	v7 =	vld [tilespmem:s18+$0xFFFFFF30]  }
0x307: {  	v9 =	vld [tilespmem:s12+$0xD070]  }
.Ltmp4:
0x308: {  	v10 =	vld [tilespmem:s18+$0xFFFFFFB0];
	s18 =	smov.u32 s16;
	(pc) =	sbr.rel @p0 .LBB2_7-.Ltmp4, $4  }
0x309: {  	v12 =	vld [tilespmem:s12+$0xD470]  }
0x30a: {  	v11 =	vld [tilespmem:s12+$0xD870]  }
0x30b: {  	v8 =	vld [tilespmem:s12+$0xDC70]  }
0x30c: {  	s19 =	sadd.s32 $0x1, s19;
	v6 =	vld [tilespmem:s12+$0xE070];
	s12 =	smov.u32 s20  }
0x30d: {  	v21 =	vld [tilespmem:s12+$0xDC20]  }
0x30e: {  	v22 =	vld [tilespmem:s12+$0xE020];
	_ =	sdelay $0x1  }
0x30f: {  	v17 =	vmul.f32 v18, v17;
	v44 =	vmul.f32 v20, v19  }
0x310: {  	v15 =	vmul.f32 v16, v15  }
0x311: {  	v45 =	vmax.f32 v17, v44;
	v14 =	vmul.f32 v21, v14  }
0x312: {  	v15 =	vmax.f32 v45, v15;
	v13 =	vmul.f32 v22, v13  }
0x313: {  	v14 =	vmax.f32 v15, v14  }
0x314: {  	v13 =	vmax.f32 v14, v13  }
0x315: {  	[tilespmem:s15+$0xFFFFFFE0] =	vst v13  }
0x316: {  	v13 =	vld [tilespmem:s18+$0xF0]  }
0x317: {  	v46 =	vld [tilespmem:s18+$0x70]  }
0x318: {  	v47 =	vld [tilespmem:s18+$0xFFFFFFF0]  }
0x319: {  	v48 =	vld [tilespmem:s18+$0xFFFFFEF0]  }
0x31a: {  	v49 =	vld [tilespmem:s12+$0xD030]  }
0x31b: {  	v50 =	vld [tilespmem:s18+$0xFFFFFF70]  }
0x31c: {  	v51 =	vld [tilespmem:s12+$0xD430]  }
0x31d: {  	v52 =	vld [tilespmem:s12+$0xD830]  }
0x31e: {  	v53 =	vld [tilespmem:s12+$0xDC30]  }
0x31f: {  	v54 =	vld [tilespmem:s12+$0xE030];
	_ =	sdelay $0x1  }
0x320: {  	v16 =	vmul.f32 v49, v48;
	v55 =	vmul.f32 v51, v50  }
0x321: {  	v15 =	vmul.f32 v52, v47  }
0x322: {  	v14 =	vmul.f32 v53, v46;
	v16 =	vmax.f32 v16, v55  }
0x323: {  	v13 =	vmul.f32 v54, v13;
	v15 =	vmax.f32 v16, v15  }
0x324: {  	v14 =	vmax.f32 v15, v14  }
0x325: {  	v13 =	vmax.f32 v14, v13  }
0x326: {  	[tilespmem:s15+$0xFFFFFFF0] =	vst v13  }
0x327: {  	v13 =	vld [tilespmem:s18+$0x100]  }
0x328: {  	v56 =	vld [tilespmem:s18+$0x80]  }
0x329: {  	v57 =	vld [tilespmem:s18+$0x0]  }
0x32a: {  	v58 =	vld [tilespmem:s18+$0xFFFFFF00]  }
0x32b: {  	v59 =	vld [tilespmem:s12+$0xD040]  }
0x32c: {  	v60 =	vld [tilespmem:s18+$0xFFFFFF80]  }
0x32d: {  	v61 =	vld [tilespmem:s12+$0xD440]  }
0x32e: {  	v62 =	vld [tilespmem:s12+$0xD840]  }
0x32f: {  	v63 =	vld [tilespmem:s12+$0xDC40]  }
0x330: {  	v24 =	vld [tilespmem:s12+$0xE040];
	_ =	sdelay $0x1  }
0x331: {  	v16 =	vmul.f32 v59, v58;
	v25 =	vmul.f32 v61, v60  }
0x332: {  	v15 =	vmul.f32 v62, v57  }
0x333: {  	v14 =	vmul.f32 v63, v56;
	v16 =	vmax.f32 v16, v25  }
0x334: {  	v13 =	vmul.f32 v24, v13;
	v15 =	vmax.f32 v16, v15  }
0x335: {  	v14 =	vmax.f32 v15, v14  }
0x336: {  	v13 =	vmax.f32 v14, v13  }
0x337: {  	[tilespmem:s15+$0x0] =	vst v13  }
0x338: {  	v13 =	vld [tilespmem:s18+$0x110]  }
0x339: {  	v26 =	vld [tilespmem:s18+$0x90]  }
0x33a: {  	v27 =	vld [tilespmem:s18+$0x10]  }
0x33b: {  	v28 =	vld [tilespmem:s18+$0xFFFFFF10]  }
0x33c: {  	v29 =	vld [tilespmem:s12+$0xD050]  }
0x33d: {  	v30 =	vld [tilespmem:s18+$0xFFFFFF90]  }
0x33e: {  	v31 =	vld [tilespmem:s12+$0xD450]  }
0x33f: {  	v32 =	vld [tilespmem:s12+$0xD850]  }
0x340: {  	v33 =	vld [tilespmem:s12+$0xDC50]  }
0x341: {  	v34 =	vld [tilespmem:s12+$0xE050];
	_ =	sdelay $0x1  }
0x342: {  	v16 =	vmul.f32 v29, v28;
	v35 =	vmul.f32 v31, v30  }
0x343: {  	v15 =	vmul.f32 v32, v27  }
0x344: {  	v14 =	vmul.f32 v33, v26;
	v16 =	vmax.f32 v16, v35  }
0x345: {  	v13 =	vmul.f32 v34, v13;
	v15 =	vmax.f32 v16, v15  }
0x346: {  	v14 =	vmax.f32 v15, v14  }
0x347: {  	v13 =	vmax.f32 v14, v13  }
0x348: {  	[tilespmem:s15+$0x10] =	vst v13  }
0x349: {  	v13 =	vld [tilespmem:s18+$0x120]  }
0x34a: {  	v36 =	vld [tilespmem:s18+$0xA0]  }
0x34b: {  	v37 =	vld [tilespmem:s18+$0x20]  }
0x34c: {  	v38 =	vld [tilespmem:s18+$0xFFFFFF20]  }
0x34d: {  	v39 =	vld [tilespmem:s12+$0xD060]  }
0x34e: {  	v40 =	vld [tilespmem:s18+$0xFFFFFFA0]  }
0x34f: {  	v41 =	vld [tilespmem:s12+$0xD460]  }
0x350: {  	v42 =	vld [tilespmem:s12+$0xD860]  }
0x351: {  	v43 =	vld [tilespmem:s12+$0xDC60]  }
0x352: {  	v44 =	vld [tilespmem:s12+$0xE060];
	_ =	sdelay $0x1  }
0x353: {  	v16 =	vmul.f32 v39, v38;
	v45 =	vmul.f32 v41, v40  }
0x354: {  	v15 =	vmul.f32 v42, v37  }
0x355: {  	v14 =	vmul.f32 v43, v36;
	v16 =	vmax.f32 v16, v45  }
0x356: {  	v13 =	vmul.f32 v44, v13;
	v15 =	vmax.f32 v16, v15  }
0x357: {  	v14 =	vmax.f32 v15, v14  }
0x358: {  	v13 =	vmax.f32 v14, v13  }
0x359: {  	[tilespmem:s15+$0x20] =	vst v13  }
0x35a: {  	v13 =	vld [tilespmem:s18+$0x130]  }
0x35b: {  	v46 =	vld [tilespmem:s18+$0xB0]  }
0x35c: {  	v47 =	vld [tilespmem:s18+$0x30]  }
0x35d: {  	v48 =	vld [tilespmem:s18+$0xFFFFFF30]  }
0x35e: {  	v49 =	vld [tilespmem:s12+$0xD070]  }
0x35f: {  	v50 =	vld [tilespmem:s18+$0xFFFFFFB0]  }
0x360: {  	v51 =	vld [tilespmem:s12+$0xD470]  }
0x361: {  	v52 =	vld [tilespmem:s12+$0xD870]  }
0x362: {  	v53 =	vld [tilespmem:s12+$0xDC70]  }
0x363: {  	v7 =	vmul.f32 v9, v7;
	v5 =	vmul.f32 v11, v5;
	v55 =	vld [tilespmem:s12+$0xE070]  }
0x364: {  	v4 =	vmul.f32 v8, v4;
	v54 =	vmul.f32 v12, v10  }
0x365: {  	v56 =	vmul.f32 v49, v48;
	v57 =	vmul.f32 v51, v50  }
0x366: {  	v3 =	vmul.f32 v6, v3;
	v7 =	vmax.f32 v7, v54;
	v58 =	vmul.f32 v52, v47  }
0x367: {  	s8 =	smul.u32 $0x1800, s8;
	v5 =	vmax.f32 v7, v5;
	v60 =	vmul.f32 v53, v46;
	v59 =	vmax.f32 v56, v57  }
.Ltmp5:
0x368: {  	v4 =	vmax.f32 v5, v4;
	v62 =	vmul.f32 v55, v13;
	v61 =	vmax.f32 v59, v58;
	(pc) =	sbr.rel @p1 .LBB2_10-.Ltmp5, $4  }
0x369: {  	s8 =	sshrl.u32 s8, $0x3;
	v3 =	vmax.f32 v4, v3;
	v63 =	vmax.f32 v61, v60  }
0x36a: {  	s8 =	sadd.s32 s6, s8;
	[tilespmem:s11+$0x30] =	vst v3;
	v3 =	vmax.f32 v63, v62  }
0x36b: {  	s8 =	sadd.s32 $0x300, s8;
	[tilespmem:s15+$0x30] =	vst v3  }
0x36c: {  	[hbm4b:s8+s4] =	stream.linear.scatter [tilespmem:s13], [sflag:$0x4], $0x1700, $0x38;
	[tilespmem:$0x17800] =	vst v63  }
0x36d: {  	s8 =	sshll.u32 s7, $0x8  }
0x36e: {  	s12 =	simm.s32 $0xB400;
	s11 =	sadd.s32 $0x180, s8  }
0x36f: {  	[tilespmem:s12], [sflag:$0x2] =	stream.indirect.gather [hbm4b:s2+s14], $0x80, s11, s14, $0xb8;
	[tilespmem:$0x17800] =	vst v63  }
0x370: {  	v3 =	vld [tilespmem:s8+$0x1180];
	_ =	sdelay $0x4  }
0x371: {  	v4 =	vshrl.u32 v3, $0x3  }
0x372: {  	v4 =	vmul.u32 $0x28, v4  }
0x373: {  	v3 =	vand.u32 $0x7, v3  }
0x374: {  	v3 =	vor.u32 v3, v4  }
0x375: {  	v4 =	vperm.xlane v3, v0;
	_ =	sdelay $0x1  }
0x376: {  	v4 =	vadd.s32 v1, v4;
	_ =	sdelay $0x3  }
0x377: {  	s20 =	simm.s32 $0xD000;
	v3 =	vperm.xlane v3, v2  }
0x378: {  	[tilespmem:s20], [sflag:$0x2] =	stream.indirect_vreg.gather [hbm4b:s3+s4], $0x80, v4, vm0, $0xb8;
	[tilespmem:$0x17800] =	vst v63  }
0x379: {  	s21 =	simm.s32 $0xD800;
	v3 =	vadd.s32 v1, v3  }
0x37a: {  	[tilespmem:s21], [sflag:$0x2] =	stream.indirect_vreg.gather [hbm4b:s9+s4], $0x80, v4, vm0, $0xb8;
	[tilespmem:$0x17800] =	vst v63  }
0x37b: {  	s12 =	simm.s32 $0xE000  }
0x37c: {  	[tilespmem:s12], [sflag:$0x2] =	stream.indirect_vreg.gather [hbm4b:s10+s4], $0x80, v4, vm1, $0xb8;
	[tilespmem:$0x17800] =	vst v63  }
0x37d: {  	s15 =	simm.s32 $0xE400  }
0x37e: {  	[tilespmem:s15], [sflag:$0x2] =	stream.indirect_vreg.gather [hbm4b:s3+s4], $0x80, v3, vm0, $0xb8;
	[tilespmem:$0x17800] =	vst v63  }
0x37f: {  	s16 =	simm.s32 $0xEC00  }
0x380: {  	[tilespmem:s16], [sflag:$0x2] =	stream.indirect_vreg.gather [hbm4b:s9+s4], $0x80, v3, vm0, $0xb8;
	[tilespmem:$0x17800] =	vst v63  }
0x381: {  	s17 =	simm.s32 $0xF400  }
0x382: {  	[tilespmem:s17], [sflag:$0x2] =	stream.indirect_vreg.gather [hbm4b:s10+s4], $0x80, v3, vm1, $0xb8;
	[tilespmem:$0x17800] =	vst v63  }
0x383: {  	v3 =	vld [tilespmem:s8+$0x1190];
	_ =	sdelay $0x4  }
0x384: {  	v62 =	vshrl.u32 v3, $0x3  }
0x385: {  	v4 =	vmul.u32 $0x28, v62  }
0x386: {  	v3 =	vand.u32 $0x7, v3  }
0x387: {  	v3 =	vor.u32 v3, v4  }
0x388: {  	v4 =	vperm.xlane v3, v0;
	_ =	sdelay $0x1  }
0x389: {  	v4 =	vadd.s32 v1, v4;
	_ =	sdelay $0x3  }
0x38a: {  	s18 =	simm.s32 $0xF800;
	v3 =	vperm.xlane v3, v2  }
0x38b: {  	[tilespmem:s18], [sflag:$0x2] =	stream.indirect_vreg.gather [hbm4b:s3+s4], $0x80, v4, vm0, $0xb8;
	[tilespmem:$0x17800] =	vst v63  }
0x38c: {  	s19 =	simm.s32 $0x10000;
	v3 =	vadd.s32 v1, v3  }
0x38d: {  	[tilespmem:s19], [sflag:$0x2] =	stream.indirect_vreg.gather [hbm4b:s9+s4], $0x80, v4, vm0, $0xb8;
	[tilespmem:$0x17800] =	vst v63  }
0x38e: {  	s20 =	simm.s32 $0x10800  }
0x38f: {  	[tilespmem:s20], [sflag:$0x2] =	stream.indirect_vreg.gather [hbm4b:s10+s4], $0x80, v4, vm1, $0xb8;
	[tilespmem:$0x17800] =	vst v63  }
0x390: {  	s21 =	simm.s32 $0x10C00  }
0x391: {  	[tilespmem:s21], [sflag:$0x2] =	stream.indirect_vreg.gather [hbm4b:s3+s4], $0x80, v3, vm0, $0xb8;
	[tilespmem:$0x17800] =	vst v63  }
0x392: {  	_ = 	snop  }
0x393: {  	[tilespmem:s22], [sflag:$0x2] =	stream.indirect_vreg.gather [hbm4b:s9+s4], $0x80, v3, vm0, $0xb8;
	[tilespmem:$0x17800] =	vst v63  }
0x394: {  	_ = 	snop  }
0x395: {  	[tilespmem:s23], [sflag:$0x2] =	stream.indirect_vreg.gather [hbm4b:s10+s4], $0x80, v3, vm1, $0xb8;
	[tilespmem:$0x17800] =	vst v63  }
0x396: {  	v3 =	vld [tilespmem:s8+$0x11A0];
	_ =	sdelay $0x4  }
0x397: {  	v63 =	vshrl.u32 v3, $0x3  }
0x398: {  	v4 =	vmul.u32 $0x28, v63  }
0x399: {  	v3 =	vand.u32 $0x7, v3  }
0x39a: {  	v3 =	vor.u32 v3, v4  }
0x39b: {  	v4 =	vperm.xlane v3, v0;
	_ =	sdelay $0x1  }
0x39c: {  	v4 =	vadd.s32 v1, v4;
	_ =	sdelay $0x3  }
0x39d: {  	v3 =	vperm.xlane v3, v2  }
0x39e: {  	[tilespmem:s24], [sflag:$0x2] =	stream.indirect_vreg.gather [hbm4b:s3+s4], $0x80, v4, vm0, $0xb8;
	[tilespmem:$0x17800] =	vst v63  }
0x39f: {  	v3 =	vadd.s32 v1, v3  }
0x3a0: {  	[tilespmem:s25], [sflag:$0x2] =	stream.indirect_vreg.gather [hbm4b:s9+s4], $0x80, v4, vm0, $0xb8;
	[tilespmem:$0x17800] =	vst v63  }
0x3a1: {  	_ = 	snop  }
0x3a2: {  	[tilespmem:s26], [sflag:$0x2] =	stream.indirect_vreg.gather [hbm4b:s10+s4], $0x80, v4, vm1, $0xb8;
	[tilespmem:$0x17800] =	vst v63  }
0x3a3: {  	_ = 	snop  }
0x3a4: {  	[tilespmem:s28], [sflag:$0x2] =	stream.indirect_vreg.gather [hbm4b:s3+s4], $0x80, v3, vm0, $0xb8;
	[tilespmem:$0x17800] =	vst v63  }
.Ltmp6:
0x3a5: {  	_ = 	snop;
	(pc) =	sbr.rel .LBB2_2-.Ltmp6, $4  }
0x3a6: {  	_ = 	snop  }
0x3a7: {  	[tilespmem:s29], [sflag:$0x2] =	stream.indirect_vreg.gather [hbm4b:s9+s4], $0x80, v3, vm0, $0xb8;
	[tilespmem:$0x17800] =	vst v63  }
0x3a8: {  	s7 =	sadd.s32 $0x1, s7  }
0x3a9: {  	[tilespmem:s30], [sflag:$0x2] =	stream.indirect_vreg.gather [hbm4b:s10+s4], $0x80, v3, vm1, $0xb8;
	[tilespmem:$0x17800] =	vst v63  }
.LBB2_11:
0x3aa: {  	_ =	sfence.sel $0x180000  }
0x3ab: {  	[bflag:$0x0] =	sbarrier.arrive $0xFFFF  }
0x3ac: {  	_ =	strace $0x90000047  }
0x3ad: {  	s0 =	stileid.u32;
	[bflag:$0x2] =	sbarrier.arrive $0xFFFF  }
0x3ae: {  	p0 =	sne.s32 s0, $0x0;
	s0 =	rddreg [dreg:$0x4]  }
0x3af: {  	s0 =	sadd.s32 @!p0 $0x100000, s0  }
0x3b0: {  	[sflag:s0] =	ssyncadd.tile.s32 @!p0 $0x1;
	_ =	shalt  }
.Lfunc_end2:
_tile_overlayer_lowered:
.L_overlay_start_2:
0x3b1: {  	(tag) =	ssettag $0x2  }
0x3b2: {  	s0 =	rddreg [dreg:$0x0];
	s2 =	stileid.u32  }
0x3b3: {  	s1 =	rddreg [dreg:$0x1];
	p0 =	sne.s32 s2, $0x0  }
0x3b4: {  	s3 =	rddreg [dreg:$0x2];
	[bflag:$0x3] =	sbarrier.arrive $0xFFFF;
	s2 =	simm.s32 @!p0 $0x1C05  }
0x3b5: {  	[timem:s3], [sflag:s2] =	dma.local @!p0 [hbm:s0], s1  }
0x3b6: {  	s0 =	simm.s32 @!p0 $0x5  }
0x3b7: {  	_ =	swait.ge @!p0 [sflag:s0], s1  }
0x3b8: {  	s1 =	ssub.s32 @!p0 $0x0, s1;
	[sflag:s0] =	ssyncset.done @!p0 $0x0  }
0x3b9: {  	[sflag:s0] =	ssyncadd.s32 @!p0 s1  }
0x3ba: {  	[bflag:$0x3] =	sbarrier.arrive $0xFFFF  }
0x3bb: {  	_ =	shalt  }

</sc_bundles>
